<compile_context>
chip_gen: v7x
topology: tpu7x:2x2x1
jax: 0.10.2.dev20260603
libtpu: 0.0.44.dev20260713+nightly
codegen_flags: <defaults>
</compile_context>

<pallas_src>
import jax
import jax.numpy as jnp
from jax import lax
from jax.experimental import pallas as pl
from jax.experimental.pallas import tpu as pltpu
from jax.experimental.pallas import tpu_sc as plsc

B = 16384
D = 64
W = 20
NW = 32
BPW = B // NW
C = 32
NCHUNK = BPW // C
IDX_PER_CHUNK = C * W
SUB = 128
NSUB = IDX_PER_CHUNK // SUB
NVEC = D // 16


def _body(walk_hbm, neg_hbm, start_hbm, emb_hbm, outp_hbm, outn_hbm,
          widx, nidx, sidx, wrows, nrows, srows, outp_v, outn_v, sem):
    nc = 2
    wid = lax.axis_index("s") * nc + lax.axis_index("c")

    def chunk_body(c, _):
        base = wid * BPW + c * C
        ibase = base * W

        pltpu.sync_copy(walk_hbm.at[pl.ds(ibase, IDX_PER_CHUNK)], widx)
        pltpu.sync_copy(neg_hbm.at[pl.ds(ibase, IDX_PER_CHUNK)], nidx)
        pltpu.sync_copy(start_hbm.at[pl.ds(base, C)], sidx)

        copies = []
        for r in range(NSUB):
            sl = pl.ds(r * SUB, SUB)
            copies.append(pltpu.make_async_copy(
                emb_hbm.at[widx.at[sl]], wrows.at[sl], sem))
            copies.append(pltpu.make_async_copy(
                emb_hbm.at[nidx.at[sl]], nrows.at[sl], sem))
        copies.append(pltpu.make_async_copy(emb_hbm.at[sidx], srows, sem))
        for cp in copies:
            cp.start()
        for cp in copies:
            cp.wait()

        lanes = lax.iota(jnp.int32, 16)
        last_lane = lanes == 15

        def b_body(b, _):
            sv = [srows[b, pl.ds(k * 16, 16)] for k in range(NVEC)]
            rbase = b * W
            for j in range(W):
                r = rbase + j
                accw = sv[0] * wrows[r, pl.ds(0, 16)]
                accn = sv[0] * nrows[r, pl.ds(0, 16)]
                for k in range(1, NVEC):
                    accw = accw + sv[k] * wrows[r, pl.ds(k * 16, 16)]
                    accn = accn + sv[k] * nrows[r, pl.ds(k * 16, 16)]
                plsc.store_compressed(outp_v.at[pl.ds(r, 16)],
                                      plsc.cumsum(accw), mask=last_lane)
                plsc.store_compressed(outn_v.at[pl.ds(r, 16)],
                                      plsc.cumsum(accn), mask=last_lane)
            return 0

        lax.fori_loop(0, C, b_body, 0)

        for k in range(IDX_PER_CHUNK // 16):
            sl = pl.ds(k * 16, 16)
            outp_v[sl] = 1.0 / (1.0 + jnp.exp(-outp_v[sl]))
            outn_v[sl] = 1.0 / (1.0 + jnp.exp(outn_v[sl]))

        pltpu.sync_copy(outp_v.at[pl.ds(0, IDX_PER_CHUNK)],
                        outp_hbm.at[pl.ds(ibase, IDX_PER_CHUNK)])
        pltpu.sync_copy(outn_v.at[pl.ds(0, IDX_PER_CHUNK)],
                        outn_hbm.at[pl.ds(ibase, IDX_PER_CHUNK)])
        return 0

    lax.fori_loop(0, NCHUNK, chunk_body, 0)


@jax.jit
def _run(walk_flat, neg_flat, start_node, embeddings):
    mesh = plsc.VectorSubcoreMesh(core_axis_name="c", subcore_axis_name="s")
    f = pl.kernel(
        _body,
        mesh=mesh,
        compiler_params=pltpu.CompilerParams(
            needs_layout_passes=False, use_tc_tiling_on_sc=False),
        out_type=(
            jax.ShapeDtypeStruct((B * W,), jnp.float32),
            jax.ShapeDtypeStruct((B * W,), jnp.float32),
        ),
        scratch_types=[
            pltpu.VMEM((IDX_PER_CHUNK,), jnp.int32),
            pltpu.VMEM((IDX_PER_CHUNK,), jnp.int32),
            pltpu.VMEM((C,), jnp.int32),
            pltpu.VMEM((IDX_PER_CHUNK, D), jnp.float32),
            pltpu.VMEM((IDX_PER_CHUNK, D), jnp.float32),
            pltpu.VMEM((C, D), jnp.float32),
            pltpu.VMEM((IDX_PER_CHUNK + 16,), jnp.float32),
            pltpu.VMEM((IDX_PER_CHUNK + 16,), jnp.float32),
            pltpu.SemaphoreType.DMA,
        ],
    )
    return f(walk_flat, neg_flat, start_node, embeddings)


def kernel(start_node, walk, negative_samples, embeddings):
    walk_flat = walk.reshape(-1)
    neg_flat = negative_samples.reshape(-1)
    pos_flat, negp_flat = _run(walk_flat, neg_flat, start_node, embeddings)
    return (pos_flat.reshape(B, W), negp_flat.reshape(B, W))

# --- scband reference (transcript-rebuilt; emitter-appended) ---
"""Pipeline reference for scband-node2-vec-model-24180665877110 (READ-ONLY COPY).

The authoritative reference and input builder live on the scoring server;
editing this copy changes nothing except your own understanding.
"""

import jax, jax.numpy as jnp
import numpy as np

NUM_NODES = 1000000
EMBED_DIM = 64
BATCH = 16384
WALK_LEN = 20
NEG_LEN = 20


def setup_inputs(seed: int = 0) -> dict:
    key = jax.random.key(seed)
    k1, k2, k3, k4 = jax.random.split(key, 4)
    start_node = jax.random.randint(k1, (BATCH,), 0, NUM_NODES, dtype=jnp.int64 if jax.config.jax_enable_x64 else jnp.int32).astype(jnp.int32)
    walk = jax.random.randint(k2, (BATCH, WALK_LEN), 0, NUM_NODES).astype(jnp.int32)
    negative_samples = jax.random.randint(k3, (BATCH, NEG_LEN), 0, NUM_NODES).astype(jnp.int32)
    embeddings = jax.random.normal(k4, (NUM_NODES, EMBED_DIM), dtype=jnp.float32) * 0.02
    return {
        "start_node": start_node,
        "walk": walk,
        "negative_samples": negative_samples,
        "embeddings": embeddings,
    }


def reference(start_node, walk, negative_samples, embeddings):
    # Embedding lookups (gather)
    embedded_start = jnp.take(embeddings, start_node, axis=0)[:, None, :]  # [B, 1, D]
    embedded_walk = jnp.take(embeddings, walk, axis=0)                      # [B, W, D]
    embedded_neg = jnp.take(embeddings, negative_samples, axis=0)           # [B, N, D]
    positive_scores = jnp.sum(embedded_start * embedded_walk, axis=-1)      # [B, W]
    negative_scores = jnp.sum(embedded_start * embedded_neg, axis=-1)       # [B, N]
    positive_probs = jax.nn.sigmoid(positive_scores)
    negative_probs = jax.nn.sigmoid(-negative_scores)
    return (positive_probs, negative_probs)

if __name__ == "__main__":
    import jax
    _d = setup_inputs()
    print(jax.jit(kernel)(*tuple(_d.values())))

</pallas_src>

<mosaic_0001>
#map = affine_map<(d0, d1) -> (0)>
#map1 = affine_map<(d0, d1) -> (0, 0)>
module attributes {stable_mosaic.version = 14 : i64} {
  func.func @_body(%arg0: i32, %arg1: i32, %arg2: memref<327680xi32, #tpu.memory_space<hbm>>, %arg3: memref<327680xi32, #tpu.memory_space<hbm>>, %arg4: memref<16384xi32, #tpu.memory_space<hbm>>, %arg5: memref<1000000x64xf32, #tpu.memory_space<hbm>>, %arg6: memref<327680xf32, #tpu.memory_space<hbm>>, %arg7: memref<327680xf32, #tpu.memory_space<hbm>>, %arg8: memref<640xi32, #tpu.memory_space<vmem>>, %arg9: memref<640xi32, #tpu.memory_space<vmem>>, %arg10: memref<32xi32, #tpu.memory_space<vmem>>, %arg11: memref<640x64xf32, #tpu.memory_space<vmem>>, %arg12: memref<640x64xf32, #tpu.memory_space<vmem>>, %arg13: memref<32x64xf32, #tpu.memory_space<vmem>>, %arg14: memref<656xf32, #tpu.memory_space<vmem>>, %arg15: memref<656xf32, #tpu.memory_space<vmem>>, %arg16: memref<!tpu.dma_semaphore, #tpu.memory_space<semaphore_mem>>) attributes {dimension_semantics = [#tpu.dimension_semantics<core_parallel>, #tpu.dimension_semantics<subcore_parallel>], iteration_bounds = array<i64: 2, 16>, scalar_prefetch = 0 : i64, scratch_operands = 9 : i64, tpu.core_type = #tpu.core_type<sc_vector_subcore>, window_params = [{transform_indices = #map}, {transform_indices = #map}, {transform_indices = #map}, {transform_indices = #map1}, {transform_indices = #map}, {transform_indices = #map}]} {
    %mul3A = arith.constant 2 : i32
    %mul3A_0 = arith.muli %arg1, %mul3A : i32
    %add3A = arith.addi %mul3A_0, %arg0 : i32
    %scan3A = arith.constant 0 : i32
    %scan3A_1 = arith.constant 0 : i32
    %scan3A_2 = arith.constant 16 : i32
    %scan3A_3 = arith.addi %scan3A_1, %scan3A_2 : i32
    %scan3A_4 = arith.constant 1 : i32
    %scan3A_5 = scf.for %scan3A_7 = %scan3A_1 to %scan3A_3 step %scan3A_4 iter_args(%scan3A_8 = %scan3A) -> (i32)  : i32 {
      %mul3A_9 = arith.constant 512 : i32
      %mul3A_10 = arith.muli %add3A, %mul3A_9 : i32
      %mul3A_11 = arith.constant 32 : i32
      %mul3A_12 = arith.muli %scan3A_7, %mul3A_11 : i32
      %add3A_13 = arith.addi %mul3A_10, %mul3A_12 : i32
      %mul3A_14 = arith.constant 20 : i32
      %mul3A_15 = arith.muli %add3A_13, %mul3A_14 : i32
      "tpu.region"() ({
        %run_scoped3A = tpu.sem_alloc : memref<!tpu.dma_semaphore, #tpu.memory_space<semaphore_mem>>
        %dma_start3A_1185 = tpu.memref_slice %arg2[%mul3A_15] : memref<327680xi32, #tpu.memory_space<hbm>> -> memref<640xi32, #tpu.memory_space<hbm>>
        %dma_start3A_1186 = tpu.memref_slice %arg2[%mul3A_15] : memref<327680xi32, #tpu.memory_space<hbm>> -> memref<640xi32, #tpu.memory_space<hbm>>
        tpu.enqueue_dma source(%dma_start3A_1186 : memref<640xi32, #tpu.memory_space<hbm>>) target(%arg8 : memref<640xi32, #tpu.memory_space<vmem>>) target_semaphore(%run_scoped3A : memref<!tpu.dma_semaphore, #tpu.memory_space<semaphore_mem>>)
        %dma_wait3A_1187 = tpu.memref_slice %arg2[%mul3A_15] : memref<327680xi32, #tpu.memory_space<hbm>> -> memref<640xi32, #tpu.memory_space<hbm>>
        %dma_wait3A_1188 = tpu.memref_slice %arg2[%mul3A_15] : memref<327680xi32, #tpu.memory_space<hbm>> -> memref<640xi32, #tpu.memory_space<hbm>>
        tpu.wait_dma2 semaphore(%run_scoped3A : memref<!tpu.dma_semaphore, #tpu.memory_space<semaphore_mem>>) src(%dma_wait3A_1188 : memref<640xi32, #tpu.memory_space<hbm>>) dst(%arg8 : memref<640xi32, #tpu.memory_space<vmem>>)
        tpu.yield
      }) : () -> ()
      "tpu.region"() ({
        %run_scoped3A = tpu.sem_alloc : memref<!tpu.dma_semaphore, #tpu.memory_space<semaphore_mem>>
        %dma_start3A_1185 = tpu.memref_slice %arg3[%mul3A_15] : memref<327680xi32, #tpu.memory_space<hbm>> -> memref<640xi32, #tpu.memory_space<hbm>>
        %dma_start3A_1186 = tpu.memref_slice %arg3[%mul3A_15] : memref<327680xi32, #tpu.memory_space<hbm>> -> memref<640xi32, #tpu.memory_space<hbm>>
        tpu.enqueue_dma source(%dma_start3A_1186 : memref<640xi32, #tpu.memory_space<hbm>>) target(%arg9 : memref<640xi32, #tpu.memory_space<vmem>>) target_semaphore(%run_scoped3A : memref<!tpu.dma_semaphore, #tpu.memory_space<semaphore_mem>>)
        %dma_wait3A_1187 = tpu.memref_slice %arg3[%mul3A_15] : memref<327680xi32, #tpu.memory_space<hbm>> -> memref<640xi32, #tpu.memory_space<hbm>>
        %dma_wait3A_1188 = tpu.memref_slice %arg3[%mul3A_15] : memref<327680xi32, #tpu.memory_space<hbm>> -> memref<640xi32, #tpu.memory_space<hbm>>
        tpu.wait_dma2 semaphore(%run_scoped3A : memref<!tpu.dma_semaphore, #tpu.memory_space<semaphore_mem>>) src(%dma_wait3A_1188 : memref<640xi32, #tpu.memory_space<hbm>>) dst(%arg9 : memref<640xi32, #tpu.memory_space<vmem>>)
        tpu.yield
      }) : () -> ()
      "tpu.region"() ({
        %run_scoped3A = tpu.sem_alloc : memref<!tpu.dma_semaphore, #tpu.memory_space<semaphore_mem>>
        %dma_start3A_1185 = tpu.memref_slice %arg4[%add3A_13] : memref<16384xi32, #tpu.memory_space<hbm>> -> memref<32xi32, #tpu.memory_space<hbm>>
        %dma_start3A_1186 = tpu.memref_slice %arg4[%add3A_13] : memref<16384xi32, #tpu.memory_space<hbm>> -> memref<32xi32, #tpu.memory_space<hbm>>
        tpu.enqueue_dma source(%dma_start3A_1186 : memref<32xi32, #tpu.memory_space<hbm>>) target(%arg10 : memref<32xi32, #tpu.memory_space<vmem>>) target_semaphore(%run_scoped3A : memref<!tpu.dma_semaphore, #tpu.memory_space<semaphore_mem>>)
        %dma_wait3A_1187 = tpu.memref_slice %arg4[%add3A_13] : memref<16384xi32, #tpu.memory_space<hbm>> -> memref<32xi32, #tpu.memory_space<hbm>>
        %dma_wait3A_1188 = tpu.memref_slice %arg4[%add3A_13] : memref<16384xi32, #tpu.memory_space<hbm>> -> memref<32xi32, #tpu.memory_space<hbm>>
        tpu.wait_dma2 semaphore(%run_scoped3A : memref<!tpu.dma_semaphore, #tpu.memory_space<semaphore_mem>>) src(%dma_wait3A_1188 : memref<32xi32, #tpu.memory_space<hbm>>) dst(%arg10 : memref<32xi32, #tpu.memory_space<vmem>>)
        tpu.yield
      }) : () -> ()
      %dma_start3A = arith.constant 0 : i32
      %dma_start3A_16 = arith.constant 0 : i32
      %dma_start3A_17 = tpu.memref_slice %arg11[%dma_start3A, %dma_start3A_16] : memref<640x64xf32, #tpu.memory_space<vmem>> -> memref<128x64xf32, #tpu.memory_space<vmem>>
      %dma_start3A_18 = arith.constant 0 : i32
      %dma_start3A_19 = tpu.memref_slice %arg8[%dma_start3A_18] : memref<640xi32, #tpu.memory_space<vmem>> -> memref<128xi32, #tpu.memory_space<vmem>>
      %dma_start3A_20 = arith.constant 0 : i32
      %dma_start3A_21 = arith.constant 0 : i32
      %dma_start3A_22 = tpu.memref_slice %arg5[%dma_start3A_20, %dma_start3A_21] : memref<1000000x64xf32, #tpu.memory_space<hbm>> -> memref<1000000x64xf32, #tpu.memory_space<hbm>>
      tpu.enqueue_indirect_dma source(%dma_start3A_22 : memref<1000000x64xf32, #tpu.memory_space<hbm>>) target(%dma_start3A_17 : memref<128x64xf32, #tpu.memory_space<vmem>>) offsets(%dma_start3A_19 : memref<128xi32, #tpu.memory_space<vmem>>) semaphore(%arg16 : memref<!tpu.dma_semaphore, #tpu.memory_space<semaphore_mem>>)
      %dma_start3A_23 = arith.constant 0 : i32
      %dma_start3A_24 = arith.constant 0 : i32
      %dma_start3A_25 = tpu.memref_slice %arg12[%dma_start3A_23, %dma_start3A_24] : memref<640x64xf32, #tpu.memory_space<vmem>> -> memref<128x64xf32, #tpu.memory_space<vmem>>
      %dma_start3A_26 = arith.constant 0 : i32
      %dma_start3A_27 = tpu.memref_slice %arg9[%dma_start3A_26] : memref<640xi32, #tpu.memory_space<vmem>> -> memref<128xi32, #tpu.memory_space<vmem>>
      %dma_start3A_28 = arith.constant 0 : i32
      %dma_start3A_29 = arith.constant 0 : i32
      %dma_start3A_30 = tpu.memref_slice %arg5[%dma_start3A_28, %dma_start3A_29] : memref<1000000x64xf32, #tpu.memory_space<hbm>> -> memref<1000000x64xf32, #tpu.memory_space<hbm>>
      tpu.enqueue_indirect_dma source(%dma_start3A_30 : memref<1000000x64xf32, #tpu.memory_space<hbm>>) target(%dma_start3A_25 : memref<128x64xf32, #tpu.memory_space<vmem>>) offsets(%dma_start3A_27 : memref<128xi32, #tpu.memory_space<vmem>>) semaphore(%arg16 : memref<!tpu.dma_semaphore, #tpu.memory_space<semaphore_mem>>)
      %dma_start3A_31 = arith.constant 128 : i32
      %dma_start3A_32 = arith.constant 0 : i32
      %dma_start3A_33 = tpu.memref_slice %arg11[%dma_start3A_31, %dma_start3A_32] : memref<640x64xf32, #tpu.memory_space<vmem>> -> memref<128x64xf32, #tpu.memory_space<vmem>>
      %dma_start3A_34 = arith.constant 128 : i32
      %dma_start3A_35 = tpu.memref_slice %arg8[%dma_start3A_34] : memref<640xi32, #tpu.memory_space<vmem>> -> memref<128xi32, #tpu.memory_space<vmem>>
      %dma_start3A_36 = arith.constant 0 : i32
      %dma_start3A_37 = arith.constant 0 : i32
      %dma_start3A_38 = tpu.memref_slice %arg5[%dma_start3A_36, %dma_start3A_37] : memref<1000000x64xf32, #tpu.memory_space<hbm>> -> memref<1000000x64xf32, #tpu.memory_space<hbm>>
      tpu.enqueue_indirect_dma source(%dma_start3A_38 : memref<1000000x64xf32, #tpu.memory_space<hbm>>) target(%dma_start3A_33 : memref<128x64xf32, #tpu.memory_space<vmem>>) offsets(%dma_start3A_35 : memref<128xi32, #tpu.memory_space<vmem>>) semaphore(%arg16 : memref<!tpu.dma_semaphore, #tpu.memory_space<semaphore_mem>>)
      %dma_start3A_39 = arith.constant 128 : i32
      %dma_start3A_40 = arith.constant 0 : i32
      %dma_start3A_41 = tpu.memref_slice %arg12[%dma_start3A_39, %dma_start3A_40] : memref<640x64xf32, #tpu.memory_space<vmem>> -> memref<128x64xf32, #tpu.memory_space<vmem>>
      %dma_start3A_42 = arith.constant 128 : i32
      %dma_start3A_43 = tpu.memref_slice %arg9[%dma_start3A_42] : memref<640xi32, #tpu.memory_space<vmem>> -> memref<128xi32, #tpu.memory_space<vmem>>
      %dma_start3A_44 = arith.constant 0 : i32
      %dma_start3A_45 = arith.constant 0 : i32
      %dma_start3A_46 = tpu.memref_slice %arg5[%dma_start3A_44, %dma_start3A_45] : memref<1000000x64xf32, #tpu.memory_space<hbm>> -> memref<1000000x64xf32, #tpu.memory_space<hbm>>
      tpu.enqueue_indirect_dma source(%dma_start3A_46 : memref<1000000x64xf32, #tpu.memory_space<hbm>>) target(%dma_start3A_41 : memref<128x64xf32, #tpu.memory_space<vmem>>) offsets(%dma_start3A_43 : memref<128xi32, #tpu.memory_space<vmem>>) semaphore(%arg16 : memref<!tpu.dma_semaphore, #tpu.memory_space<semaphore_mem>>)
      %dma_start3A_47 = arith.constant 256 : i32
      %dma_start3A_48 = arith.constant 0 : i32
      %dma_start3A_49 = tpu.memref_slice %arg11[%dma_start3A_47, %dma_start3A_48] : memref<640x64xf32, #tpu.memory_space<vmem>> -> memref<128x64xf32, #tpu.memory_space<vmem>>
      %dma_start3A_50 = arith.constant 256 : i32
      %dma_start3A_51 = tpu.memref_slice %arg8[%dma_start3A_50] : memref<640xi32, #tpu.memory_space<vmem>> -> memref<128xi32, #tpu.memory_space<vmem>>
      %dma_start3A_52 = arith.constant 0 : i32
      %dma_start3A_53 = arith.constant 0 : i32
      %dma_start3A_54 = tpu.memref_slice %arg5[%dma_start3A_52, %dma_start3A_53] : memref<1000000x64xf32, #tpu.memory_space<hbm>> -> memref<1000000x64xf32, #tpu.memory_space<hbm>>
      tpu.enqueue_indirect_dma source(%dma_start3A_54 : memref<1000000x64xf32, #tpu.memory_space<hbm>>) target(%dma_start3A_49 : memref<128x64xf32, #tpu.memory_space<vmem>>) offsets(%dma_start3A_51 : memref<128xi32, #tpu.memory_space<vmem>>) semaphore(%arg16 : memref<!tpu.dma_semaphore, #tpu.memory_space<semaphore_mem>>)
      %dma_start3A_55 = arith.constant 256 : i32
      %dma_start3A_56 = arith.constant 0 : i32
      %dma_start3A_57 = tpu.memref_slice %arg12[%dma_start3A_55, %dma_start3A_56] : memref<640x64xf32, #tpu.memory_space<vmem>> -> memref<128x64xf32, #tpu.memory_space<vmem>>
      %dma_start3A_58 = arith.constant 256 : i32
      %dma_start3A_59 = tpu.memref_slice %arg9[%dma_start3A_58] : memref<640xi32, #tpu.memory_space<vmem>> -> memref<128xi32, #tpu.memory_space<vmem>>
      %dma_start3A_60 = arith.constant 0 : i32
      %dma_start3A_61 = arith.constant 0 : i32
      %dma_start3A_62 = tpu.memref_slice %arg5[%dma_start3A_60, %dma_start3A_61] : memref<1000000x64xf32, #tpu.memory_space<hbm>> -> memref<1000000x64xf32, #tpu.memory_space<hbm>>
      tpu.enqueue_indirect_dma source(%dma_start3A_62 : memref<1000000x64xf32, #tpu.memory_space<hbm>>) target(%dma_start3A_57 : memref<128x64xf32, #tpu.memory_space<vmem>>) offsets(%dma_start3A_59 : memref<128xi32, #tpu.memory_space<vmem>>) semaphore(%arg16 : memref<!tpu.dma_semaphore, #tpu.memory_space<semaphore_mem>>)
      %dma_start3A_63 = arith.constant 384 : i32
      %dma_start3A_64 = arith.constant 0 : i32
      %dma_start3A_65 = tpu.memref_slice %arg11[%dma_start3A_63, %dma_start3A_64] : memref<640x64xf32, #tpu.memory_space<vmem>> -> memref<128x64xf32, #tpu.memory_space<vmem>>
      %dma_start3A_66 = arith.constant 384 : i32
      %dma_start3A_67 = tpu.memref_slice %arg8[%dma_start3A_66] : memref<640xi32, #tpu.memory_space<vmem>> -> memref<128xi32, #tpu.memory_space<vmem>>
      %dma_start3A_68 = arith.constant 0 : i32
      %dma_start3A_69 = arith.constant 0 : i32
      %dma_start3A_70 = tpu.memref_slice %arg5[%dma_start3A_68, %dma_start3A_69] : memref<1000000x64xf32, #tpu.memory_space<hbm>> -> memref<1000000x64xf32, #tpu.memory_space<hbm>>
      tpu.enqueue_indirect_dma source(%dma_start3A_70 : memref<1000000x64xf32, #tpu.memory_space<hbm>>) target(%dma_start3A_65 : memref<128x64xf32, #tpu.memory_space<vmem>>) offsets(%dma_start3A_67 : memref<128xi32, #tpu.memory_space<vmem>>) semaphore(%arg16 : memref<!tpu.dma_semaphore, #tpu.memory_space<semaphore_mem>>)
      %dma_start3A_71 = arith.constant 384 : i32
      %dma_start3A_72 = arith.constant 0 : i32
      %dma_start3A_73 = tpu.memref_slice %arg12[%dma_start3A_71, %dma_start3A_72] : memref<640x64xf32, #tpu.memory_space<vmem>> -> memref<128x64xf32, #tpu.memory_space<vmem>>
      %dma_start3A_74 = arith.constant 384 : i32
      %dma_start3A_75 = tpu.memref_slice %arg9[%dma_start3A_74] : memref<640xi32, #tpu.memory_space<vmem>> -> memref<128xi32, #tpu.memory_space<vmem>>
      %dma_start3A_76 = arith.constant 0 : i32
      %dma_start3A_77 = arith.constant 0 : i32
      %dma_start3A_78 = tpu.memref_slice %arg5[%dma_start3A_76, %dma_start3A_77] : memref<1000000x64xf32, #tpu.memory_space<hbm>> -> memref<1000000x64xf32, #tpu.memory_space<hbm>>
      tpu.enqueue_indirect_dma source(%dma_start3A_78 : memref<1000000x64xf32, #tpu.memory_space<hbm>>) target(%dma_start3A_73 : memref<128x64xf32, #tpu.memory_space<vmem>>) offsets(%dma_start3A_75 : memref<128xi32, #tpu.memory_space<vmem>>) semaphore(%arg16 : memref<!tpu.dma_semaphore, #tpu.memory_space<semaphore_mem>>)
      %dma_start3A_79 = arith.constant 512 : i32
      %dma_start3A_80 = arith.constant 0 : i32
      %dma_start3A_81 = tpu.memref_slice %arg11[%dma_start3A_79, %dma_start3A_80] : memref<640x64xf32, #tpu.memory_space<vmem>> -> memref<128x64xf32, #tpu.memory_space<vmem>>
      %dma_start3A_82 = arith.constant 512 : i32
      %dma_start3A_83 = tpu.memref_slice %arg8[%dma_start3A_82] : memref<640xi32, #tpu.memory_space<vmem>> -> memref<128xi32, #tpu.memory_space<vmem>>
      %dma_start3A_84 = arith.constant 0 : i32
      %dma_start3A_85 = arith.constant 0 : i32
      %dma_start3A_86 = tpu.memref_slice %arg5[%dma_start3A_84, %dma_start3A_85] : memref<1000000x64xf32, #tpu.memory_space<hbm>> -> memref<1000000x64xf32, #tpu.memory_space<hbm>>
      tpu.enqueue_indirect_dma source(%dma_start3A_86 : memref<1000000x64xf32, #tpu.memory_space<hbm>>) target(%dma_start3A_81 : memref<128x64xf32, #tpu.memory_space<vmem>>) offsets(%dma_start3A_83 : memref<128xi32, #tpu.memory_space<vmem>>) semaphore(%arg16 : memref<!tpu.dma_semaphore, #tpu.memory_space<semaphore_mem>>)
      %dma_start3A_87 = arith.constant 512 : i32
      %dma_start3A_88 = arith.constant 0 : i32
      %dma_start3A_89 = tpu.memref_slice %arg12[%dma_start3A_87, %dma_start3A_88] : memref<640x64xf32, #tpu.memory_space<vmem>> -> memref<128x64xf32, #tpu.memory_space<vmem>>
      %dma_start3A_90 = arith.constant 512 : i32
      %dma_start3A_91 = tpu.memref_slice %arg9[%dma_start3A_90] : memref<640xi32, #tpu.memory_space<vmem>> -> memref<128xi32, #tpu.memory_space<vmem>>
      %dma_start3A_92 = arith.constant 0 : i32
      %dma_start3A_93 = arith.constant 0 : i32
      %dma_start3A_94 = tpu.memref_slice %arg5[%dma_start3A_92, %dma_start3A_93] : memref<1000000x64xf32, #tpu.memory_space<hbm>> -> memref<1000000x64xf32, #tpu.memory_space<hbm>>
      tpu.enqueue_indirect_dma source(%dma_start3A_94 : memref<1000000x64xf32, #tpu.memory_space<hbm>>) target(%dma_start3A_89 : memref<128x64xf32, #tpu.memory_space<vmem>>) offsets(%dma_start3A_91 : memref<128xi32, #tpu.memory_space<vmem>>) semaphore(%arg16 : memref<!tpu.dma_semaphore, #tpu.memory_space<semaphore_mem>>)
      %dma_start3A_95 = arith.constant 0 : i32
      %dma_start3A_96 = arith.constant 0 : i32
      %dma_start3A_97 = tpu.memref_slice %arg5[%dma_start3A_95, %dma_start3A_96] : memref<1000000x64xf32, #tpu.memory_space<hbm>> -> memref<1000000x64xf32, #tpu.memory_space<hbm>>
      tpu.enqueue_indirect_dma source(%dma_start3A_97 : memref<1000000x64xf32, #tpu.memory_space<hbm>>) target(%arg13 : memref<32x64xf32, #tpu.memory_space<vmem>>) offsets(%arg10 : memref<32xi32, #tpu.memory_space<vmem>>) semaphore(%arg16 : memref<!tpu.dma_semaphore, #tpu.memory_space<semaphore_mem>>)
      %dma_wait3A = arith.constant 0 : i32
      %dma_wait3A_98 = arith.constant 0 : i32
      %dma_wait3A_99 = tpu.memref_slice %arg11[%dma_wait3A, %dma_wait3A_98] : memref<640x64xf32, #tpu.memory_space<vmem>> -> memref<128x64xf32, #tpu.memory_space<vmem>>
      %dma_wait3A_100 = arith.constant 0 : i32
      %dma_wait3A_101 = tpu.memref_slice %arg8[%dma_wait3A_100] : memref<640xi32, #tpu.memory_space<vmem>> -> memref<128xi32, #tpu.memory_space<vmem>>
      %dma_wait3A_102 = arith.constant 0 : i32
      %dma_wait3A_103 = arith.constant 0 : i32
      %dma_wait3A_104 = tpu.memref_slice %arg5[%dma_wait3A_102, %dma_wait3A_103] : memref<1000000x64xf32, #tpu.memory_space<hbm>> -> memref<1000000x64xf32, #tpu.memory_space<hbm>>
      tpu.wait_indirect_dma semaphore(%arg16 : memref<!tpu.dma_semaphore, #tpu.memory_space<semaphore_mem>>) src(%dma_wait3A_104 : memref<1000000x64xf32, #tpu.memory_space<hbm>>) dst(%dma_wait3A_99 : memref<128x64xf32, #tpu.memory_space<vmem>>)
      %dma_wait3A_105 = arith.constant 0 : i32
      %dma_wait3A_106 = arith.constant 0 : i32
      %dma_wait3A_107 = tpu.memref_slice %arg12[%dma_wait3A_105, %dma_wait3A_106] : memref<640x64xf32, #tpu.memory_space<vmem>> -> memref<128x64xf32, #tpu.memory_space<vmem>>
      %dma_wait3A_108 = arith.constant 0 : i32
      %dma_wait3A_109 = tpu.memref_slice %arg9[%dma_wait3A_108] : memref<640xi32, #tpu.memory_space<vmem>> -> memref<128xi32, #tpu.memory_space<vmem>>
      %dma_wait3A_110 = arith.constant 0 : i32
      %dma_wait3A_111 = arith.constant 0 : i32
      %dma_wait3A_112 = tpu.memref_slice %arg5[%dma_wait3A_110, %dma_wait3A_111] : memref<1000000x64xf32, #tpu.memory_space<hbm>> -> memref<1000000x64xf32, #tpu.memory_space<hbm>>
      tpu.wait_indirect_dma semaphore(%arg16 : memref<!tpu.dma_semaphore, #tpu.memory_space<semaphore_mem>>) src(%dma_wait3A_112 : memref<1000000x64xf32, #tpu.memory_space<hbm>>) dst(%dma_wait3A_107 : memref<128x64xf32, #tpu.memory_space<vmem>>)
      %dma_wait3A_113 = arith.constant 128 : i32
      %dma_wait3A_114 = arith.constant 0 : i32
      %dma_wait3A_115 = tpu.memref_slice %arg11[%dma_wait3A_113, %dma_wait3A_114] : memref<640x64xf32, #tpu.memory_space<vmem>> -> memref<128x64xf32, #tpu.memory_space<vmem>>
      %dma_wait3A_116 = arith.constant 128 : i32
      %dma_wait3A_117 = tpu.memref_slice %arg8[%dma_wait3A_116] : memref<640xi32, #tpu.memory_space<vmem>> -> memref<128xi32, #tpu.memory_space<vmem>>
      %dma_wait3A_118 = arith.constant 0 : i32
      %dma_wait3A_119 = arith.constant 0 : i32
      %dma_wait3A_120 = tpu.memref_slice %arg5[%dma_wait3A_118, %dma_wait3A_119] : memref<1000000x64xf32, #tpu.memory_space<hbm>> -> memref<1000000x64xf32, #tpu.memory_space<hbm>>
      tpu.wait_indirect_dma semaphore(%arg16 : memref<!tpu.dma_semaphore, #tpu.memory_space<semaphore_mem>>) src(%dma_wait3A_120 : memref<1000000x64xf32, #tpu.memory_space<hbm>>) dst(%dma_wait3A_115 : memref<128x64xf32, #tpu.memory_space<vmem>>)
      %dma_wait3A_121 = arith.constant 128 : i32
      %dma_wait3A_122 = arith.constant 0 : i32
      %dma_wait3A_123 = tpu.memref_slice %arg12[%dma_wait3A_121, %dma_wait3A_122] : memref<640x64xf32, #tpu.memory_space<vmem>> -> memref<128x64xf32, #tpu.memory_space<vmem>>
      %dma_wait3A_124 = arith.constant 128 : i32
      %dma_wait3A_125 = tpu.memref_slice %arg9[%dma_wait3A_124] : memref<640xi32, #tpu.memory_space<vmem>> -> memref<128xi32, #tpu.memory_space<vmem>>
      %dma_wait3A_126 = arith.constant 0 : i32
      %dma_wait3A_127 = arith.constant 0 : i32
      %dma_wait3A_128 = tpu.memref_slice %arg5[%dma_wait3A_126, %dma_wait3A_127] : memref<1000000x64xf32, #tpu.memory_space<hbm>> -> memref<1000000x64xf32, #tpu.memory_space<hbm>>
      tpu.wait_indirect_dma semaphore(%arg16 : memref<!tpu.dma_semaphore, #tpu.memory_space<semaphore_mem>>) src(%dma_wait3A_128 : memref<1000000x64xf32, #tpu.memory_space<hbm>>) dst(%dma_wait3A_123 : memref<128x64xf32, #tpu.memory_space<vmem>>)
      %dma_wait3A_129 = arith.constant 256 : i32
      %dma_wait3A_130 = arith.constant 0 : i32
      %dma_wait3A_131 = tpu.memref_slice %arg11[%dma_wait3A_129, %dma_wait3A_130] : memref<640x64xf32, #tpu.memory_space<vmem>> -> memref<128x64xf32, #tpu.memory_space<vmem>>
      %dma_wait3A_132 = arith.constant 256 : i32
      %dma_wait3A_133 = tpu.memref_slice %arg8[%dma_wait3A_132] : memref<640xi32, #tpu.memory_space<vmem>> -> memref<128xi32, #tpu.memory_space<vmem>>
      %dma_wait3A_134 = arith.constant 0 : i32
      %dma_wait3A_135 = arith.constant 0 : i32
      %dma_wait3A_136 = tpu.memref_slice %arg5[%dma_wait3A_134, %dma_wait3A_135] : memref<1000000x64xf32, #tpu.memory_space<hbm>> -> memref<1000000x64xf32, #tpu.memory_space<hbm>>
      tpu.wait_indirect_dma semaphore(%arg16 : memref<!tpu.dma_semaphore, #tpu.memory_space<semaphore_mem>>) src(%dma_wait3A_136 : memref<1000000x64xf32, #tpu.memory_space<hbm>>) dst(%dma_wait3A_131 : memref<128x64xf32, #tpu.memory_space<vmem>>)
      %dma_wait3A_137 = arith.constant 256 : i32
      %dma_wait3A_138 = arith.constant 0 : i32
      %dma_wait3A_139 = tpu.memref_slice %arg12[%dma_wait3A_137, %dma_wait3A_138] : memref<640x64xf32, #tpu.memory_space<vmem>> -> memref<128x64xf32, #tpu.memory_space<vmem>>
      %dma_wait3A_140 = arith.constant 256 : i32
      %dma_wait3A_141 = tpu.memref_slice %arg9[%dma_wait3A_140] : memref<640xi32, #tpu.memory_space<vmem>> -> memref<128xi32, #tpu.memory_space<vmem>>
      %dma_wait3A_142 = arith.constant 0 : i32
      %dma_wait3A_143 = arith.constant 0 : i32
      %dma_wait3A_144 = tpu.memref_slice %arg5[%dma_wait3A_142, %dma_wait3A_143] : memref<1000000x64xf32, #tpu.memory_space<hbm>> -> memref<1000000x64xf32, #tpu.memory_space<hbm>>
      tpu.wait_indirect_dma semaphore(%arg16 : memref<!tpu.dma_semaphore, #tpu.memory_space<semaphore_mem>>) src(%dma_wait3A_144 : memref<1000000x64xf32, #tpu.memory_space<hbm>>) dst(%dma_wait3A_139 : memref<128x64xf32, #tpu.memory_space<vmem>>)
      %dma_wait3A_145 = arith.constant 384 : i32
      %dma_wait3A_146 = arith.constant 0 : i32
      %dma_wait3A_147 = tpu.memref_slice %arg11[%dma_wait3A_145, %dma_wait3A_146] : memref<640x64xf32, #tpu.memory_space<vmem>> -> memref<128x64xf32, #tpu.memory_space<vmem>>
      %dma_wait3A_148 = arith.constant 384 : i32
      %dma_wait3A_149 = tpu.memref_slice %arg8[%dma_wait3A_148] : memref<640xi32, #tpu.memory_space<vmem>> -> memref<128xi32, #tpu.memory_space<vmem>>
      %dma_wait3A_150 = arith.constant 0 : i32
      %dma_wait3A_151 = arith.constant 0 : i32
      %dma_wait3A_152 = tpu.memref_slice %arg5[%dma_wait3A_150, %dma_wait3A_151] : memref<1000000x64xf32, #tpu.memory_space<hbm>> -> memref<1000000x64xf32, #tpu.memory_space<hbm>>
      tpu.wait_indirect_dma semaphore(%arg16 : memref<!tpu.dma_semaphore, #tpu.memory_space<semaphore_mem>>) src(%dma_wait3A_152 : memref<1000000x64xf32, #tpu.memory_space<hbm>>) dst(%dma_wait3A_147 : memref<128x64xf32, #tpu.memory_space<vmem>>)
      %dma_wait3A_153 = arith.constant 384 : i32
      %dma_wait3A_154 = arith.constant 0 : i32
      %dma_wait3A_155 = tpu.memref_slice %arg12[%dma_wait3A_153, %dma_wait3A_154] : memref<640x64xf32, #tpu.memory_space<vmem>> -> memref<128x64xf32, #tpu.memory_space<vmem>>
      %dma_wait3A_156 = arith.constant 384 : i32
      %dma_wait3A_157 = tpu.memref_slice %arg9[%dma_wait3A_156] : memref<640xi32, #tpu.memory_space<vmem>> -> memref<128xi32, #tpu.memory_space<vmem>>
      %dma_wait3A_158 = arith.constant 0 : i32
      %dma_wait3A_159 = arith.constant 0 : i32
      %dma_wait3A_160 = tpu.memref_slice %arg5[%dma_wait3A_158, %dma_wait3A_159] : memref<1000000x64xf32, #tpu.memory_space<hbm>> -> memref<1000000x64xf32, #tpu.memory_space<hbm>>
      tpu.wait_indirect_dma semaphore(%arg16 : memref<!tpu.dma_semaphore, #tpu.memory_space<semaphore_mem>>) src(%dma_wait3A_160 : memref<1000000x64xf32, #tpu.memory_space<hbm>>) dst(%dma_wait3A_155 : memref<128x64xf32, #tpu.memory_space<vmem>>)
      %dma_wait3A_161 = arith.constant 512 : i32
      %dma_wait3A_162 = arith.constant 0 : i32
      %dma_wait3A_163 = tpu.memref_slice %arg11[%dma_wait3A_161, %dma_wait3A_162] : memref<640x64xf32, #tpu.memory_space<vmem>> -> memref<128x64xf32, #tpu.memory_space<vmem>>
      %dma_wait3A_164 = arith.constant 512 : i32
      %dma_wait3A_165 = tpu.memref_slice %arg8[%dma_wait3A_164] : memref<640xi32, #tpu.memory_space<vmem>> -> memref<128xi32, #tpu.memory_space<vmem>>
      %dma_wait3A_166 = arith.constant 0 : i32
      %dma_wait3A_167 = arith.constant 0 : i32
      %dma_wait3A_168 = tpu.memref_slice %arg5[%dma_wait3A_166, %dma_wait3A_167] : memref<1000000x64xf32, #tpu.memory_space<hbm>> -> memref<1000000x64xf32, #tpu.memory_space<hbm>>
      tpu.wait_indirect_dma semaphore(%arg16 : memref<!tpu.dma_semaphore, #tpu.memory_space<semaphore_mem>>) src(%dma_wait3A_168 : memref<1000000x64xf32, #tpu.memory_space<hbm>>) dst(%dma_wait3A_163 : memref<128x64xf32, #tpu.memory_space<vmem>>)
      %dma_wait3A_169 = arith.constant 512 : i32
      %dma_wait3A_170 = arith.constant 0 : i32
      %dma_wait3A_171 = tpu.memref_slice %arg12[%dma_wait3A_169, %dma_wait3A_170] : memref<640x64xf32, #tpu.memory_space<vmem>> -> memref<128x64xf32, #tpu.memory_space<vmem>>
      %dma_wait3A_172 = arith.constant 512 : i32
      %dma_wait3A_173 = tpu.memref_slice %arg9[%dma_wait3A_172] : memref<640xi32, #tpu.memory_space<vmem>> -> memref<128xi32, #tpu.memory_space<vmem>>
      %dma_wait3A_174 = arith.constant 0 : i32
      %dma_wait3A_175 = arith.constant 0 : i32
      %dma_wait3A_176 = tpu.memref_slice %arg5[%dma_wait3A_174, %dma_wait3A_175] : memref<1000000x64xf32, #tpu.memory_space<hbm>> -> memref<1000000x64xf32, #tpu.memory_space<hbm>>
      tpu.wait_indirect_dma semaphore(%arg16 : memref<!tpu.dma_semaphore, #tpu.memory_space<semaphore_mem>>) src(%dma_wait3A_176 : memref<1000000x64xf32, #tpu.memory_space<hbm>>) dst(%dma_wait3A_171 : memref<128x64xf32, #tpu.memory_space<vmem>>)
      %dma_wait3A_177 = arith.constant 0 : i32
      %dma_wait3A_178 = arith.constant 0 : i32
      %dma_wait3A_179 = tpu.memref_slice %arg5[%dma_wait3A_177, %dma_wait3A_178] : memref<1000000x64xf32, #tpu.memory_space<hbm>> -> memref<1000000x64xf32, #tpu.memory_space<hbm>>
      tpu.wait_indirect_dma semaphore(%arg16 : memref<!tpu.dma_semaphore, #tpu.memory_space<semaphore_mem>>) src(%dma_wait3A_179 : memref<1000000x64xf32, #tpu.memory_space<hbm>>) dst(%arg13 : memref<32x64xf32, #tpu.memory_space<vmem>>)
      %iota3A = tpu.iota {dimensions = array<i32: 0>} : vector<16xi32>
      %eq3A = arith.constant 15 : i32
      %eq3A_180 = vector.broadcast %eq3A : i32 to vector<16xi32>
      %eq3A_181 = arith.cmpi eq, %iota3A, %eq3A_180 : vector<16xi32>
      %scan3A_182 = arith.constant 0 : i32
      %scan3A_183 = arith.constant 0 : i32
      %scan3A_184 = arith.constant 32 : i32
      %scan3A_185 = arith.addi %scan3A_183, %scan3A_184 : i32
      %scan3A_186 = arith.constant 1 : i32
      %scan3A_187 = scf.for %scan3A_1185 = %scan3A_183 to %scan3A_185 step %scan3A_186 iter_args(%scan3A_1186 = %scan3A_182) -> (i32)  : i32 {
        %get3A_1187 = arith.index_cast %scan3A_1185 : i32 to index
        %get3A_1188 = arith.constant 0 : index
        %get3A_1189 = tpu.vector_load %arg13[%get3A_1187, %get3A_1188] {strides = array<i32>} : memref<32x64xf32, #tpu.memory_space<vmem>>, vector<16xf32>,
        %get3A_1190 = arith.index_cast %scan3A_1185 : i32 to index
        %get3A_1191 = arith.constant 16 : index
        %get3A_1192 = tpu.vector_load %arg13[%get3A_1190, %get3A_1191] {strides = array<i32>} : memref<32x64xf32, #tpu.memory_space<vmem>>, vector<16xf32>,
        %get3A_1193 = arith.index_cast %scan3A_1185 : i32 to index
        %get3A_1194 = arith.constant 32 : index
        %get3A_1195 = tpu.vector_load %arg13[%get3A_1193, %get3A_1194] {strides = array<i32>} : memref<32x64xf32, #tpu.memory_space<vmem>>, vector<16xf32>,
        %get3A_1196 = arith.index_cast %scan3A_1185 : i32 to index
        %get3A_1197 = arith.constant 48 : index
        %get3A_1198 = tpu.vector_load %arg13[%get3A_1196, %get3A_1197] {strides = array<i32>} : memref<32x64xf32, #tpu.memory_space<vmem>>, vector<16xf32>,
        %mul3A_1199 = arith.constant 20 : i32
        %mul3A_1200 = arith.muli %scan3A_1185, %mul3A_1199 : i32
        %add3A_1201 = arith.constant 0 : i32
        %add3A_1202 = arith.addi %mul3A_1200, %add3A_1201 : i32
        %get3A_1203 = arith.index_cast %add3A_1202 : i32 to index
        %get3A_1204 = arith.constant 0 : index
        %get3A_1205 = tpu.vector_load %arg11[%get3A_1203, %get3A_1204] {strides = array<i32>} : memref<640x64xf32, #tpu.memory_space<vmem>>, vector<16xf32>,
        %mul3A_1206 = arith.mulf %get3A_1189, %get3A_1205 : vector<16xf32>
        %get3A_1207 = arith.index_cast %add3A_1202 : i32 to index
        %get3A_1208 = arith.constant 0 : index
        %get3A_1209 = tpu.vector_load %arg12[%get3A_1207, %get3A_1208] {strides = array<i32>} : memref<640x64xf32, #tpu.memory_space<vmem>>, vector<16xf32>,
        %mul3A_1210 = arith.mulf %get3A_1189, %get3A_1209 : vector<16xf32>
        %get3A_1211 = arith.index_cast %add3A_1202 : i32 to index
        %get3A_1212 = arith.constant 16 : index
        %get3A_1213 = tpu.vector_load %arg11[%get3A_1211, %get3A_1212] {strides = array<i32>} : memref<640x64xf32, #tpu.memory_space<vmem>>, vector<16xf32>,
        %mul3A_1214 = arith.mulf %get3A_1192, %get3A_1213 : vector<16xf32>
        %add3A_1215 = arith.addf %mul3A_1206, %mul3A_1214 : vector<16xf32>
        %get3A_1216 = arith.index_cast %add3A_1202 : i32 to index
        %get3A_1217 = arith.constant 16 : index
        %get3A_1218 = tpu.vector_load %arg12[%get3A_1216, %get3A_1217] {strides = array<i32>} : memref<640x64xf32, #tpu.memory_space<vmem>>, vector<16xf32>,
        %mul3A_1219 = arith.mulf %get3A_1192, %get3A_1218 : vector<16xf32>
        %add3A_1220 = arith.addf %mul3A_1210, %mul3A_1219 : vector<16xf32>
        %get3A_1221 = arith.index_cast %add3A_1202 : i32 to index
        %get3A_1222 = arith.constant 32 : index
        %get3A_1223 = tpu.vector_load %arg11[%get3A_1221, %get3A_1222] {strides = array<i32>} : memref<640x64xf32, #tpu.memory_space<vmem>>, vector<16xf32>,
        %mul3A_1224 = arith.mulf %get3A_1195, %get3A_1223 : vector<16xf32>
        %add3A_1225 = arith.addf %add3A_1215, %mul3A_1224 : vector<16xf32>
        %get3A_1226 = arith.index_cast %add3A_1202 : i32 to index
        %get3A_1227 = arith.constant 32 : index
        %get3A_1228 = tpu.vector_load %arg12[%get3A_1226, %get3A_1227] {strides = array<i32>} : memref<640x64xf32, #tpu.memory_space<vmem>>, vector<16xf32>,
        %mul3A_1229 = arith.mulf %get3A_1195, %get3A_1228 : vector<16xf32>
        %add3A_1230 = arith.addf %add3A_1220, %mul3A_1229 : vector<16xf32>
        %get3A_1231 = arith.index_cast %add3A_1202 : i32 to index
        %get3A_1232 = arith.constant 48 : index
        %get3A_1233 = tpu.vector_load %arg11[%get3A_1231, %get3A_1232] {strides = array<i32>} : memref<640x64xf32, #tpu.memory_space<vmem>>, vector<16xf32>,
        %mul3A_1234 = arith.mulf %get3A_1198, %get3A_1233 : vector<16xf32>
        %add3A_1235 = arith.addf %add3A_1225, %mul3A_1234 : vector<16xf32>
        %get3A_1236 = arith.index_cast %add3A_1202 : i32 to index
        %get3A_1237 = arith.constant 48 : index
        %get3A_1238 = tpu.vector_load %arg12[%get3A_1236, %get3A_1237] {strides = array<i32>} : memref<640x64xf32, #tpu.memory_space<vmem>>, vector<16xf32>,
        %mul3A_1239 = arith.mulf %get3A_1198, %get3A_1238 : vector<16xf32>
        %add3A_1240 = arith.addf %add3A_1230, %mul3A_1239 : vector<16xf32>
        %broadcast_in_dim3A = arith.constant true
        %broadcast_in_dim3A_1241 = vector.broadcast %broadcast_in_dim3A : i1 to vector<16xi1>
        %masked_cumsum3A = tpu.scan <sum>, %add3A_1235 masked %broadcast_in_dim3A_1241 : vector<16xf32>, vector<16xi1> -> vector<16xf32>
        %swap3A_1242 = arith.index_cast %add3A_1202 : i32 to index
        %swap3A_1243 = tpu.vector_load %arg14[%swap3A_1242] masked %eq3A_181 {strides = array<i32>} : memref<656xf32, #tpu.memory_space<vmem>>, vector<16xf32>, vector<16xi1>
        tpu.vector_store %arg14[%swap3A_1242], %masked_cumsum3A masked %eq3A_181 {strides = array<i32>} : memref<656xf32, #tpu.memory_space<vmem>>, vector<16xf32>, vector<16xi1>
        %broadcast_in_dim3A_1244 = arith.constant true
        %broadcast_in_dim3A_1245 = vector.broadcast %broadcast_in_dim3A_1244 : i1 to vector<16xi1>
        %masked_cumsum3A_1246 = tpu.scan <sum>, %add3A_1240 masked %broadcast_in_dim3A_1245 : vector<16xf32>, vector<16xi1> -> vector<16xf32>
        %swap3A_1247 = arith.index_cast %add3A_1202 : i32 to index
        %swap3A_1248 = tpu.vector_load %arg15[%swap3A_1247] masked %eq3A_181 {strides = array<i32>} : memref<656xf32, #tpu.memory_space<vmem>>, vector<16xf32>, vector<16xi1>
        tpu.vector_store %arg15[%swap3A_1247], %masked_cumsum3A_1246 masked %eq3A_181 {strides = array<i32>} : memref<656xf32, #tpu.memory_space<vmem>>, vector<16xf32>, vector<16xi1>
        %add3A_1249 = arith.constant 1 : i32
        %add3A_1250 = arith.addi %mul3A_1200, %add3A_1249 : i32
        %get3A_1251 = arith.index_cast %add3A_1250 : i32 to index
        %get3A_1252 = arith.constant 0 : index
        %get3A_1253 = tpu.vector_load %arg11[%get3A_1251, %get3A_1252] {strides = array<i32>} : memref<640x64xf32, #tpu.memory_space<vmem>>, vector<16xf32>,
        %mul3A_1254 = arith.mulf %get3A_1189, %get3A_1253 : vector<16xf32>
        %get3A_1255 = arith.index_cast %add3A_1250 : i32 to index
        %get3A_1256 = arith.constant 0 : index
        %get3A_1257 = tpu.vector_load %arg12[%get3A_1255, %get3A_1256] {strides = array<i32>} : memref<640x64xf32, #tpu.memory_space<vmem>>, vector<16xf32>,
        %mul3A_1258 = arith.mulf %get3A_1189, %get3A_1257 : vector<16xf32>
        %get3A_1259 = arith.index_cast %add3A_1250 : i32 to index
        %get3A_1260 = arith.constant 16 : index
        %get3A_1261 = tpu.vector_load %arg11[%get3A_1259, %get3A_1260] {strides = array<i32>} : memref<640x64xf32, #tpu.memory_space<vmem>>, vector<16xf32>,
        %mul3A_1262 = arith.mulf %get3A_1192, %get3A_1261 : vector<16xf32>
        %add3A_1263 = arith.addf %mul3A_1254, %mul3A_1262 : vector<16xf32>
        %get3A_1264 = arith.index_cast %add3A_1250 : i32 to index
        %get3A_1265 = arith.constant 16 : index
        %get3A_1266 = tpu.vector_load %arg12[%get3A_1264, %get3A_1265] {strides = array<i32>} : memref<640x64xf32, #tpu.memory_space<vmem>>, vector<16xf32>,
        %mul3A_1267 = arith.mulf %get3A_1192, %get3A_1266 : vector<16xf32>
        %add3A_1268 = arith.addf %mul3A_1258, %mul3A_1267 : vector<16xf32>
        %get3A_1269 = arith.index_cast %add3A_1250 : i32 to index
        %get3A_1270 = arith.constant 32 : index
        %get3A_1271 = tpu.vector_load %arg11[%get3A_1269, %get3A_1270] {strides = array<i32>} : memref<640x64xf32, #tpu.memory_space<vmem>>, vector<16xf32>,
        %mul3A_1272 = arith.mulf %get3A_1195, %get3A_1271 : vector<16xf32>
        %add3A_1273 = arith.addf %add3A_1263, %mul3A_1272 : vector<16xf32>
        %get3A_1274 = arith.index_cast %add3A_1250 : i32 to index
        %get3A_1275 = arith.constant 32 : index
        %get3A_1276 = tpu.vector_load %arg12[%get3A_1274, %get3A_1275] {strides = array<i32>} : memref<640x64xf32, #tpu.memory_space<vmem>>, vector<16xf32>,
        %mul3A_1277 = arith.mulf %get3A_1195, %get3A_1276 : vector<16xf32>
        %add3A_1278 = arith.addf %add3A_1268, %mul3A_1277 : vector<16xf32>
        %get3A_1279 = arith.index_cast %add3A_1250 : i32 to index
        %get3A_1280 = arith.constant 48 : index
        %get3A_1281 = tpu.vector_load %arg11[%get3A_1279, %get3A_1280] {strides = array<i32>} : memref<640x64xf32, #tpu.memory_space<vmem>>, vector<16xf32>,
        %mul3A_1282 = arith.mulf %get3A_1198, %get3A_1281 : vector<16xf32>
        %add3A_1283 = arith.addf %add3A_1273, %mul3A_1282 : vector<16xf32>
        %get3A_1284 = arith.index_cast %add3A_1250 : i32 to index
        %get3A_1285 = arith.constant 48 : index
        %get3A_1286 = tpu.vector_load %arg12[%get3A_1284, %get3A_1285] {strides = array<i32>} : memref<640x64xf32, #tpu.memory_space<vmem>>, vector<16xf32>,
        %mul3A_1287 = arith.mulf %get3A_1198, %get3A_1286 : vector<16xf32>
        %add3A_1288 = arith.addf %add3A_1278, %mul3A_1287 : vector<16xf32>
        %broadcast_in_dim3A_1289 = arith.constant true
        %broadcast_in_dim3A_1290 = vector.broadcast %broadcast_in_dim3A_1289 : i1 to vector<16xi1>
        %masked_cumsum3A_1291 = tpu.scan <sum>, %add3A_1283 masked %broadcast_in_dim3A_1290 : vector<16xf32>, vector<16xi1> -> vector<16xf32>
        %swap3A_1292 = arith.index_cast %add3A_1250 : i32 to index
        %swap3A_1293 = tpu.vector_load %arg14[%swap3A_1292] masked %eq3A_181 {strides = array<i32>} : memref<656xf32, #tpu.memory_space<vmem>>, vector<16xf32>, vector<16xi1>
        tpu.vector_store %arg14[%swap3A_1292], %masked_cumsum3A_1291 masked %eq3A_181 {strides = array<i32>} : memref<656xf32, #tpu.memory_space<vmem>>, vector<16xf32>, vector<16xi1>
        %broadcast_in_dim3A_1294 = arith.constant true
        %broadcast_in_dim3A_1295 = vector.broadcast %broadcast_in_dim3A_1294 : i1 to vector<16xi1>
        %masked_cumsum3A_1296 = tpu.scan <sum>, %add3A_1288 masked %broadcast_in_dim3A_1295 : vector<16xf32>, vector<16xi1> -> vector<16xf32>
        %swap3A_1297 = arith.index_cast %add3A_1250 : i32 to index
        %swap3A_1298 = tpu.vector_load %arg15[%swap3A_1297] masked %eq3A_181 {strides = array<i32>} : memref<656xf32, #tpu.memory_space<vmem>>, vector<16xf32>, vector<16xi1>
        tpu.vector_store %arg15[%swap3A_1297], %masked_cumsum3A_1296 masked %eq3A_181 {strides = array<i32>} : memref<656xf32, #tpu.memory_space<vmem>>, vector<16xf32>, vector<16xi1>
        %add3A_1299 = arith.constant 2 : i32
        %add3A_1300 = arith.addi %mul3A_1200, %add3A_1299 : i32
        %get3A_1301 = arith.index_cast %add3A_1300 : i32 to index
        %get3A_1302 = arith.constant 0 : index
        %get3A_1303 = tpu.vector_load %arg11[%get3A_1301, %get3A_1302] {strides = array<i32>} : memref<640x64xf32, #tpu.memory_space<vmem>>, vector<16xf32>,
        %mul3A_1304 = arith.mulf %get3A_1189, %get3A_1303 : vector<16xf32>
        %get3A_1305 = arith.index_cast %add3A_1300 : i32 to index
        %get3A_1306 = arith.constant 0 : index
        %get3A_1307 = tpu.vector_load %arg12[%get3A_1305, %get3A_1306] {strides = array<i32>} : memref<640x64xf32, #tpu.memory_space<vmem>>, vector<16xf32>,
        %mul3A_1308 = arith.mulf %get3A_1189, %get3A_1307 : vector<16xf32>
        %get3A_1309 = arith.index_cast %add3A_1300 : i32 to index
        %get3A_1310 = arith.constant 16 : index
        %get3A_1311 = tpu.vector_load %arg11[%get3A_1309, %get3A_1310] {strides = array<i32>} : memref<640x64xf32, #tpu.memory_space<vmem>>, vector<16xf32>,
        %mul3A_1312 = arith.mulf %get3A_1192, %get3A_1311 : vector<16xf32>
        %add3A_1313 = arith.addf %mul3A_1304, %mul3A_1312 : vector<16xf32>
        %get3A_1314 = arith.index_cast %add3A_1300 : i32 to index
        %get3A_1315 = arith.constant 16 : index
        %get3A_1316 = tpu.vector_load %arg12[%get3A_1314, %get3A_1315] {strides = array<i32>} : memref<640x64xf32, #tpu.memory_space<vmem>>, vector<16xf32>,
        %mul3A_1317 = arith.mulf %get3A_1192, %get3A_1316 : vector<16xf32>
        %add3A_1318 = arith.addf %mul3A_1308, %mul3A_1317 : vector<16xf32>
        %get3A_1319 = arith.index_cast %add3A_1300 : i32 to index
        %get3A_1320 = arith.constant 32 : index
        %get3A_1321 = tpu.vector_load %arg11[%get3A_1319, %get3A_1320] {strides = array<i32>} : memref<640x64xf32, #tpu.memory_space<vmem>>, vector<16xf32>,
        %mul3A_1322 = arith.mulf %get3A_1195, %get3A_1321 : vector<16xf32>
        %add3A_1323 = arith.addf %add3A_1313, %mul3A_1322 : vector<16xf32>
        %get3A_1324 = arith.index_cast %add3A_1300 : i32 to index
        %get3A_1325 = arith.constant 32 : index
        %get3A_1326 = tpu.vector_load %arg12[%get3A_1324, %get3A_1325] {strides = array<i32>} : memref<640x64xf32, #tpu.memory_space<vmem>>, vector<16xf32>,
        %mul3A_1327 = arith.mulf %get3A_1195, %get3A_1326 : vector<16xf32>
        %add3A_1328 = arith.addf %add3A_1318, %mul3A_1327 : vector<16xf32>
        %get3A_1329 = arith.index_cast %add3A_1300 : i32 to index
        %get3A_1330 = arith.constant 48 : index
        %get3A_1331 = tpu.vector_load %arg11[%get3A_1329, %get3A_1330] {strides = array<i32>} : memref<640x64xf32, #tpu.memory_space<vmem>>, vector<16xf32>,
        %mul3A_1332 = arith.mulf %get3A_1198, %get3A_1331 : vector<16xf32>
        %add3A_1333 = arith.addf %add3A_1323, %mul3A_1332 : vector<16xf32>
        %get3A_1334 = arith.index_cast %add3A_1300 : i32 to index
        %get3A_1335 = arith.constant 48 : index
        %get3A_1336 = tpu.vector_load %arg12[%get3A_1334, %get3A_1335] {strides = array<i32>} : memref<640x64xf32, #tpu.memory_space<vmem>>, vector<16xf32>,
        %mul3A_1337 = arith.mulf %get3A_1198, %get3A_1336 : vector<16xf32>
        %add3A_1338 = arith.addf %add3A_1328, %mul3A_1337 : vector<16xf32>
        %broadcast_in_dim3A_1339 = arith.constant true
        %broadcast_in_dim3A_1340 = vector.broadcast %broadcast_in_dim3A_1339 : i1 to vector<16xi1>
        %masked_cumsum3A_1341 = tpu.scan <sum>, %add3A_1333 masked %broadcast_in_dim3A_1340 : vector<16xf32>, vector<16xi1> -> vector<16xf32>
        %swap3A_1342 = arith.index_cast %add3A_1300 : i32 to index
        %swap3A_1343 = tpu.vector_load %arg14[%swap3A_1342] masked %eq3A_181 {strides = array<i32>} : memref<656xf32, #tpu.memory_space<vmem>>, vector<16xf32>, vector<16xi1>
        tpu.vector_store %arg14[%swap3A_1342], %masked_cumsum3A_1341 masked %eq3A_181 {strides = array<i32>} : memref<656xf32, #tpu.memory_space<vmem>>, vector<16xf32>, vector<16xi1>
        %broadcast_in_dim3A_1344 = arith.constant true
        %broadcast_in_dim3A_1345 = vector.broadcast %broadcast_in_dim3A_1344 : i1 to vector<16xi1>
        %masked_cumsum3A_1346 = tpu.scan <sum>, %add3A_1338 masked %broadcast_in_dim3A_1345 : vector<16xf32>, vector<16xi1> -> vector<16xf32>
        %swap3A_1347 = arith.index_cast %add3A_1300 : i32 to index
        %swap3A_1348 = tpu.vector_load %arg15[%swap3A_1347] masked %eq3A_181 {strides = array<i32>} : memref<656xf32, #tpu.memory_space<vmem>>, vector<16xf32>, vector<16xi1>
        tpu.vector_store %arg15[%swap3A_1347], %masked_cumsum3A_1346 masked %eq3A_181 {strides = array<i32>} : memref<656xf32, #tpu.memory_space<vmem>>, vector<16xf32>, vector<16xi1>
        %add3A_1349 = arith.constant 3 : i32
        %add3A_1350 = arith.addi %mul3A_1200, %add3A_1349 : i32
        %get3A_1351 = arith.index_cast %add3A_1350 : i32 to index
        %get3A_1352 = arith.constant 0 : index
        %get3A_1353 = tpu.vector_load %arg11[%get3A_1351, %get3A_1352] {strides = array<i32>} : memref<640x64xf32, #tpu.memory_space<vmem>>, vector<16xf32>,
        %mul3A_1354 = arith.mulf %get3A_1189, %get3A_1353 : vector<16xf32>
        %get3A_1355 = arith.index_cast %add3A_1350 : i32 to index
        %get3A_1356 = arith.constant 0 : index
        %get3A_1357 = tpu.vector_load %arg12[%get3A_1355, %get3A_1356] {strides = array<i32>} : memref<640x64xf32, #tpu.memory_space<vmem>>, vector<16xf32>,
        %mul3A_1358 = arith.mulf %get3A_1189, %get3A_1357 : vector<16xf32>
        %get3A_1359 = arith.index_cast %add3A_1350 : i32 to index
        %get3A_1360 = arith.constant 16 : index
        %get3A_1361 = tpu.vector_load %arg11[%get3A_1359, %get3A_1360] {strides = array<i32>} : memref<640x64xf32, #tpu.memory_space<vmem>>, vector<16xf32>,
        %mul3A_1362 = arith.mulf %get3A_1192, %get3A_1361 : vector<16xf32>
        %add3A_1363 = arith.addf %mul3A_1354, %mul3A_1362 : vector<16xf32>
        %get3A_1364 = arith.index_cast %add3A_1350 : i32 to index
        %get3A_1365 = arith.constant 16 : index
        %get3A_1366 = tpu.vector_load %arg12[%get3A_1364, %get3A_1365] {strides = array<i32>} : memref<640x64xf32, #tpu.memory_space<vmem>>, vector<16xf32>,
        %mul3A_1367 = arith.mulf %get3A_1192, %get3A_1366 : vector<16xf32>
        %add3A_1368 = arith.addf %mul3A_1358, %mul3A_1367 : vector<16xf32>
        %get3A_1369 = arith.index_cast %add3A_1350 : i32 to index
        %get3A_1370 = arith.constant 32 : index
        %get3A_1371 = tpu.vector_load %arg11[%get3A_1369, %get3A_1370] {strides = array<i32>} : memref<640x64xf32, #tpu.memory_space<vmem>>, vector<16xf32>,
        %mul3A_1372 = arith.mulf %get3A_1195, %get3A_1371 : vector<16xf32>
        %add3A_1373 = arith.addf %add3A_1363, %mul3A_1372 : vector<16xf32>
        %get3A_1374 = arith.index_cast %add3A_1350 : i32 to index
        %get3A_1375 = arith.constant 32 : index
        %get3A_1376 = tpu.vector_load %arg12[%get3A_1374, %get3A_1375] {strides = array<i32>} : memref<640x64xf32, #tpu.memory_space<vmem>>, vector<16xf32>,
        %mul3A_1377 = arith.mulf %get3A_1195, %get3A_1376 : vector<16xf32>
        %add3A_1378 = arith.addf %add3A_1368, %mul3A_1377 : vector<16xf32>
        %get3A_1379 = arith.index_cast %add3A_1350 : i32 to index
        %get3A_1380 = arith.constant 48 : index
        %get3A_1381 = tpu.vector_load %arg11[%get3A_1379, %get3A_1380] {strides = array<i32>} : memref<640x64xf32, #tpu.memory_space<vmem>>, vector<16xf32>,
        %mul3A_1382 = arith.mulf %get3A_1198, %get3A_1381 : vector<16xf32>
        %add3A_1383 = arith.addf %add3A_1373, %mul3A_1382 : vector<16xf32>
        %get3A_1384 = arith.index_cast %add3A_1350 : i32 to index
        %get3A_1385 = arith.constant 48 : index
        %get3A_1386 = tpu.vector_load %arg12[%get3A_1384, %get3A_1385] {strides = array<i32>} : memref<640x64xf32, #tpu.memory_space<vmem>>, vector<16xf32>,
        %mul3A_1387 = arith.mulf %get3A_1198, %get3A_1386 : vector<16xf32>
        %add3A_1388 = arith.addf %add3A_1378, %mul3A_1387 : vector<16xf32>
        %broadcast_in_dim3A_1389 = arith.constant true
        %broadcast_in_dim3A_1390 = vector.broadcast %broadcast_in_dim3A_1389 : i1 to vector<16xi1>
        %masked_cumsum3A_1391 = tpu.scan <sum>, %add3A_1383 masked %broadcast_in_dim3A_1390 : vector<16xf32>, vector<16xi1> -> vector<16xf32>
        %swap3A_1392 = arith.index_cast %add3A_1350 : i32 to index
        %swap3A_1393 = tpu.vector_load %arg14[%swap3A_1392] masked %eq3A_181 {strides = array<i32>} : memref<656xf32, #tpu.memory_space<vmem>>, vector<16xf32>, vector<16xi1>
        tpu.vector_store %arg14[%swap3A_1392], %masked_cumsum3A_1391 masked %eq3A_181 {strides = array<i32>} : memref<656xf32, #tpu.memory_space<vmem>>, vector<16xf32>, vector<16xi1>
        %broadcast_in_dim3A_1394 = arith.constant true
        %broadcast_in_dim3A_1395 = vector.broadcast %broadcast_in_dim3A_1394 : i1 to vector<16xi1>
        %masked_cumsum3A_1396 = tpu.scan <sum>, %add3A_1388 masked %broadcast_in_dim3A_1395 : vector<16xf32>, vector<16xi1> -> vector<16xf32>
        %swap3A_1397 = arith.index_cast %add3A_1350 : i32 to index
        %swap3A_1398 = tpu.vector_load %arg15[%swap3A_1397] masked %eq3A_181 {strides = array<i32>} : memref<656xf32, #tpu.memory_space<vmem>>, vector<16xf32>, vector<16xi1>
        tpu.vector_store %arg15[%swap3A_1397], %masked_cumsum3A_1396 masked %eq3A_181 {strides = array<i32>} : memref<656xf32, #tpu.memory_space<vmem>>, vector<16xf32>, vector<16xi1>
        %add3A_1399 = arith.constant 4 : i32
        %add3A_1400 = arith.addi %mul3A_1200, %add3A_1399 : i32
        %get3A_1401 = arith.index_cast %add3A_1400 : i32 to index
        %get3A_1402 = arith.constant 0 : index
        %get3A_1403 = tpu.vector_load %arg11[%get3A_1401, %get3A_1402] {strides = array<i32>} : memref<640x64xf32, #tpu.memory_space<vmem>>, vector<16xf32>,
        %mul3A_1404 = arith.mulf %get3A_1189, %get3A_1403 : vector<16xf32>
        %get3A_1405 = arith.index_cast %add3A_1400 : i32 to index
        %get3A_1406 = arith.constant 0 : index
        %get3A_1407 = tpu.vector_load %arg12[%get3A_1405, %get3A_1406] {strides = array<i32>} : memref<640x64xf32, #tpu.memory_space<vmem>>, vector<16xf32>,
        %mul3A_1408 = arith.mulf %get3A_1189, %get3A_1407 : vector<16xf32>
        %get3A_1409 = arith.index_cast %add3A_1400 : i32 to index
        %get3A_1410 = arith.constant 16 : index
        %get3A_1411 = tpu.vector_load %arg11[%get3A_1409, %get3A_1410] {strides = array<i32>} : memref<640x64xf32, #tpu.memory_space<vmem>>, vector<16xf32>,
        %mul3A_1412 = arith.mulf %get3A_1192, %get3A_1411 : vector<16xf32>
        %add3A_1413 = arith.addf %mul3A_1404, %mul3A_1412 : vector<16xf32>
        %get3A_1414 = arith.index_cast %add3A_1400 : i32 to index
        %get3A_1415 = arith.constant 16 : index
        %get3A_1416 = tpu.vector_load %arg12[%get3A_1414, %get3A_1415] {strides = array<i32>} : memref<640x64xf32, #tpu.memory_space<vmem>>, vector<16xf32>,
        %mul3A_1417 = arith.mulf %get3A_1192, %get3A_1416 : vector<16xf32>
        %add3A_1418 = arith.addf %mul3A_1408, %mul3A_1417 : vector<16xf32>
        %get3A_1419 = arith.index_cast %add3A_1400 : i32 to index
        %get3A_1420 = arith.constant 32 : index
        %get3A_1421 = tpu.vector_load %arg11[%get3A_1419, %get3A_1420] {strides = array<i32>} : memref<640x64xf32, #tpu.memory_space<vmem>>, vector<16xf32>,
        %mul3A_1422 = arith.mulf %get3A_1195, %get3A_1421 : vector<16xf32>
        %add3A_1423 = arith.addf %add3A_1413, %mul3A_1422 : vector<16xf32>
        %get3A_1424 = arith.index_cast %add3A_1400 : i32 to index
        %get3A_1425 = arith.constant 32 : index
        %get3A_1426 = tpu.vector_load %arg12[%get3A_1424, %get3A_1425] {strides = array<i32>} : memref<640x64xf32, #tpu.memory_space<vmem>>, vector<16xf32>,
        %mul3A_1427 = arith.mulf %get3A_1195, %get3A_1426 : vector<16xf32>
        %add3A_1428 = arith.addf %add3A_1418, %mul3A_1427 : vector<16xf32>
        %get3A_1429 = arith.index_cast %add3A_1400 : i32 to index
        %get3A_1430 = arith.constant 48 : index
        %get3A_1431 = tpu.vector_load %arg11[%get3A_1429, %get3A_1430] {strides = array<i32>} : memref<640x64xf32, #tpu.memory_space<vmem>>, vector<16xf32>,
        %mul3A_1432 = arith.mulf %get3A_1198, %get3A_1431 : vector<16xf32>
        %add3A_1433 = arith.addf %add3A_1423, %mul3A_1432 : vector<16xf32>
        %get3A_1434 = arith.index_cast %add3A_1400 : i32 to index
        %get3A_1435 = arith.constant 48 : index
        %get3A_1436 = tpu.vector_load %arg12[%get3A_1434, %get3A_1435] {strides = array<i32>} : memref<640x64xf32, #tpu.memory_space<vmem>>, vector<16xf32>,
        %mul3A_1437 = arith.mulf %get3A_1198, %get3A_1436 : vector<16xf32>
        %add3A_1438 = arith.addf %add3A_1428, %mul3A_1437 : vector<16xf32>
        %broadcast_in_dim3A_1439 = arith.constant true
        %broadcast_in_dim3A_1440 = vector.broadcast %broadcast_in_dim3A_1439 : i1 to vector<16xi1>
        %masked_cumsum3A_1441 = tpu.scan <sum>, %add3A_1433 masked %broadcast_in_dim3A_1440 : vector<16xf32>, vector<16xi1> -> vector<16xf32>
        %swap3A_1442 = arith.index_cast %add3A_1400 : i32 to index
        %swap3A_1443 = tpu.vector_load %arg14[%swap3A_1442] masked %eq3A_181 {strides = array<i32>} : memref<656xf32, #tpu.memory_space<vmem>>, vector<16xf32>, vector<16xi1>
        tpu.vector_store %arg14[%swap3A_1442], %masked_cumsum3A_1441 masked %eq3A_181 {strides = array<i32>} : memref<656xf32, #tpu.memory_space<vmem>>, vector<16xf32>, vector<16xi1>
        %broadcast_in_dim3A_1444 = arith.constant true
        %broadcast_in_dim3A_1445 = vector.broadcast %broadcast_in_dim3A_1444 : i1 to vector<16xi1>
        %masked_cumsum3A_1446 = tpu.scan <sum>, %add3A_1438 masked %broadcast_in_dim3A_1445 : vector<16xf32>, vector<16xi1> -> vector<16xf32>
        %swap3A_1447 = arith.index_cast %add3A_1400 : i32 to index
        %swap3A_1448 = tpu.vector_load %arg15[%swap3A_1447] masked %eq3A_181 {strides = array<i32>} : memref<656xf32, #tpu.memory_space<vmem>>, vector<16xf32>, vector<16xi1>
        tpu.vector_store %arg15[%swap3A_1447], %masked_cumsum3A_1446 masked %eq3A_181 {strides = array<i32>} : memref<656xf32, #tpu.memory_space<vmem>>, vector<16xf32>, vector<16xi1>
        %add3A_1449 = arith.constant 5 : i32
        %add3A_1450 = arith.addi %mul3A_1200, %add3A_1449 : i32
        %get3A_1451 = arith.index_cast %add3A_1450 : i32 to index
        %get3A_1452 = arith.constant 0 : index
        %get3A_1453 = tpu.vector_load %arg11[%get3A_1451, %get3A_1452] {strides = array<i32>} : memref<640x64xf32, #tpu.memory_space<vmem>>, vector<16xf32>,
        %mul3A_1454 = arith.mulf %get3A_1189, %get3A_1453 : vector<16xf32>
        %get3A_1455 = arith.index_cast %add3A_1450 : i32 to index
        %get3A_1456 = arith.constant 0 : index
        %get3A_1457 = tpu.vector_load %arg12[%get3A_1455, %get3A_1456] {strides = array<i32>} : memref<640x64xf32, #tpu.memory_space<vmem>>, vector<16xf32>,
        %mul3A_1458 = arith.mulf %get3A_1189, %get3A_1457 : vector<16xf32>
        %get3A_1459 = arith.index_cast %add3A_1450 : i32 to index
        %get3A_1460 = arith.constant 16 : index
        %get3A_1461 = tpu.vector_load %arg11[%get3A_1459, %get3A_1460] {strides = array<i32>} : memref<640x64xf32, #tpu.memory_space<vmem>>, vector<16xf32>,
        %mul3A_1462 = arith.mulf %get3A_1192, %get3A_1461 : vector<16xf32>
        %add3A_1463 = arith.addf %mul3A_1454, %mul3A_1462 : vector<16xf32>
        %get3A_1464 = arith.index_cast %add3A_1450 : i32 to index
        %get3A_1465 = arith.constant 16 : index
        %get3A_1466 = tpu.vector_load %arg12[%get3A_1464, %get3A_1465] {strides = array<i32>} : memref<640x64xf32, #tpu.memory_space<vmem>>, vector<16xf32>,
        %mul3A_1467 = arith.mulf %get3A_1192, %get3A_1466 : vector<16xf32>
        %add3A_1468 = arith.addf %mul3A_1458, %mul3A_1467 : vector<16xf32>
        %get3A_1469 = arith.index_cast %add3A_1450 : i32 to index
        %get3A_1470 = arith.constant 32 : index
        %get3A_1471 = tpu.vector_load %arg11[%get3A_1469, %get3A_1470] {strides = array<i32>} : memref<640x64xf32, #tpu.memory_space<vmem>>, vector<16xf32>,
        %mul3A_1472 = arith.mulf %get3A_1195, %get3A_1471 : vector<16xf32>
        %add3A_1473 = arith.addf %add3A_1463, %mul3A_1472 : vector<16xf32>
        %get3A_1474 = arith.index_cast %add3A_1450 : i32 to index
        %get3A_1475 = arith.constant 32 : index
        %get3A_1476 = tpu.vector_load %arg12[%get3A_1474, %get3A_1475] {strides = array<i32>} : memref<640x64xf32, #tpu.memory_space<vmem>>, vector<16xf32>,
        %mul3A_1477 = arith.mulf %get3A_1195, %get3A_1476 : vector<16xf32>
        %add3A_1478 = arith.addf %add3A_1468, %mul3A_1477 : vector<16xf32>
        %get3A_1479 = arith.index_cast %add3A_1450 : i32 to index
        %get3A_1480 = arith.constant 48 : index
        %get3A_1481 = tpu.vector_load %arg11[%get3A_1479, %get3A_1480] {strides = array<i32>} : memref<640x64xf32, #tpu.memory_space<vmem>>, vector<16xf32>,
        %mul3A_1482 = arith.mulf %get3A_1198, %get3A_1481 : vector<16xf32>
        %add3A_1483 = arith.addf %add3A_1473, %mul3A_1482 : vector<16xf32>
        %get3A_1484 = arith.index_cast %add3A_1450 : i32 to index
        %get3A_1485 = arith.constant 48 : index
        %get3A_1486 = tpu.vector_load %arg12[%get3A_1484, %get3A_1485] {strides = array<i32>} : memref<640x64xf32, #tpu.memory_space<vmem>>, vector<16xf32>,
        %mul3A_1487 = arith.mulf %get3A_1198, %get3A_1486 : vector<16xf32>
        %add3A_1488 = arith.addf %add3A_1478, %mul3A_1487 : vector<16xf32>
        %broadcast_in_dim3A_1489 = arith.constant true
        %broadcast_in_dim3A_1490 = vector.broadcast %broadcast_in_dim3A_1489 : i1 to vector<16xi1>
        %masked_cumsum3A_1491 = tpu.scan <sum>, %add3A_1483 masked %broadcast_in_dim3A_1490 : vector<16xf32>, vector<16xi1> -> vector<16xf32>
        %swap3A_1492 = arith.index_cast %add3A_1450 : i32 to index
        %swap3A_1493 = tpu.vector_load %arg14[%swap3A_1492] masked %eq3A_181 {strides = array<i32>} : memref<656xf32, #tpu.memory_space<vmem>>, vector<16xf32>, vector<16xi1>
        tpu.vector_store %arg14[%swap3A_1492], %masked_cumsum3A_1491 masked %eq3A_181 {strides = array<i32>} : memref<656xf32, #tpu.memory_space<vmem>>, vector<16xf32>, vector<16xi1>
        %broadcast_in_dim3A_1494 = arith.constant true
        %broadcast_in_dim3A_1495 = vector.broadcast %broadcast_in_dim3A_1494 : i1 to vector<16xi1>
        %masked_cumsum3A_1496 = tpu.scan <sum>, %add3A_1488 masked %broadcast_in_dim3A_1495 : vector<16xf32>, vector<16xi1> -> vector<16xf32>
        %swap3A_1497 = arith.index_cast %add3A_1450 : i32 to index
        %swap3A_1498 = tpu.vector_load %arg15[%swap3A_1497] masked %eq3A_181 {strides = array<i32>} : memref<656xf32, #tpu.memory_space<vmem>>, vector<16xf32>, vector<16xi1>
        tpu.vector_store %arg15[%swap3A_1497], %masked_cumsum3A_1496 masked %eq3A_181 {strides = array<i32>} : memref<656xf32, #tpu.memory_space<vmem>>, vector<16xf32>, vector<16xi1>
        %add3A_1499 = arith.constant 6 : i32
        %add3A_1500 = arith.addi %mul3A_1200, %add3A_1499 : i32
        %get3A_1501 = arith.index_cast %add3A_1500 : i32 to index
        %get3A_1502 = arith.constant 0 : index
        %get3A_1503 = tpu.vector_load %arg11[%get3A_1501, %get3A_1502] {strides = array<i32>} : memref<640x64xf32, #tpu.memory_space<vmem>>, vector<16xf32>,
        %mul3A_1504 = arith.mulf %get3A_1189, %get3A_1503 : vector<16xf32>
        %get3A_1505 = arith.index_cast %add3A_1500 : i32 to index
        %get3A_1506 = arith.constant 0 : index
        %get3A_1507 = tpu.vector_load %arg12[%get3A_1505, %get3A_1506] {strides = array<i32>} : memref<640x64xf32, #tpu.memory_space<vmem>>, vector<16xf32>,
        %mul3A_1508 = arith.mulf %get3A_1189, %get3A_1507 : vector<16xf32>
        %get3A_1509 = arith.index_cast %add3A_1500 : i32 to index
        %get3A_1510 = arith.constant 16 : index
        %get3A_1511 = tpu.vector_load %arg11[%get3A_1509, %get3A_1510] {strides = array<i32>} : memref<640x64xf32, #tpu.memory_space<vmem>>, vector<16xf32>,
        %mul3A_1512 = arith.mulf %get3A_1192, %get3A_1511 : vector<16xf32>
        %add3A_1513 = arith.addf %mul3A_1504, %mul3A_1512 : vector<16xf32>
        %get3A_1514 = arith.index_cast %add3A_1500 : i32 to index
        %get3A_1515 = arith.constant 16 : index
        %get3A_1516 = tpu.vector_load %arg12[%get3A_1514, %get3A_1515] {strides = array<i32>} : memref<640x64xf32, #tpu.memory_space<vmem>>, vector<16xf32>,
        %mul3A_1517 = arith.mulf %get3A_1192, %get3A_1516 : vector<16xf32>
        %add3A_1518 = arith.addf %mul3A_1508, %mul3A_1517 : vector<16xf32>
        %get3A_1519 = arith.index_cast %add3A_1500 : i32 to index
        %get3A_1520 = arith.constant 32 : index
        %get3A_1521 = tpu.vector_load %arg11[%get3A_1519, %get3A_1520] {strides = array<i32>} : memref<640x64xf32, #tpu.memory_space<vmem>>, vector<16xf32>,
        %mul3A_1522 = arith.mulf %get3A_1195, %get3A_1521 : vector<16xf32>
        %add3A_1523 = arith.addf %add3A_1513, %mul3A_1522 : vector<16xf32>
        %get3A_1524 = arith.index_cast %add3A_1500 : i32 to index
        %get3A_1525 = arith.constant 32 : index
        %get3A_1526 = tpu.vector_load %arg12[%get3A_1524, %get3A_1525] {strides = array<i32>} : memref<640x64xf32, #tpu.memory_space<vmem>>, vector<16xf32>,
        %mul3A_1527 = arith.mulf %get3A_1195, %get3A_1526 : vector<16xf32>
        %add3A_1528 = arith.addf %add3A_1518, %mul3A_1527 : vector<16xf32>
        %get3A_1529 = arith.index_cast %add3A_1500 : i32 to index
        %get3A_1530 = arith.constant 48 : index
        %get3A_1531 = tpu.vector_load %arg11[%get3A_1529, %get3A_1530] {strides = array<i32>} : memref<640x64xf32, #tpu.memory_space<vmem>>, vector<16xf32>,
        %mul3A_1532 = arith.mulf %get3A_1198, %get3A_1531 : vector<16xf32>
        %add3A_1533 = arith.addf %add3A_1523, %mul3A_1532 : vector<16xf32>
        %get3A_1534 = arith.index_cast %add3A_1500 : i32 to index
        %get3A_1535 = arith.constant 48 : index
        %get3A_1536 = tpu.vector_load %arg12[%get3A_1534, %get3A_1535] {strides = array<i32>} : memref<640x64xf32, #tpu.memory_space<vmem>>, vector<16xf32>,
        %mul3A_1537 = arith.mulf %get3A_1198, %get3A_1536 : vector<16xf32>
        %add3A_1538 = arith.addf %add3A_1528, %mul3A_1537 : vector<16xf32>
        %broadcast_in_dim3A_1539 = arith.constant true
        %broadcast_in_dim3A_1540 = vector.broadcast %broadcast_in_dim3A_1539 : i1 to vector<16xi1>
        %masked_cumsum3A_1541 = tpu.scan <sum>, %add3A_1533 masked %broadcast_in_dim3A_1540 : vector<16xf32>, vector<16xi1> -> vector<16xf32>
        %swap3A_1542 = arith.index_cast %add3A_1500 : i32 to index
        %swap3A_1543 = tpu.vector_load %arg14[%swap3A_1542] masked %eq3A_181 {strides = array<i32>} : memref<656xf32, #tpu.memory_space<vmem>>, vector<16xf32>, vector<16xi1>
        tpu.vector_store %arg14[%swap3A_1542], %masked_cumsum3A_1541 masked %eq3A_181 {strides = array<i32>} : memref<656xf32, #tpu.memory_space<vmem>>, vector<16xf32>, vector<16xi1>
        %broadcast_in_dim3A_1544 = arith.constant true
        %broadcast_in_dim3A_1545 = vector.broadcast %broadcast_in_dim3A_1544 : i1 to vector<16xi1>
        %masked_cumsum3A_1546 = tpu.scan <sum>, %add3A_1538 masked %broadcast_in_dim3A_1545 : vector<16xf32>, vector<16xi1> -> vector<16xf32>
        %swap3A_1547 = arith.index_cast %add3A_1500 : i32 to index
        %swap3A_1548 = tpu.vector_load %arg15[%swap3A_1547] masked %eq3A_181 {strides = array<i32>} : memref<656xf32, #tpu.memory_space<vmem>>, vector<16xf32>, vector<16xi1>
        tpu.vector_store %arg15[%swap3A_1547], %masked_cumsum3A_1546 masked %eq3A_181 {strides = array<i32>} : memref<656xf32, #tpu.memory_space<vmem>>, vector<16xf32>, vector<16xi1>
        %add3A_1549 = arith.constant 7 : i32
        %add3A_1550 = arith.addi %mul3A_1200, %add3A_1549 : i32
        %get3A_1551 = arith.index_cast %add3A_1550 : i32 to index
        %get3A_1552 = arith.constant 0 : index
        %get3A_1553 = tpu.vector_load %arg11[%get3A_1551, %get3A_1552] {strides = array<i32>} : memref<640x64xf32, #tpu.memory_space<vmem>>, vector<16xf32>,
        %mul3A_1554 = arith.mulf %get3A_1189, %get3A_1553 : vector<16xf32>
        %get3A_1555 = arith.index_cast %add3A_1550 : i32 to index
        %get3A_1556 = arith.constant 0 : index
        %get3A_1557 = tpu.vector_load %arg12[%get3A_1555, %get3A_1556] {strides = array<i32>} : memref<640x64xf32, #tpu.memory_space<vmem>>, vector<16xf32>,
        %mul3A_1558 = arith.mulf %get3A_1189, %get3A_1557 : vector<16xf32>
        %get3A_1559 = arith.index_cast %add3A_1550 : i32 to index
        %get3A_1560 = arith.constant 16 : index
        %get3A_1561 = tpu.vector_load %arg11[%get3A_1559, %get3A_1560] {strides = array<i32>} : memref<640x64xf32, #tpu.memory_space<vmem>>, vector<16xf32>,
        %mul3A_1562 = arith.mulf %get3A_1192, %get3A_1561 : vector<16xf32>
        %add3A_1563 = arith.addf %mul3A_1554, %mul3A_1562 : vector<16xf32>
        %get3A_1564 = arith.index_cast %add3A_1550 : i32 to index
        %get3A_1565 = arith.constant 16 : index
        %get3A_1566 = tpu.vector_load %arg12[%get3A_1564, %get3A_1565] {strides = array<i32>} : memref<640x64xf32, #tpu.memory_space<vmem>>, vector<16xf32>,
        %mul3A_1567 = arith.mulf %get3A_1192, %get3A_1566 : vector<16xf32>
        %add3A_1568 = arith.addf %mul3A_1558, %mul3A_1567 : vector<16xf32>
        %get3A_1569 = arith.index_cast %add3A_1550 : i32 to index
        %get3A_1570 = arith.constant 32 : index
        %get3A_1571 = tpu.vector_load %arg11[%get3A_1569, %get3A_1570] {strides = array<i32>} : memref<640x64xf32, #tpu.memory_space<vmem>>, vector<16xf32>,
        %mul3A_1572 = arith.mulf %get3A_1195, %get3A_1571 : vector<16xf32>
        %add3A_1573 = arith.addf %add3A_1563, %mul3A_1572 : vector<16xf32>
        %get3A_1574 = arith.index_cast %add3A_1550 : i32 to index
        %get3A_1575 = arith.constant 32 : index
        %get3A_1576 = tpu.vector_load %arg12[%get3A_1574, %get3A_1575] {strides = array<i32>} : memref<640x64xf32, #tpu.memory_space<vmem>>, vector<16xf32>,
        %mul3A_1577 = arith.mulf %get3A_1195, %get3A_1576 : vector<16xf32>
        %add3A_1578 = arith.addf %add3A_1568, %mul3A_1577 : vector<16xf32>
        %get3A_1579 = arith.index_cast %add3A_1550 : i32 to index
        %get3A_1580 = arith.constant 48 : index
        %get3A_1581 = tpu.vector_load %arg11[%get3A_1579, %get3A_1580] {strides = array<i32>} : memref<640x64xf32, #tpu.memory_space<vmem>>, vector<16xf32>,
        %mul3A_1582 = arith.mulf %get3A_1198, %get3A_1581 : vector<16xf32>
        %add3A_1583 = arith.addf %add3A_1573, %mul3A_1582 : vector<16xf32>
        %get3A_1584 = arith.index_cast %add3A_1550 : i32 to index
        %get3A_1585 = arith.constant 48 : index
        %get3A_1586 = tpu.vector_load %arg12[%get3A_1584, %get3A_1585] {strides = array<i32>} : memref<640x64xf32, #tpu.memory_space<vmem>>, vector<16xf32>,
        %mul3A_1587 = arith.mulf %get3A_1198, %get3A_1586 : vector<16xf32>
        %add3A_1588 = arith.addf %add3A_1578, %mul3A_1587 : vector<16xf32>
        %broadcast_in_dim3A_1589 = arith.constant true
        %broadcast_in_dim3A_1590 = vector.broadcast %broadcast_in_dim3A_1589 : i1 to vector<16xi1>
        %masked_cumsum3A_1591 = tpu.scan <sum>, %add3A_1583 masked %broadcast_in_dim3A_1590 : vector<16xf32>, vector<16xi1> -> vector<16xf32>
        %swap3A_1592 = arith.index_cast %add3A_1550 : i32 to index
        %swap3A_1593 = tpu.vector_load %arg14[%swap3A_1592] masked %eq3A_181 {strides = array<i32>} : memref<656xf32, #tpu.memory_space<vmem>>, vector<16xf32>, vector<16xi1>
        tpu.vector_store %arg14[%swap3A_1592], %masked_cumsum3A_1591 masked %eq3A_181 {strides = array<i32>} : memref<656xf32, #tpu.memory_space<vmem>>, vector<16xf32>, vector<16xi1>
        %broadcast_in_dim3A_1594 = arith.constant true
        %broadcast_in_dim3A_1595 = vector.broadcast %broadcast_in_dim3A_1594 : i1 to vector<16xi1>
        %masked_cumsum3A_1596 = tpu.scan <sum>, %add3A_1588 masked %broadcast_in_dim3A_1595 : vector<16xf32>, vector<16xi1> -> vector<16xf32>
        %swap3A_1597 = arith.index_cast %add3A_1550 : i32 to index
        %swap3A_1598 = tpu.vector_load %arg15[%swap3A_1597] masked %eq3A_181 {strides = array<i32>} : memref<656xf32, #tpu.memory_space<vmem>>, vector<16xf32>, vector<16xi1>
        tpu.vector_store %arg15[%swap3A_1597], %masked_cumsum3A_1596 masked %eq3A_181 {strides = array<i32>} : memref<656xf32, #tpu.memory_space<vmem>>, vector<16xf32>, vector<16xi1>
        %add3A_1599 = arith.constant 8 : i32
        %add3A_1600 = arith.addi %mul3A_1200, %add3A_1599 : i32
        %get3A_1601 = arith.index_cast %add3A_1600 : i32 to index
        %get3A_1602 = arith.constant 0 : index
        %get3A_1603 = tpu.vector_load %arg11[%get3A_1601, %get3A_1602] {strides = array<i32>} : memref<640x64xf32, #tpu.memory_space<vmem>>, vector<16xf32>,
        %mul3A_1604 = arith.mulf %get3A_1189, %get3A_1603 : vector<16xf32>
        %get3A_1605 = arith.index_cast %add3A_1600 : i32 to index
        %get3A_1606 = arith.constant 0 : index
        %get3A_1607 = tpu.vector_load %arg12[%get3A_1605, %get3A_1606] {strides = array<i32>} : memref<640x64xf32, #tpu.memory_space<vmem>>, vector<16xf32>,
        %mul3A_1608 = arith.mulf %get3A_1189, %get3A_1607 : vector<16xf32>
        %get3A_1609 = arith.index_cast %add3A_1600 : i32 to index
        %get3A_1610 = arith.constant 16 : index
        %get3A_1611 = tpu.vector_load %arg11[%get3A_1609, %get3A_1610] {strides = array<i32>} : memref<640x64xf32, #tpu.memory_space<vmem>>, vector<16xf32>,
        %mul3A_1612 = arith.mulf %get3A_1192, %get3A_1611 : vector<16xf32>
        %add3A_1613 = arith.addf %mul3A_1604, %mul3A_1612 : vector<16xf32>
        %get3A_1614 = arith.index_cast %add3A_1600 : i32 to index
        %get3A_1615 = arith.constant 16 : index
        %get3A_1616 = tpu.vector_load %arg12[%get3A_1614, %get3A_1615] {strides = array<i32>} : memref<640x64xf32, #tpu.memory_space<vmem>>, vector<16xf32>,
        %mul3A_1617 = arith.mulf %get3A_1192, %get3A_1616 : vector<16xf32>
        %add3A_1618 = arith.addf %mul3A_1608, %mul3A_1617 : vector<16xf32>
        %get3A_1619 = arith.index_cast %add3A_1600 : i32 to index
        %get3A_1620 = arith.constant 32 : index
        %get3A_1621 = tpu.vector_load %arg11[%get3A_1619, %get3A_1620] {strides = array<i32>} : memref<640x64xf32, #tpu.memory_space<vmem>>, vector<16xf32>,
        %mul3A_1622 = arith.mulf %get3A_1195, %get3A_1621 : vector<16xf32>
        %add3A_1623 = arith.addf %add3A_1613, %mul3A_1622 : vector<16xf32>
        %get3A_1624 = arith.index_cast %add3A_1600 : i32 to index
        %get3A_1625 = arith.constant 32 : index
        %get3A_1626 = tpu.vector_load %arg12[%get3A_1624, %get3A_1625] {strides = array<i32>} : memref<640x64xf32, #tpu.memory_space<vmem>>, vector<16xf32>,
        %mul3A_1627 = arith.mulf %get3A_1195, %get3A_1626 : vector<16xf32>
        %add3A_1628 = arith.addf %add3A_1618, %mul3A_1627 : vector<16xf32>
        %get3A_1629 = arith.index_cast %add3A_1600 : i32 to index
        %get3A_1630 = arith.constant 48 : index
        %get3A_1631 = tpu.vector_load %arg11[%get3A_1629, %get3A_1630] {strides = array<i32>} : memref<640x64xf32, #tpu.memory_space<vmem>>, vector<16xf32>,
        %mul3A_1632 = arith.mulf %get3A_1198, %get3A_1631 : vector<16xf32>
        %add3A_1633 = arith.addf %add3A_1623, %mul3A_1632 : vector<16xf32>
        %get3A_1634 = arith.index_cast %add3A_1600 : i32 to index
        %get3A_1635 = arith.constant 48 : index
        %get3A_1636 = tpu.vector_load %arg12[%get3A_1634, %get3A_1635] {strides = array<i32>} : memref<640x64xf32, #tpu.memory_space<vmem>>, vector<16xf32>,
        %mul3A_1637 = arith.mulf %get3A_1198, %get3A_1636 : vector<16xf32>
        %add3A_1638 = arith.addf %add3A_1628, %mul3A_1637 : vector<16xf32>
        %broadcast_in_dim3A_1639 = arith.constant true
        %broadcast_in_dim3A_1640 = vector.broadcast %broadcast_in_dim3A_1639 : i1 to vector<16xi1>
        %masked_cumsum3A_1641 = tpu.scan <sum>, %add3A_1633 masked %broadcast_in_dim3A_1640 : vector<16xf32>, vector<16xi1> -> vector<16xf32>
        %swap3A_1642 = arith.index_cast %add3A_1600 : i32 to index
        %swap3A_1643 = tpu.vector_load %arg14[%swap3A_1642] masked %eq3A_181 {strides = array<i32>} : memref<656xf32, #tpu.memory_space<vmem>>, vector<16xf32>, vector<16xi1>
        tpu.vector_store %arg14[%swap3A_1642], %masked_cumsum3A_1641 masked %eq3A_181 {strides = array<i32>} : memref<656xf32, #tpu.memory_space<vmem>>, vector<16xf32>, vector<16xi1>
        %broadcast_in_dim3A_1644 = arith.constant true
        %broadcast_in_dim3A_1645 = vector.broadcast %broadcast_in_dim3A_1644 : i1 to vector<16xi1>
        %masked_cumsum3A_1646 = tpu.scan <sum>, %add3A_1638 masked %broadcast_in_dim3A_1645 : vector<16xf32>, vector<16xi1> -> vector<16xf32>
        %swap3A_1647 = arith.index_cast %add3A_1600 : i32 to index
        %swap3A_1648 = tpu.vector_load %arg15[%swap3A_1647] masked %eq3A_181 {strides = array<i32>} : memref<656xf32, #tpu.memory_space<vmem>>, vector<16xf32>, vector<16xi1>
        tpu.vector_store %arg15[%swap3A_1647], %masked_cumsum3A_1646 masked %eq3A_181 {strides = array<i32>} : memref<656xf32, #tpu.memory_space<vmem>>, vector<16xf32>, vector<16xi1>
        %add3A_1649 = arith.constant 9 : i32
        %add3A_1650 = arith.addi %mul3A_1200, %add3A_1649 : i32
        %get3A_1651 = arith.index_cast %add3A_1650 : i32 to index
        %get3A_1652 = arith.constant 0 : index
        %get3A_1653 = tpu.vector_load %arg11[%get3A_1651, %get3A_1652] {strides = array<i32>} : memref<640x64xf32, #tpu.memory_space<vmem>>, vector<16xf32>,
        %mul3A_1654 = arith.mulf %get3A_1189, %get3A_1653 : vector<16xf32>
        %get3A_1655 = arith.index_cast %add3A_1650 : i32 to index
        %get3A_1656 = arith.constant 0 : index
        %get3A_1657 = tpu.vector_load %arg12[%get3A_1655, %get3A_1656] {strides = array<i32>} : memref<640x64xf32, #tpu.memory_space<vmem>>, vector<16xf32>,
        %mul3A_1658 = arith.mulf %get3A_1189, %get3A_1657 : vector<16xf32>
        %get3A_1659 = arith.index_cast %add3A_1650 : i32 to index
        %get3A_1660 = arith.constant 16 : index
        %get3A_1661 = tpu.vector_load %arg11[%get3A_1659, %get3A_1660] {strides = array<i32>} : memref<640x64xf32, #tpu.memory_space<vmem>>, vector<16xf32>,
        %mul3A_1662 = arith.mulf %get3A_1192, %get3A_1661 : vector<16xf32>
        %add3A_1663 = arith.addf %mul3A_1654, %mul3A_1662 : vector<16xf32>
        %get3A_1664 = arith.index_cast %add3A_1650 : i32 to index
        %get3A_1665 = arith.constant 16 : index
        %get3A_1666 = tpu.vector_load %arg12[%get3A_1664, %get3A_1665] {strides = array<i32>} : memref<640x64xf32, #tpu.memory_space<vmem>>, vector<16xf32>,
        %mul3A_1667 = arith.mulf %get3A_1192, %get3A_1666 : vector<16xf32>
        %add3A_1668 = arith.addf %mul3A_1658, %mul3A_1667 : vector<16xf32>
        %get3A_1669 = arith.index_cast %add3A_1650 : i32 to index
        %get3A_1670 = arith.constant 32 : index
        %get3A_1671 = tpu.vector_load %arg11[%get3A_1669, %get3A_1670] {strides = array<i32>} : memref<640x64xf32, #tpu.memory_space<vmem>>, vector<16xf32>,
        %mul3A_1672 = arith.mulf %get3A_1195, %get3A_1671 : vector<16xf32>
        %add3A_1673 = arith.addf %add3A_1663, %mul3A_1672 : vector<16xf32>
        %get3A_1674 = arith.index_cast %add3A_1650 : i32 to index
        %get3A_1675 = arith.constant 32 : index
        %get3A_1676 = tpu.vector_load %arg12[%get3A_1674, %get3A_1675] {strides = array<i32>} : memref<640x64xf32, #tpu.memory_space<vmem>>, vector<16xf32>,
        %mul3A_1677 = arith.mulf %get3A_1195, %get3A_1676 : vector<16xf32>
        %add3A_1678 = arith.addf %add3A_1668, %mul3A_1677 : vector<16xf32>
        %get3A_1679 = arith.index_cast %add3A_1650 : i32 to index
        %get3A_1680 = arith.constant 48 : index
        %get3A_1681 = tpu.vector_load %arg11[%get3A_1679, %get3A_1680] {strides = array<i32>} : memref<640x64xf32, #tpu.memory_space<vmem>>, vector<16xf32>,
        %mul3A_1682 = arith.mulf %get3A_1198, %get3A_1681 : vector<16xf32>
        %add3A_1683 = arith.addf %add3A_1673, %mul3A_1682 : vector<16xf32>
        %get3A_1684 = arith.index_cast %add3A_1650 : i32 to index
        %get3A_1685 = arith.constant 48 : index
        %get3A_1686 = tpu.vector_load %arg12[%get3A_1684, %get3A_1685] {strides = array<i32>} : memref<640x64xf32, #tpu.memory_space<vmem>>, vector<16xf32>,
        %mul3A_1687 = arith.mulf %get3A_1198, %get3A_1686 : vector<16xf32>
        %add3A_1688 = arith.addf %add3A_1678, %mul3A_1687 : vector<16xf32>
        %broadcast_in_dim3A_1689 = arith.constant true
        %broadcast_in_dim3A_1690 = vector.broadcast %broadcast_in_dim3A_1689 : i1 to vector<16xi1>
        %masked_cumsum3A_1691 = tpu.scan <sum>, %add3A_1683 masked %broadcast_in_dim3A_1690 : vector<16xf32>, vector<16xi1> -> vector<16xf32>
        %swap3A_1692 = arith.index_cast %add3A_1650 : i32 to index
        %swap3A_1693 = tpu.vector_load %arg14[%swap3A_1692] masked %eq3A_181 {strides = array<i32>} : memref<656xf32, #tpu.memory_space<vmem>>, vector<16xf32>, vector<16xi1>
        tpu.vector_store %arg14[%swap3A_1692], %masked_cumsum3A_1691 masked %eq3A_181 {strides = array<i32>} : memref<656xf32, #tpu.memory_space<vmem>>, vector<16xf32>, vector<16xi1>
        %broadcast_in_dim3A_1694 = arith.constant true
        %broadcast_in_dim3A_1695 = vector.broadcast %broadcast_in_dim3A_1694 : i1 to vector<16xi1>
        %masked_cumsum3A_1696 = tpu.scan <sum>, %add3A_1688 masked %broadcast_in_dim3A_1695 : vector<16xf32>, vector<16xi1> -> vector<16xf32>
        %swap3A_1697 = arith.index_cast %add3A_1650 : i32 to index
        %swap3A_1698 = tpu.vector_load %arg15[%swap3A_1697] masked %eq3A_181 {strides = array<i32>} : memref<656xf32, #tpu.memory_space<vmem>>, vector<16xf32>, vector<16xi1>
        tpu.vector_store %arg15[%swap3A_1697], %masked_cumsum3A_1696 masked %eq3A_181 {strides = array<i32>} : memref<656xf32, #tpu.memory_space<vmem>>, vector<16xf32>, vector<16xi1>
        %add3A_1699 = arith.constant 10 : i32
        %add3A_1700 = arith.addi %mul3A_1200, %add3A_1699 : i32
        %get3A_1701 = arith.index_cast %add3A_1700 : i32 to index
        %get3A_1702 = arith.constant 0 : index
        %get3A_1703 = tpu.vector_load %arg11[%get3A_1701, %get3A_1702] {strides = array<i32>} : memref<640x64xf32, #tpu.memory_space<vmem>>, vector<16xf32>,
        %mul3A_1704 = arith.mulf %get3A_1189, %get3A_1703 : vector<16xf32>
        %get3A_1705 = arith.index_cast %add3A_1700 : i32 to index
        %get3A_1706 = arith.constant 0 : index
        %get3A_1707 = tpu.vector_load %arg12[%get3A_1705, %get3A_1706] {strides = array<i32>} : memref<640x64xf32, #tpu.memory_space<vmem>>, vector<16xf32>,
        %mul3A_1708 = arith.mulf %get3A_1189, %get3A_1707 : vector<16xf32>
        %get3A_1709 = arith.index_cast %add3A_1700 : i32 to index
        %get3A_1710 = arith.constant 16 : index
        %get3A_1711 = tpu.vector_load %arg11[%get3A_1709, %get3A_1710] {strides = array<i32>} : memref<640x64xf32, #tpu.memory_space<vmem>>, vector<16xf32>,
        %mul3A_1712 = arith.mulf %get3A_1192, %get3A_1711 : vector<16xf32>
        %add3A_1713 = arith.addf %mul3A_1704, %mul3A_1712 : vector<16xf32>
        %get3A_1714 = arith.index_cast %add3A_1700 : i32 to index
        %get3A_1715 = arith.constant 16 : index
        %get3A_1716 = tpu.vector_load %arg12[%get3A_1714, %get3A_1715] {strides = array<i32>} : memref<640x64xf32, #tpu.memory_space<vmem>>, vector<16xf32>,
        %mul3A_1717 = arith.mulf %get3A_1192, %get3A_1716 : vector<16xf32>
        %add3A_1718 = arith.addf %mul3A_1708, %mul3A_1717 : vector<16xf32>
        %get3A_1719 = arith.index_cast %add3A_1700 : i32 to index
        %get3A_1720 = arith.constant 32 : index
        %get3A_1721 = tpu.vector_load %arg11[%get3A_1719, %get3A_1720] {strides = array<i32>} : memref<640x64xf32, #tpu.memory_space<vmem>>, vector<16xf32>,
        %mul3A_1722 = arith.mulf %get3A_1195, %get3A_1721 : vector<16xf32>
        %add3A_1723 = arith.addf %add3A_1713, %mul3A_1722 : vector<16xf32>
        %get3A_1724 = arith.index_cast %add3A_1700 : i32 to index
        %get3A_1725 = arith.constant 32 : index
        %get3A_1726 = tpu.vector_load %arg12[%get3A_1724, %get3A_1725] {strides = array<i32>} : memref<640x64xf32, #tpu.memory_space<vmem>>, vector<16xf32>,
        %mul3A_1727 = arith.mulf %get3A_1195, %get3A_1726 : vector<16xf32>
        %add3A_1728 = arith.addf %add3A_1718, %mul3A_1727 : vector<16xf32>
        %get3A_1729 = arith.index_cast %add3A_1700 : i32 to index
        %get3A_1730 = arith.constant 48 : index
        %get3A_1731 = tpu.vector_load %arg11[%get3A_1729, %get3A_1730] {strides = array<i32>} : memref<640x64xf32, #tpu.memory_space<vmem>>, vector<16xf32>,
        %mul3A_1732 = arith.mulf %get3A_1198, %get3A_1731 : vector<16xf32>
        %add3A_1733 = arith.addf %add3A_1723, %mul3A_1732 : vector<16xf32>
        %get3A_1734 = arith.index_cast %add3A_1700 : i32 to index
        %get3A_1735 = arith.constant 48 : index
        %get3A_1736 = tpu.vector_load %arg12[%get3A_1734, %get3A_1735] {strides = array<i32>} : memref<640x64xf32, #tpu.memory_space<vmem>>, vector<16xf32>,
        %mul3A_1737 = arith.mulf %get3A_1198, %get3A_1736 : vector<16xf32>
        %add3A_1738 = arith.addf %add3A_1728, %mul3A_1737 : vector<16xf32>
        %broadcast_in_dim3A_1739 = arith.constant true
        %broadcast_in_dim3A_1740 = vector.broadcast %broadcast_in_dim3A_1739 : i1 to vector<16xi1>
        %masked_cumsum3A_1741 = tpu.scan <sum>, %add3A_1733 masked %broadcast_in_dim3A_1740 : vector<16xf32>, vector<16xi1> -> vector<16xf32>
        %swap3A_1742 = arith.index_cast %add3A_1700 : i32 to index
        %swap3A_1743 = tpu.vector_load %arg14[%swap3A_1742] masked %eq3A_181 {strides = array<i32>} : memref<656xf32, #tpu.memory_space<vmem>>, vector<16xf32>, vector<16xi1>
        tpu.vector_store %arg14[%swap3A_1742], %masked_cumsum3A_1741 masked %eq3A_181 {strides = array<i32>} : memref<656xf32, #tpu.memory_space<vmem>>, vector<16xf32>, vector<16xi1>
        %broadcast_in_dim3A_1744 = arith.constant true
        %broadcast_in_dim3A_1745 = vector.broadcast %broadcast_in_dim3A_1744 : i1 to vector<16xi1>
        %masked_cumsum3A_1746 = tpu.scan <sum>, %add3A_1738 masked %broadcast_in_dim3A_1745 : vector<16xf32>, vector<16xi1> -> vector<16xf32>
        %swap3A_1747 = arith.index_cast %add3A_1700 : i32 to index
        %swap3A_1748 = tpu.vector_load %arg15[%swap3A_1747] masked %eq3A_181 {strides = array<i32>} : memref<656xf32, #tpu.memory_space<vmem>>, vector<16xf32>, vector<16xi1>
        tpu.vector_store %arg15[%swap3A_1747], %masked_cumsum3A_1746 masked %eq3A_181 {strides = array<i32>} : memref<656xf32, #tpu.memory_space<vmem>>, vector<16xf32>, vector<16xi1>
        %add3A_1749 = arith.constant 11 : i32
        %add3A_1750 = arith.addi %mul3A_1200, %add3A_1749 : i32
        %get3A_1751 = arith.index_cast %add3A_1750 : i32 to index
        %get3A_1752 = arith.constant 0 : index
        %get3A_1753 = tpu.vector_load %arg11[%get3A_1751, %get3A_1752] {strides = array<i32>} : memref<640x64xf32, #tpu.memory_space<vmem>>, vector<16xf32>,
        %mul3A_1754 = arith.mulf %get3A_1189, %get3A_1753 : vector<16xf32>
        %get3A_1755 = arith.index_cast %add3A_1750 : i32 to index
        %get3A_1756 = arith.constant 0 : index
        %get3A_1757 = tpu.vector_load %arg12[%get3A_1755, %get3A_1756] {strides = array<i32>} : memref<640x64xf32, #tpu.memory_space<vmem>>, vector<16xf32>,
        %mul3A_1758 = arith.mulf %get3A_1189, %get3A_1757 : vector<16xf32>
        %get3A_1759 = arith.index_cast %add3A_1750 : i32 to index
        %get3A_1760 = arith.constant 16 : index
        %get3A_1761 = tpu.vector_load %arg11[%get3A_1759, %get3A_1760] {strides = array<i32>} : memref<640x64xf32, #tpu.memory_space<vmem>>, vector<16xf32>,
        %mul3A_1762 = arith.mulf %get3A_1192, %get3A_1761 : vector<16xf32>
        %add3A_1763 = arith.addf %mul3A_1754, %mul3A_1762 : vector<16xf32>
        %get3A_1764 = arith.index_cast %add3A_1750 : i32 to index
        %get3A_1765 = arith.constant 16 : index
        %get3A_1766 = tpu.vector_load %arg12[%get3A_1764, %get3A_1765] {strides = array<i32>} : memref<640x64xf32, #tpu.memory_space<vmem>>, vector<16xf32>,
        %mul3A_1767 = arith.mulf %get3A_1192, %get3A_1766 : vector<16xf32>
        %add3A_1768 = arith.addf %mul3A_1758, %mul3A_1767 : vector<16xf32>
        %get3A_1769 = arith.index_cast %add3A_1750 : i32 to index
        %get3A_1770 = arith.constant 32 : index
        %get3A_1771 = tpu.vector_load %arg11[%get3A_1769, %get3A_1770] {strides = array<i32>} : memref<640x64xf32, #tpu.memory_space<vmem>>, vector<16xf32>,
        %mul3A_1772 = arith.mulf %get3A_1195, %get3A_1771 : vector<16xf32>
        %add3A_1773 = arith.addf %add3A_1763, %mul3A_1772 : vector<16xf32>
        %get3A_1774 = arith.index_cast %add3A_1750 : i32 to index
        %get3A_1775 = arith.constant 32 : index
        %get3A_1776 = tpu.vector_load %arg12[%get3A_1774, %get3A_1775] {strides = array<i32>} : memref<640x64xf32, #tpu.memory_space<vmem>>, vector<16xf32>,
        %mul3A_1777 = arith.mulf %get3A_1195, %get3A_1776 : vector<16xf32>
        %add3A_1778 = arith.addf %add3A_1768, %mul3A_1777 : vector<16xf32>
        %get3A_1779 = arith.index_cast %add3A_1750 : i32 to index
        %get3A_1780 = arith.constant 48 : index
        %get3A_1781 = tpu.vector_load %arg11[%get3A_1779, %get3A_1780] {strides = array<i32>} : memref<640x64xf32, #tpu.memory_space<vmem>>, vector<16xf32>,
        %mul3A_1782 = arith.mulf %get3A_1198, %get3A_1781 : vector<16xf32>
        %add3A_1783 = arith.addf %add3A_1773, %mul3A_1782 : vector<16xf32>
        %get3A_1784 = arith.index_cast %add3A_1750 : i32 to index
        %get3A_1785 = arith.constant 48 : index
        %get3A_1786 = tpu.vector_load %arg12[%get3A_1784, %get3A_1785] {strides = array<i32>} : memref<640x64xf32, #tpu.memory_space<vmem>>, vector<16xf32>,
        %mul3A_1787 = arith.mulf %get3A_1198, %get3A_1786 : vector<16xf32>
        %add3A_1788 = arith.addf %add3A_1778, %mul3A_1787 : vector<16xf32>
        %broadcast_in_dim3A_1789 = arith.constant true
        %broadcast_in_dim3A_1790 = vector.broadcast %broadcast_in_dim3A_1789 : i1 to vector<16xi1>
        %masked_cumsum3A_1791 = tpu.scan <sum>, %add3A_1783 masked %broadcast_in_dim3A_1790 : vector<16xf32>, vector<16xi1> -> vector<16xf32>
        %swap3A_1792 = arith.index_cast %add3A_1750 : i32 to index
        %swap3A_1793 = tpu.vector_load %arg14[%swap3A_1792] masked %eq3A_181 {strides = array<i32>} : memref<656xf32, #tpu.memory_space<vmem>>, vector<16xf32>, vector<16xi1>
        tpu.vector_store %arg14[%swap3A_1792], %masked_cumsum3A_1791 masked %eq3A_181 {strides = array<i32>} : memref<656xf32, #tpu.memory_space<vmem>>, vector<16xf32>, vector<16xi1>
        %broadcast_in_dim3A_1794 = arith.constant true
        %broadcast_in_dim3A_1795 = vector.broadcast %broadcast_in_dim3A_1794 : i1 to vector<16xi1>
        %masked_cumsum3A_1796 = tpu.scan <sum>, %add3A_1788 masked %broadcast_in_dim3A_1795 : vector<16xf32>, vector<16xi1> -> vector<16xf32>
        %swap3A_1797 = arith.index_cast %add3A_1750 : i32 to index
        %swap3A_1798 = tpu.vector_load %arg15[%swap3A_1797] masked %eq3A_181 {strides = array<i32>} : memref<656xf32, #tpu.memory_space<vmem>>, vector<16xf32>, vector<16xi1>
        tpu.vector_store %arg15[%swap3A_1797], %masked_cumsum3A_1796 masked %eq3A_181 {strides = array<i32>} : memref<656xf32, #tpu.memory_space<vmem>>, vector<16xf32>, vector<16xi1>
        %add3A_1799 = arith.constant 12 : i32
        %add3A_1800 = arith.addi %mul3A_1200, %add3A_1799 : i32
        %get3A_1801 = arith.index_cast %add3A_1800 : i32 to index
        %get3A_1802 = arith.constant 0 : index
        %get3A_1803 = tpu.vector_load %arg11[%get3A_1801, %get3A_1802] {strides = array<i32>} : memref<640x64xf32, #tpu.memory_space<vmem>>, vector<16xf32>,
        %mul3A_1804 = arith.mulf %get3A_1189, %get3A_1803 : vector<16xf32>
        %get3A_1805 = arith.index_cast %add3A_1800 : i32 to index
        %get3A_1806 = arith.constant 0 : index
        %get3A_1807 = tpu.vector_load %arg12[%get3A_1805, %get3A_1806] {strides = array<i32>} : memref<640x64xf32, #tpu.memory_space<vmem>>, vector<16xf32>,
        %mul3A_1808 = arith.mulf %get3A_1189, %get3A_1807 : vector<16xf32>
        %get3A_1809 = arith.index_cast %add3A_1800 : i32 to index
        %get3A_1810 = arith.constant 16 : index
        %get3A_1811 = tpu.vector_load %arg11[%get3A_1809, %get3A_1810] {strides = array<i32>} : memref<640x64xf32, #tpu.memory_space<vmem>>, vector<16xf32>,
        %mul3A_1812 = arith.mulf %get3A_1192, %get3A_1811 : vector<16xf32>
        %add3A_1813 = arith.addf %mul3A_1804, %mul3A_1812 : vector<16xf32>
        %get3A_1814 = arith.index_cast %add3A_1800 : i32 to index
        %get3A_1815 = arith.constant 16 : index
        %get3A_1816 = tpu.vector_load %arg12[%get3A_1814, %get3A_1815] {strides = array<i32>} : memref<640x64xf32, #tpu.memory_space<vmem>>, vector<16xf32>,
        %mul3A_1817 = arith.mulf %get3A_1192, %get3A_1816 : vector<16xf32>
        %add3A_1818 = arith.addf %mul3A_1808, %mul3A_1817 : vector<16xf32>
        %get3A_1819 = arith.index_cast %add3A_1800 : i32 to index
        %get3A_1820 = arith.constant 32 : index
        %get3A_1821 = tpu.vector_load %arg11[%get3A_1819, %get3A_1820] {strides = array<i32>} : memref<640x64xf32, #tpu.memory_space<vmem>>, vector<16xf32>,
        %mul3A_1822 = arith.mulf %get3A_1195, %get3A_1821 : vector<16xf32>
        %add3A_1823 = arith.addf %add3A_1813, %mul3A_1822 : vector<16xf32>
        %get3A_1824 = arith.index_cast %add3A_1800 : i32 to index
        %get3A_1825 = arith.constant 32 : index
        %get3A_1826 = tpu.vector_load %arg12[%get3A_1824, %get3A_1825] {strides = array<i32>} : memref<640x64xf32, #tpu.memory_space<vmem>>, vector<16xf32>,
        %mul3A_1827 = arith.mulf %get3A_1195, %get3A_1826 : vector<16xf32>
        %add3A_1828 = arith.addf %add3A_1818, %mul3A_1827 : vector<16xf32>
        %get3A_1829 = arith.index_cast %add3A_1800 : i32 to index
        %get3A_1830 = arith.constant 48 : index
        %get3A_1831 = tpu.vector_load %arg11[%get3A_1829, %get3A_1830] {strides = array<i32>} : memref<640x64xf32, #tpu.memory_space<vmem>>, vector<16xf32>,
        %mul3A_1832 = arith.mulf %get3A_1198, %get3A_1831 : vector<16xf32>
        %add3A_1833 = arith.addf %add3A_1823, %mul3A_1832 : vector<16xf32>
        %get3A_1834 = arith.index_cast %add3A_1800 : i32 to index
        %get3A_1835 = arith.constant 48 : index
        %get3A_1836 = tpu.vector_load %arg12[%get3A_1834, %get3A_1835] {strides = array<i32>} : memref<640x64xf32, #tpu.memory_space<vmem>>, vector<16xf32>,
        %mul3A_1837 = arith.mulf %get3A_1198, %get3A_1836 : vector<16xf32>
        %add3A_1838 = arith.addf %add3A_1828, %mul3A_1837 : vector<16xf32>
        %broadcast_in_dim3A_1839 = arith.constant true
        %broadcast_in_dim3A_1840 = vector.broadcast %broadcast_in_dim3A_1839 : i1 to vector<16xi1>
        %masked_cumsum3A_1841 = tpu.scan <sum>, %add3A_1833 masked %broadcast_in_dim3A_1840 : vector<16xf32>, vector<16xi1> -> vector<16xf32>
        %swap3A_1842 = arith.index_cast %add3A_1800 : i32 to index
        %swap3A_1843 = tpu.vector_load %arg14[%swap3A_1842] masked %eq3A_181 {strides = array<i32>} : memref<656xf32, #tpu.memory_space<vmem>>, vector<16xf32>, vector<16xi1>
        tpu.vector_store %arg14[%swap3A_1842], %masked_cumsum3A_1841 masked %eq3A_181 {strides = array<i32>} : memref<656xf32, #tpu.memory_space<vmem>>, vector<16xf32>, vector<16xi1>
        %broadcast_in_dim3A_1844 = arith.constant true
        %broadcast_in_dim3A_1845 = vector.broadcast %broadcast_in_dim3A_1844 : i1 to vector<16xi1>
        %masked_cumsum3A_1846 = tpu.scan <sum>, %add3A_1838 masked %broadcast_in_dim3A_1845 : vector<16xf32>, vector<16xi1> -> vector<16xf32>
        %swap3A_1847 = arith.index_cast %add3A_1800 : i32 to index
        %swap3A_1848 = tpu.vector_load %arg15[%swap3A_1847] masked %eq3A_181 {strides = array<i32>} : memref<656xf32, #tpu.memory_space<vmem>>, vector<16xf32>, vector<16xi1>
        tpu.vector_store %arg15[%swap3A_1847], %masked_cumsum3A_1846 masked %eq3A_181 {strides = array<i32>} : memref<656xf32, #tpu.memory_space<vmem>>, vector<16xf32>, vector<16xi1>
        %add3A_1849 = arith.constant 13 : i32
        %add3A_1850 = arith.addi %mul3A_1200, %add3A_1849 : i32
        %get3A_1851 = arith.index_cast %add3A_1850 : i32 to index
        %get3A_1852 = arith.constant 0 : index
        %get3A_1853 = tpu.vector_load %arg11[%get3A_1851, %get3A_1852] {strides = array<i32>} : memref<640x64xf32, #tpu.memory_space<vmem>>, vector<16xf32>,
        %mul3A_1854 = arith.mulf %get3A_1189, %get3A_1853 : vector<16xf32>
        %get3A_1855 = arith.index_cast %add3A_1850 : i32 to index
        %get3A_1856 = arith.constant 0 : index
        %get3A_1857 = tpu.vector_load %arg12[%get3A_1855, %get3A_1856] {strides = array<i32>} : memref<640x64xf32, #tpu.memory_space<vmem>>, vector<16xf32>,
        %mul3A_1858 = arith.mulf %get3A_1189, %get3A_1857 : vector<16xf32>
        %get3A_1859 = arith.index_cast %add3A_1850 : i32 to index
        %get3A_1860 = arith.constant 16 : index
        %get3A_1861 = tpu.vector_load %arg11[%get3A_1859, %get3A_1860] {strides = array<i32>} : memref<640x64xf32, #tpu.memory_space<vmem>>, vector<16xf32>,
        %mul3A_1862 = arith.mulf %get3A_1192, %get3A_1861 : vector<16xf32>
        %add3A_1863 = arith.addf %mul3A_1854, %mul3A_1862 : vector<16xf32>
        %get3A_1864 = arith.index_cast %add3A_1850 : i32 to index
        %get3A_1865 = arith.constant 16 : index
        %get3A_1866 = tpu.vector_load %arg12[%get3A_1864, %get3A_1865] {strides = array<i32>} : memref<640x64xf32, #tpu.memory_space<vmem>>, vector<16xf32>,
        %mul3A_1867 = arith.mulf %get3A_1192, %get3A_1866 : vector<16xf32>
        %add3A_1868 = arith.addf %mul3A_1858, %mul3A_1867 : vector<16xf32>
        %get3A_1869 = arith.index_cast %add3A_1850 : i32 to index
        %get3A_1870 = arith.constant 32 : index
        %get3A_1871 = tpu.vector_load %arg11[%get3A_1869, %get3A_1870] {strides = array<i32>} : memref<640x64xf32, #tpu.memory_space<vmem>>, vector<16xf32>,
        %mul3A_1872 = arith.mulf %get3A_1195, %get3A_1871 : vector<16xf32>
        %add3A_1873 = arith.addf %add3A_1863, %mul3A_1872 : vector<16xf32>
        %get3A_1874 = arith.index_cast %add3A_1850 : i32 to index
        %get3A_1875 = arith.constant 32 : index
        %get3A_1876 = tpu.vector_load %arg12[%get3A_1874, %get3A_1875] {strides = array<i32>} : memref<640x64xf32, #tpu.memory_space<vmem>>, vector<16xf32>,
        %mul3A_1877 = arith.mulf %get3A_1195, %get3A_1876 : vector<16xf32>
        %add3A_1878 = arith.addf %add3A_1868, %mul3A_1877 : vector<16xf32>
        %get3A_1879 = arith.index_cast %add3A_1850 : i32 to index
        %get3A_1880 = arith.constant 48 : index
        %get3A_1881 = tpu.vector_load %arg11[%get3A_1879, %get3A_1880] {strides = array<i32>} : memref<640x64xf32, #tpu.memory_space<vmem>>, vector<16xf32>,
        %mul3A_1882 = arith.mulf %get3A_1198, %get3A_1881 : vector<16xf32>
        %add3A_1883 = arith.addf %add3A_1873, %mul3A_1882 : vector<16xf32>
        %get3A_1884 = arith.index_cast %add3A_1850 : i32 to index
        %get3A_1885 = arith.constant 48 : index
        %get3A_1886 = tpu.vector_load %arg12[%get3A_1884, %get3A_1885] {strides = array<i32>} : memref<640x64xf32, #tpu.memory_space<vmem>>, vector<16xf32>,
        %mul3A_1887 = arith.mulf %get3A_1198, %get3A_1886 : vector<16xf32>
        %add3A_1888 = arith.addf %add3A_1878, %mul3A_1887 : vector<16xf32>
        %broadcast_in_dim3A_1889 = arith.constant true
        %broadcast_in_dim3A_1890 = vector.broadcast %broadcast_in_dim3A_1889 : i1 to vector<16xi1>
        %masked_cumsum3A_1891 = tpu.scan <sum>, %add3A_1883 masked %broadcast_in_dim3A_1890 : vector<16xf32>, vector<16xi1> -> vector<16xf32>
        %swap3A_1892 = arith.index_cast %add3A_1850 : i32 to index
        %swap3A_1893 = tpu.vector_load %arg14[%swap3A_1892] masked %eq3A_181 {strides = array<i32>} : memref<656xf32, #tpu.memory_space<vmem>>, vector<16xf32>, vector<16xi1>
        tpu.vector_store %arg14[%swap3A_1892], %masked_cumsum3A_1891 masked %eq3A_181 {strides = array<i32>} : memref<656xf32, #tpu.memory_space<vmem>>, vector<16xf32>, vector<16xi1>
        %broadcast_in_dim3A_1894 = arith.constant true
        %broadcast_in_dim3A_1895 = vector.broadcast %broadcast_in_dim3A_1894 : i1 to vector<16xi1>
        %masked_cumsum3A_1896 = tpu.scan <sum>, %add3A_1888 masked %broadcast_in_dim3A_1895 : vector<16xf32>, vector<16xi1> -> vector<16xf32>
        %swap3A_1897 = arith.index_cast %add3A_1850 : i32 to index
        %swap3A_1898 = tpu.vector_load %arg15[%swap3A_1897] masked %eq3A_181 {strides = array<i32>} : memref<656xf32, #tpu.memory_space<vmem>>, vector<16xf32>, vector<16xi1>
        tpu.vector_store %arg15[%swap3A_1897], %masked_cumsum3A_1896 masked %eq3A_181 {strides = array<i32>} : memref<656xf32, #tpu.memory_space<vmem>>, vector<16xf32>, vector<16xi1>
        %add3A_1899 = arith.constant 14 : i32
        %add3A_1900 = arith.addi %mul3A_1200, %add3A_1899 : i32
        %get3A_1901 = arith.index_cast %add3A_1900 : i32 to index
        %get3A_1902 = arith.constant 0 : index
        %get3A_1903 = tpu.vector_load %arg11[%get3A_1901, %get3A_1902] {strides = array<i32>} : memref<640x64xf32, #tpu.memory_space<vmem>>, vector<16xf32>,
        %mul3A_1904 = arith.mulf %get3A_1189, %get3A_1903 : vector<16xf32>
        %get3A_1905 = arith.index_cast %add3A_1900 : i32 to index
        %get3A_1906 = arith.constant 0 : index
        %get3A_1907 = tpu.vector_load %arg12[%get3A_1905, %get3A_1906] {strides = array<i32>} : memref<640x64xf32, #tpu.memory_space<vmem>>, vector<16xf32>,
        %mul3A_1908 = arith.mulf %get3A_1189, %get3A_1907 : vector<16xf32>
        %get3A_1909 = arith.index_cast %add3A_1900 : i32 to index
        %get3A_1910 = arith.constant 16 : index
        %get3A_1911 = tpu.vector_load %arg11[%get3A_1909, %get3A_1910] {strides = array<i32>} : memref<640x64xf32, #tpu.memory_space<vmem>>, vector<16xf32>,
        %mul3A_1912 = arith.mulf %get3A_1192, %get3A_1911 : vector<16xf32>
        %add3A_1913 = arith.addf %mul3A_1904, %mul3A_1912 : vector<16xf32>
        %get3A_1914 = arith.index_cast %add3A_1900 : i32 to index
        %get3A_1915 = arith.constant 16 : index
        %get3A_1916 = tpu.vector_load %arg12[%get3A_1914, %get3A_1915] {strides = array<i32>} : memref<640x64xf32, #tpu.memory_space<vmem>>, vector<16xf32>,
        %mul3A_1917 = arith.mulf %get3A_1192, %get3A_1916 : vector<16xf32>
        %add3A_1918 = arith.addf %mul3A_1908, %mul3A_1917 : vector<16xf32>
        %get3A_1919 = arith.index_cast %add3A_1900 : i32 to index
        %get3A_1920 = arith.constant 32 : index
        %get3A_1921 = tpu.vector_load %arg11[%get3A_1919, %get3A_1920] {strides = array<i32>} : memref<640x64xf32, #tpu.memory_space<vmem>>, vector<16xf32>,
        %mul3A_1922 = arith.mulf %get3A_1195, %get3A_1921 : vector<16xf32>
        %add3A_1923 = arith.addf %add3A_1913, %mul3A_1922 : vector<16xf32>
        %get3A_1924 = arith.index_cast %add3A_1900 : i32 to index
        %get3A_1925 = arith.constant 32 : index
        %get3A_1926 = tpu.vector_load %arg12[%get3A_1924, %get3A_1925] {strides = array<i32>} : memref<640x64xf32, #tpu.memory_space<vmem>>, vector<16xf32>,
        %mul3A_1927 = arith.mulf %get3A_1195, %get3A_1926 : vector<16xf32>
        %add3A_1928 = arith.addf %add3A_1918, %mul3A_1927 : vector<16xf32>
        %get3A_1929 = arith.index_cast %add3A_1900 : i32 to index
        %get3A_1930 = arith.constant 48 : index
        %get3A_1931 = tpu.vector_load %arg11[%get3A_1929, %get3A_1930] {strides = array<i32>} : memref<640x64xf32, #tpu.memory_space<vmem>>, vector<16xf32>,
        %mul3A_1932 = arith.mulf %get3A_1198, %get3A_1931 : vector<16xf32>
        %add3A_1933 = arith.addf %add3A_1923, %mul3A_1932 : vector<16xf32>
        %get3A_1934 = arith.index_cast %add3A_1900 : i32 to index
        %get3A_1935 = arith.constant 48 : index
        %get3A_1936 = tpu.vector_load %arg12[%get3A_1934, %get3A_1935] {strides = array<i32>} : memref<640x64xf32, #tpu.memory_space<vmem>>, vector<16xf32>,
        %mul3A_1937 = arith.mulf %get3A_1198, %get3A_1936 : vector<16xf32>
        %add3A_1938 = arith.addf %add3A_1928, %mul3A_1937 : vector<16xf32>
        %broadcast_in_dim3A_1939 = arith.constant true
        %broadcast_in_dim3A_1940 = vector.broadcast %broadcast_in_dim3A_1939 : i1 to vector<16xi1>
        %masked_cumsum3A_1941 = tpu.scan <sum>, %add3A_1933 masked %broadcast_in_dim3A_1940 : vector<16xf32>, vector<16xi1> -> vector<16xf32>
        %swap3A_1942 = arith.index_cast %add3A_1900 : i32 to index
        %swap3A_1943 = tpu.vector_load %arg14[%swap3A_1942] masked %eq3A_181 {strides = array<i32>} : memref<656xf32, #tpu.memory_space<vmem>>, vector<16xf32>, vector<16xi1>
        tpu.vector_store %arg14[%swap3A_1942], %masked_cumsum3A_1941 masked %eq3A_181 {strides = array<i32>} : memref<656xf32, #tpu.memory_space<vmem>>, vector<16xf32>, vector<16xi1>
        %broadcast_in_dim3A_1944 = arith.constant true
        %broadcast_in_dim3A_1945 = vector.broadcast %broadcast_in_dim3A_1944 : i1 to vector<16xi1>
        %masked_cumsum3A_1946 = tpu.scan <sum>, %add3A_1938 masked %broadcast_in_dim3A_1945 : vector<16xf32>, vector<16xi1> -> vector<16xf32>
        %swap3A_1947 = arith.index_cast %add3A_1900 : i32 to index
        %swap3A_1948 = tpu.vector_load %arg15[%swap3A_1947] masked %eq3A_181 {strides = array<i32>} : memref<656xf32, #tpu.memory_space<vmem>>, vector<16xf32>, vector<16xi1>
        tpu.vector_store %arg15[%swap3A_1947], %masked_cumsum3A_1946 masked %eq3A_181 {strides = array<i32>} : memref<656xf32, #tpu.memory_space<vmem>>, vector<16xf32>, vector<16xi1>
        %add3A_1949 = arith.constant 15 : i32
        %add3A_1950 = arith.addi %mul3A_1200, %add3A_1949 : i32
        %get3A_1951 = arith.index_cast %add3A_1950 : i32 to index
        %get3A_1952 = arith.constant 0 : index
        %get3A_1953 = tpu.vector_load %arg11[%get3A_1951, %get3A_1952] {strides = array<i32>} : memref<640x64xf32, #tpu.memory_space<vmem>>, vector<16xf32>,
        %mul3A_1954 = arith.mulf %get3A_1189, %get3A_1953 : vector<16xf32>
        %get3A_1955 = arith.index_cast %add3A_1950 : i32 to index
        %get3A_1956 = arith.constant 0 : index
        %get3A_1957 = tpu.vector_load %arg12[%get3A_1955, %get3A_1956] {strides = array<i32>} : memref<640x64xf32, #tpu.memory_space<vmem>>, vector<16xf32>,
        %mul3A_1958 = arith.mulf %get3A_1189, %get3A_1957 : vector<16xf32>
        %get3A_1959 = arith.index_cast %add3A_1950 : i32 to index
        %get3A_1960 = arith.constant 16 : index
        %get3A_1961 = tpu.vector_load %arg11[%get3A_1959, %get3A_1960] {strides = array<i32>} : memref<640x64xf32, #tpu.memory_space<vmem>>, vector<16xf32>,
        %mul3A_1962 = arith.mulf %get3A_1192, %get3A_1961 : vector<16xf32>
        %add3A_1963 = arith.addf %mul3A_1954, %mul3A_1962 : vector<16xf32>
        %get3A_1964 = arith.index_cast %add3A_1950 : i32 to index
        %get3A_1965 = arith.constant 16 : index
        %get3A_1966 = tpu.vector_load %arg12[%get3A_1964, %get3A_1965] {strides = array<i32>} : memref<640x64xf32, #tpu.memory_space<vmem>>, vector<16xf32>,
        %mul3A_1967 = arith.mulf %get3A_1192, %get3A_1966 : vector<16xf32>
        %add3A_1968 = arith.addf %mul3A_1958, %mul3A_1967 : vector<16xf32>
        %get3A_1969 = arith.index_cast %add3A_1950 : i32 to index
        %get3A_1970 = arith.constant 32 : index
        %get3A_1971 = tpu.vector_load %arg11[%get3A_1969, %get3A_1970] {strides = array<i32>} : memref<640x64xf32, #tpu.memory_space<vmem>>, vector<16xf32>,
        %mul3A_1972 = arith.mulf %get3A_1195, %get3A_1971 : vector<16xf32>
        %add3A_1973 = arith.addf %add3A_1963, %mul3A_1972 : vector<16xf32>
        %get3A_1974 = arith.index_cast %add3A_1950 : i32 to index
        %get3A_1975 = arith.constant 32 : index
        %get3A_1976 = tpu.vector_load %arg12[%get3A_1974, %get3A_1975] {strides = array<i32>} : memref<640x64xf32, #tpu.memory_space<vmem>>, vector<16xf32>,
        %mul3A_1977 = arith.mulf %get3A_1195, %get3A_1976 : vector<16xf32>
        %add3A_1978 = arith.addf %add3A_1968, %mul3A_1977 : vector<16xf32>
        %get3A_1979 = arith.index_cast %add3A_1950 : i32 to index
        %get3A_1980 = arith.constant 48 : index
        %get3A_1981 = tpu.vector_load %arg11[%get3A_1979, %get3A_1980] {strides = array<i32>} : memref<640x64xf32, #tpu.memory_space<vmem>>, vector<16xf32>,
        %mul3A_1982 = arith.mulf %get3A_1198, %get3A_1981 : vector<16xf32>
        %add3A_1983 = arith.addf %add3A_1973, %mul3A_1982 : vector<16xf32>
        %get3A_1984 = arith.index_cast %add3A_1950 : i32 to index
        %get3A_1985 = arith.constant 48 : index
        %get3A_1986 = tpu.vector_load %arg12[%get3A_1984, %get3A_1985] {strides = array<i32>} : memref<640x64xf32, #tpu.memory_space<vmem>>, vector<16xf32>,
        %mul3A_1987 = arith.mulf %get3A_1198, %get3A_1986 : vector<16xf32>
        %add3A_1988 = arith.addf %add3A_1978, %mul3A_1987 : vector<16xf32>
        %broadcast_in_dim3A_1989 = arith.constant true
        %broadcast_in_dim3A_1990 = vector.broadcast %broadcast_in_dim3A_1989 : i1 to vector<16xi1>
        %masked_cumsum3A_1991 = tpu.scan <sum>, %add3A_1983 masked %broadcast_in_dim3A_1990 : vector<16xf32>, vector<16xi1> -> vector<16xf32>
        %swap3A_1992 = arith.index_cast %add3A_1950 : i32 to index
        %swap3A_1993 = tpu.vector_load %arg14[%swap3A_1992] masked %eq3A_181 {strides = array<i32>} : memref<656xf32, #tpu.memory_space<vmem>>, vector<16xf32>, vector<16xi1>
        tpu.vector_store %arg14[%swap3A_1992], %masked_cumsum3A_1991 masked %eq3A_181 {strides = array<i32>} : memref<656xf32, #tpu.memory_space<vmem>>, vector<16xf32>, vector<16xi1>
        %broadcast_in_dim3A_1994 = arith.constant true
        %broadcast_in_dim3A_1995 = vector.broadcast %broadcast_in_dim3A_1994 : i1 to vector<16xi1>
        %masked_cumsum3A_1996 = tpu.scan <sum>, %add3A_1988 masked %broadcast_in_dim3A_1995 : vector<16xf32>, vector<16xi1> -> vector<16xf32>
        %swap3A_1997 = arith.index_cast %add3A_1950 : i32 to index
        %swap3A_1998 = tpu.vector_load %arg15[%swap3A_1997] masked %eq3A_181 {strides = array<i32>} : memref<656xf32, #tpu.memory_space<vmem>>, vector<16xf32>, vector<16xi1>
        tpu.vector_store %arg15[%swap3A_1997], %masked_cumsum3A_1996 masked %eq3A_181 {strides = array<i32>} : memref<656xf32, #tpu.memory_space<vmem>>, vector<16xf32>, vector<16xi1>
        %add3A_1999 = arith.constant 16 : i32
        %add3A_2000 = arith.addi %mul3A_1200, %add3A_1999 : i32
        %get3A_2001 = arith.index_cast %add3A_2000 : i32 to index
        %get3A_2002 = arith.constant 0 : index
        %get3A_2003 = tpu.vector_load %arg11[%get3A_2001, %get3A_2002] {strides = array<i32>} : memref<640x64xf32, #tpu.memory_space<vmem>>, vector<16xf32>,
        %mul3A_2004 = arith.mulf %get3A_1189, %get3A_2003 : vector<16xf32>
        %get3A_2005 = arith.index_cast %add3A_2000 : i32 to index
        %get3A_2006 = arith.constant 0 : index
        %get3A_2007 = tpu.vector_load %arg12[%get3A_2005, %get3A_2006] {strides = array<i32>} : memref<640x64xf32, #tpu.memory_space<vmem>>, vector<16xf32>,
        %mul3A_2008 = arith.mulf %get3A_1189, %get3A_2007 : vector<16xf32>
        %get3A_2009 = arith.index_cast %add3A_2000 : i32 to index
        %get3A_2010 = arith.constant 16 : index
        %get3A_2011 = tpu.vector_load %arg11[%get3A_2009, %get3A_2010] {strides = array<i32>} : memref<640x64xf32, #tpu.memory_space<vmem>>, vector<16xf32>,
        %mul3A_2012 = arith.mulf %get3A_1192, %get3A_2011 : vector<16xf32>
        %add3A_2013 = arith.addf %mul3A_2004, %mul3A_2012 : vector<16xf32>
        %get3A_2014 = arith.index_cast %add3A_2000 : i32 to index
        %get3A_2015 = arith.constant 16 : index
        %get3A_2016 = tpu.vector_load %arg12[%get3A_2014, %get3A_2015] {strides = array<i32>} : memref<640x64xf32, #tpu.memory_space<vmem>>, vector<16xf32>,
        %mul3A_2017 = arith.mulf %get3A_1192, %get3A_2016 : vector<16xf32>
        %add3A_2018 = arith.addf %mul3A_2008, %mul3A_2017 : vector<16xf32>
        %get3A_2019 = arith.index_cast %add3A_2000 : i32 to index
        %get3A_2020 = arith.constant 32 : index
        %get3A_2021 = tpu.vector_load %arg11[%get3A_2019, %get3A_2020] {strides = array<i32>} : memref<640x64xf32, #tpu.memory_space<vmem>>, vector<16xf32>,
        %mul3A_2022 = arith.mulf %get3A_1195, %get3A_2021 : vector<16xf32>
        %add3A_2023 = arith.addf %add3A_2013, %mul3A_2022 : vector<16xf32>
        %get3A_2024 = arith.index_cast %add3A_2000 : i32 to index
        %get3A_2025 = arith.constant 32 : index
        %get3A_2026 = tpu.vector_load %arg12[%get3A_2024, %get3A_2025] {strides = array<i32>} : memref<640x64xf32, #tpu.memory_space<vmem>>, vector<16xf32>,
        %mul3A_2027 = arith.mulf %get3A_1195, %get3A_2026 : vector<16xf32>
        %add3A_2028 = arith.addf %add3A_2018, %mul3A_2027 : vector<16xf32>
        %get3A_2029 = arith.index_cast %add3A_2000 : i32 to index
        %get3A_2030 = arith.constant 48 : index
        %get3A_2031 = tpu.vector_load %arg11[%get3A_2029, %get3A_2030] {strides = array<i32>} : memref<640x64xf32, #tpu.memory_space<vmem>>, vector<16xf32>,
        %mul3A_2032 = arith.mulf %get3A_1198, %get3A_2031 : vector<16xf32>
        %add3A_2033 = arith.addf %add3A_2023, %mul3A_2032 : vector<16xf32>
        %get3A_2034 = arith.index_cast %add3A_2000 : i32 to index
        %get3A_2035 = arith.constant 48 : index
        %get3A_2036 = tpu.vector_load %arg12[%get3A_2034, %get3A_2035] {strides = array<i32>} : memref<640x64xf32, #tpu.memory_space<vmem>>, vector<16xf32>,
        %mul3A_2037 = arith.mulf %get3A_1198, %get3A_2036 : vector<16xf32>
        %add3A_2038 = arith.addf %add3A_2028, %mul3A_2037 : vector<16xf32>
        %broadcast_in_dim3A_2039 = arith.constant true
        %broadcast_in_dim3A_2040 = vector.broadcast %broadcast_in_dim3A_2039 : i1 to vector<16xi1>
        %masked_cumsum3A_2041 = tpu.scan <sum>, %add3A_2033 masked %broadcast_in_dim3A_2040 : vector<16xf32>, vector<16xi1> -> vector<16xf32>
        %swap3A_2042 = arith.index_cast %add3A_2000 : i32 to index
        %swap3A_2043 = tpu.vector_load %arg14[%swap3A_2042] masked %eq3A_181 {strides = array<i32>} : memref<656xf32, #tpu.memory_space<vmem>>, vector<16xf32>, vector<16xi1>
        tpu.vector_store %arg14[%swap3A_2042], %masked_cumsum3A_2041 masked %eq3A_181 {strides = array<i32>} : memref<656xf32, #tpu.memory_space<vmem>>, vector<16xf32>, vector<16xi1>
        %broadcast_in_dim3A_2044 = arith.constant true
        %broadcast_in_dim3A_2045 = vector.broadcast %broadcast_in_dim3A_2044 : i1 to vector<16xi1>
        %masked_cumsum3A_2046 = tpu.scan <sum>, %add3A_2038 masked %broadcast_in_dim3A_2045 : vector<16xf32>, vector<16xi1> -> vector<16xf32>
        %swap3A_2047 = arith.index_cast %add3A_2000 : i32 to index
        %swap3A_2048 = tpu.vector_load %arg15[%swap3A_2047] masked %eq3A_181 {strides = array<i32>} : memref<656xf32, #tpu.memory_space<vmem>>, vector<16xf32>, vector<16xi1>
        tpu.vector_store %arg15[%swap3A_2047], %masked_cumsum3A_2046 masked %eq3A_181 {strides = array<i32>} : memref<656xf32, #tpu.memory_space<vmem>>, vector<16xf32>, vector<16xi1>
        %add3A_2049 = arith.constant 17 : i32
        %add3A_2050 = arith.addi %mul3A_1200, %add3A_2049 : i32
        %get3A_2051 = arith.index_cast %add3A_2050 : i32 to index
        %get3A_2052 = arith.constant 0 : index
        %get3A_2053 = tpu.vector_load %arg11[%get3A_2051, %get3A_2052] {strides = array<i32>} : memref<640x64xf32, #tpu.memory_space<vmem>>, vector<16xf32>,
        %mul3A_2054 = arith.mulf %get3A_1189, %get3A_2053 : vector<16xf32>
        %get3A_2055 = arith.index_cast %add3A_2050 : i32 to index
        %get3A_2056 = arith.constant 0 : index
        %get3A_2057 = tpu.vector_load %arg12[%get3A_2055, %get3A_2056] {strides = array<i32>} : memref<640x64xf32, #tpu.memory_space<vmem>>, vector<16xf32>,
        %mul3A_2058 = arith.mulf %get3A_1189, %get3A_2057 : vector<16xf32>
        %get3A_2059 = arith.index_cast %add3A_2050 : i32 to index
        %get3A_2060 = arith.constant 16 : index
        %get3A_2061 = tpu.vector_load %arg11[%get3A_2059, %get3A_2060] {strides = array<i32>} : memref<640x64xf32, #tpu.memory_space<vmem>>, vector<16xf32>,
        %mul3A_2062 = arith.mulf %get3A_1192, %get3A_2061 : vector<16xf32>
        %add3A_2063 = arith.addf %mul3A_2054, %mul3A_2062 : vector<16xf32>
        %get3A_2064 = arith.index_cast %add3A_2050 : i32 to index
        %get3A_2065 = arith.constant 16 : index
        %get3A_2066 = tpu.vector_load %arg12[%get3A_2064, %get3A_2065] {strides = array<i32>} : memref<640x64xf32, #tpu.memory_space<vmem>>, vector<16xf32>,
        %mul3A_2067 = arith.mulf %get3A_1192, %get3A_2066 : vector<16xf32>
        %add3A_2068 = arith.addf %mul3A_2058, %mul3A_2067 : vector<16xf32>
        %get3A_2069 = arith.index_cast %add3A_2050 : i32 to index
        %get3A_2070 = arith.constant 32 : index
        %get3A_2071 = tpu.vector_load %arg11[%get3A_2069, %get3A_2070] {strides = array<i32>} : memref<640x64xf32, #tpu.memory_space<vmem>>, vector<16xf32>,
        %mul3A_2072 = arith.mulf %get3A_1195, %get3A_2071 : vector<16xf32>
        %add3A_2073 = arith.addf %add3A_2063, %mul3A_2072 : vector<16xf32>
        %get3A_2074 = arith.index_cast %add3A_2050 : i32 to index
        %get3A_2075 = arith.constant 32 : index
        %get3A_2076 = tpu.vector_load %arg12[%get3A_2074, %get3A_2075] {strides = array<i32>} : memref<640x64xf32, #tpu.memory_space<vmem>>, vector<16xf32>,
        %mul3A_2077 = arith.mulf %get3A_1195, %get3A_2076 : vector<16xf32>
        %add3A_2078 = arith.addf %add3A_2068, %mul3A_2077 : vector<16xf32>
        %get3A_2079 = arith.index_cast %add3A_2050 : i32 to index
        %get3A_2080 = arith.constant 48 : index
        %get3A_2081 = tpu.vector_load %arg11[%get3A_2079, %get3A_2080] {strides = array<i32>} : memref<640x64xf32, #tpu.memory_space<vmem>>, vector<16xf32>,
        %mul3A_2082 = arith.mulf %get3A_1198, %get3A_2081 : vector<16xf32>
        %add3A_2083 = arith.addf %add3A_2073, %mul3A_2082 : vector<16xf32>
        %get3A_2084 = arith.index_cast %add3A_2050 : i32 to index
        %get3A_2085 = arith.constant 48 : index
        %get3A_2086 = tpu.vector_load %arg12[%get3A_2084, %get3A_2085] {strides = array<i32>} : memref<640x64xf32, #tpu.memory_space<vmem>>, vector<16xf32>,
        %mul3A_2087 = arith.mulf %get3A_1198, %get3A_2086 : vector<16xf32>
        %add3A_2088 = arith.addf %add3A_2078, %mul3A_2087 : vector<16xf32>
        %broadcast_in_dim3A_2089 = arith.constant true
        %broadcast_in_dim3A_2090 = vector.broadcast %broadcast_in_dim3A_2089 : i1 to vector<16xi1>
        %masked_cumsum3A_2091 = tpu.scan <sum>, %add3A_2083 masked %broadcast_in_dim3A_2090 : vector<16xf32>, vector<16xi1> -> vector<16xf32>
        %swap3A_2092 = arith.index_cast %add3A_2050 : i32 to index
        %swap3A_2093 = tpu.vector_load %arg14[%swap3A_2092] masked %eq3A_181 {strides = array<i32>} : memref<656xf32, #tpu.memory_space<vmem>>, vector<16xf32>, vector<16xi1>
        tpu.vector_store %arg14[%swap3A_2092], %masked_cumsum3A_2091 masked %eq3A_181 {strides = array<i32>} : memref<656xf32, #tpu.memory_space<vmem>>, vector<16xf32>, vector<16xi1>
        %broadcast_in_dim3A_2094 = arith.constant true
        %broadcast_in_dim3A_2095 = vector.broadcast %broadcast_in_dim3A_2094 : i1 to vector<16xi1>
        %masked_cumsum3A_2096 = tpu.scan <sum>, %add3A_2088 masked %broadcast_in_dim3A_2095 : vector<16xf32>, vector<16xi1> -> vector<16xf32>
        %swap3A_2097 = arith.index_cast %add3A_2050 : i32 to index
        %swap3A_2098 = tpu.vector_load %arg15[%swap3A_2097] masked %eq3A_181 {strides = array<i32>} : memref<656xf32, #tpu.memory_space<vmem>>, vector<16xf32>, vector<16xi1>
        tpu.vector_store %arg15[%swap3A_2097], %masked_cumsum3A_2096 masked %eq3A_181 {strides = array<i32>} : memref<656xf32, #tpu.memory_space<vmem>>, vector<16xf32>, vector<16xi1>
        %add3A_2099 = arith.constant 18 : i32
        %add3A_2100 = arith.addi %mul3A_1200, %add3A_2099 : i32
        %get3A_2101 = arith.index_cast %add3A_2100 : i32 to index
        %get3A_2102 = arith.constant 0 : index
        %get3A_2103 = tpu.vector_load %arg11[%get3A_2101, %get3A_2102] {strides = array<i32>} : memref<640x64xf32, #tpu.memory_space<vmem>>, vector<16xf32>,
        %mul3A_2104 = arith.mulf %get3A_1189, %get3A_2103 : vector<16xf32>
        %get3A_2105 = arith.index_cast %add3A_2100 : i32 to index
        %get3A_2106 = arith.constant 0 : index
        %get3A_2107 = tpu.vector_load %arg12[%get3A_2105, %get3A_2106] {strides = array<i32>} : memref<640x64xf32, #tpu.memory_space<vmem>>, vector<16xf32>,
        %mul3A_2108 = arith.mulf %get3A_1189, %get3A_2107 : vector<16xf32>
        %get3A_2109 = arith.index_cast %add3A_2100 : i32 to index
        %get3A_2110 = arith.constant 16 : index
        %get3A_2111 = tpu.vector_load %arg11[%get3A_2109, %get3A_2110] {strides = array<i32>} : memref<640x64xf32, #tpu.memory_space<vmem>>, vector<16xf32>,
        %mul3A_2112 = arith.mulf %get3A_1192, %get3A_2111 : vector<16xf32>
        %add3A_2113 = arith.addf %mul3A_2104, %mul3A_2112 : vector<16xf32>
        %get3A_2114 = arith.index_cast %add3A_2100 : i32 to index
        %get3A_2115 = arith.constant 16 : index
        %get3A_2116 = tpu.vector_load %arg12[%get3A_2114, %get3A_2115] {strides = array<i32>} : memref<640x64xf32, #tpu.memory_space<vmem>>, vector<16xf32>,
        %mul3A_2117 = arith.mulf %get3A_1192, %get3A_2116 : vector<16xf32>
        %add3A_2118 = arith.addf %mul3A_2108, %mul3A_2117 : vector<16xf32>
        %get3A_2119 = arith.index_cast %add3A_2100 : i32 to index
        %get3A_2120 = arith.constant 32 : index
        %get3A_2121 = tpu.vector_load %arg11[%get3A_2119, %get3A_2120] {strides = array<i32>} : memref<640x64xf32, #tpu.memory_space<vmem>>, vector<16xf32>,
        %mul3A_2122 = arith.mulf %get3A_1195, %get3A_2121 : vector<16xf32>
        %add3A_2123 = arith.addf %add3A_2113, %mul3A_2122 : vector<16xf32>
        %get3A_2124 = arith.index_cast %add3A_2100 : i32 to index
        %get3A_2125 = arith.constant 32 : index
        %get3A_2126 = tpu.vector_load %arg12[%get3A_2124, %get3A_2125] {strides = array<i32>} : memref<640x64xf32, #tpu.memory_space<vmem>>, vector<16xf32>,
        %mul3A_2127 = arith.mulf %get3A_1195, %get3A_2126 : vector<16xf32>
        %add3A_2128 = arith.addf %add3A_2118, %mul3A_2127 : vector<16xf32>
        %get3A_2129 = arith.index_cast %add3A_2100 : i32 to index
        %get3A_2130 = arith.constant 48 : index
        %get3A_2131 = tpu.vector_load %arg11[%get3A_2129, %get3A_2130] {strides = array<i32>} : memref<640x64xf32, #tpu.memory_space<vmem>>, vector<16xf32>,
        %mul3A_2132 = arith.mulf %get3A_1198, %get3A_2131 : vector<16xf32>
        %add3A_2133 = arith.addf %add3A_2123, %mul3A_2132 : vector<16xf32>
        %get3A_2134 = arith.index_cast %add3A_2100 : i32 to index
        %get3A_2135 = arith.constant 48 : index
        %get3A_2136 = tpu.vector_load %arg12[%get3A_2134, %get3A_2135] {strides = array<i32>} : memref<640x64xf32, #tpu.memory_space<vmem>>, vector<16xf32>,
        %mul3A_2137 = arith.mulf %get3A_1198, %get3A_2136 : vector<16xf32>
        %add3A_2138 = arith.addf %add3A_2128, %mul3A_2137 : vector<16xf32>
        %broadcast_in_dim3A_2139 = arith.constant true
        %broadcast_in_dim3A_2140 = vector.broadcast %broadcast_in_dim3A_2139 : i1 to vector<16xi1>
        %masked_cumsum3A_2141 = tpu.scan <sum>, %add3A_2133 masked %broadcast_in_dim3A_2140 : vector<16xf32>, vector<16xi1> -> vector<16xf32>
        %swap3A_2142 = arith.index_cast %add3A_2100 : i32 to index
        %swap3A_2143 = tpu.vector_load %arg14[%swap3A_2142] masked %eq3A_181 {strides = array<i32>} : memref<656xf32, #tpu.memory_space<vmem>>, vector<16xf32>, vector<16xi1>
        tpu.vector_store %arg14[%swap3A_2142], %masked_cumsum3A_2141 masked %eq3A_181 {strides = array<i32>} : memref<656xf32, #tpu.memory_space<vmem>>, vector<16xf32>, vector<16xi1>
        %broadcast_in_dim3A_2144 = arith.constant true
        %broadcast_in_dim3A_2145 = vector.broadcast %broadcast_in_dim3A_2144 : i1 to vector<16xi1>
        %masked_cumsum3A_2146 = tpu.scan <sum>, %add3A_2138 masked %broadcast_in_dim3A_2145 : vector<16xf32>, vector<16xi1> -> vector<16xf32>
        %swap3A_2147 = arith.index_cast %add3A_2100 : i32 to index
        %swap3A_2148 = tpu.vector_load %arg15[%swap3A_2147] masked %eq3A_181 {strides = array<i32>} : memref<656xf32, #tpu.memory_space<vmem>>, vector<16xf32>, vector<16xi1>
        tpu.vector_store %arg15[%swap3A_2147], %masked_cumsum3A_2146 masked %eq3A_181 {strides = array<i32>} : memref<656xf32, #tpu.memory_space<vmem>>, vector<16xf32>, vector<16xi1>
        %add3A_2149 = arith.constant 19 : i32
        %add3A_2150 = arith.addi %mul3A_1200, %add3A_2149 : i32
        %get3A_2151 = arith.index_cast %add3A_2150 : i32 to index
        %get3A_2152 = arith.constant 0 : index
        %get3A_2153 = tpu.vector_load %arg11[%get3A_2151, %get3A_2152] {strides = array<i32>} : memref<640x64xf32, #tpu.memory_space<vmem>>, vector<16xf32>,
        %mul3A_2154 = arith.mulf %get3A_1189, %get3A_2153 : vector<16xf32>
        %get3A_2155 = arith.index_cast %add3A_2150 : i32 to index
        %get3A_2156 = arith.constant 0 : index
        %get3A_2157 = tpu.vector_load %arg12[%get3A_2155, %get3A_2156] {strides = array<i32>} : memref<640x64xf32, #tpu.memory_space<vmem>>, vector<16xf32>,
        %mul3A_2158 = arith.mulf %get3A_1189, %get3A_2157 : vector<16xf32>
        %get3A_2159 = arith.index_cast %add3A_2150 : i32 to index
        %get3A_2160 = arith.constant 16 : index
        %get3A_2161 = tpu.vector_load %arg11[%get3A_2159, %get3A_2160] {strides = array<i32>} : memref<640x64xf32, #tpu.memory_space<vmem>>, vector<16xf32>,
        %mul3A_2162 = arith.mulf %get3A_1192, %get3A_2161 : vector<16xf32>
        %add3A_2163 = arith.addf %mul3A_2154, %mul3A_2162 : vector<16xf32>
        %get3A_2164 = arith.index_cast %add3A_2150 : i32 to index
        %get3A_2165 = arith.constant 16 : index
        %get3A_2166 = tpu.vector_load %arg12[%get3A_2164, %get3A_2165] {strides = array<i32>} : memref<640x64xf32, #tpu.memory_space<vmem>>, vector<16xf32>,
        %mul3A_2167 = arith.mulf %get3A_1192, %get3A_2166 : vector<16xf32>
        %add3A_2168 = arith.addf %mul3A_2158, %mul3A_2167 : vector<16xf32>
        %get3A_2169 = arith.index_cast %add3A_2150 : i32 to index
        %get3A_2170 = arith.constant 32 : index
        %get3A_2171 = tpu.vector_load %arg11[%get3A_2169, %get3A_2170] {strides = array<i32>} : memref<640x64xf32, #tpu.memory_space<vmem>>, vector<16xf32>,
        %mul3A_2172 = arith.mulf %get3A_1195, %get3A_2171 : vector<16xf32>
        %add3A_2173 = arith.addf %add3A_2163, %mul3A_2172 : vector<16xf32>
        %get3A_2174 = arith.index_cast %add3A_2150 : i32 to index
        %get3A_2175 = arith.constant 32 : index
        %get3A_2176 = tpu.vector_load %arg12[%get3A_2174, %get3A_2175] {strides = array<i32>} : memref<640x64xf32, #tpu.memory_space<vmem>>, vector<16xf32>,
        %mul3A_2177 = arith.mulf %get3A_1195, %get3A_2176 : vector<16xf32>
        %add3A_2178 = arith.addf %add3A_2168, %mul3A_2177 : vector<16xf32>
        %get3A_2179 = arith.index_cast %add3A_2150 : i32 to index
        %get3A_2180 = arith.constant 48 : index
        %get3A_2181 = tpu.vector_load %arg11[%get3A_2179, %get3A_2180] {strides = array<i32>} : memref<640x64xf32, #tpu.memory_space<vmem>>, vector<16xf32>,
        %mul3A_2182 = arith.mulf %get3A_1198, %get3A_2181 : vector<16xf32>
        %add3A_2183 = arith.addf %add3A_2173, %mul3A_2182 : vector<16xf32>
        %get3A_2184 = arith.index_cast %add3A_2150 : i32 to index
        %get3A_2185 = arith.constant 48 : index
        %get3A_2186 = tpu.vector_load %arg12[%get3A_2184, %get3A_2185] {strides = array<i32>} : memref<640x64xf32, #tpu.memory_space<vmem>>, vector<16xf32>,
        %mul3A_2187 = arith.mulf %get3A_1198, %get3A_2186 : vector<16xf32>
        %add3A_2188 = arith.addf %add3A_2178, %mul3A_2187 : vector<16xf32>
        %broadcast_in_dim3A_2189 = arith.constant true
        %broadcast_in_dim3A_2190 = vector.broadcast %broadcast_in_dim3A_2189 : i1 to vector<16xi1>
        %masked_cumsum3A_2191 = tpu.scan <sum>, %add3A_2183 masked %broadcast_in_dim3A_2190 : vector<16xf32>, vector<16xi1> -> vector<16xf32>
        %swap3A_2192 = arith.index_cast %add3A_2150 : i32 to index
        %swap3A_2193 = tpu.vector_load %arg14[%swap3A_2192] masked %eq3A_181 {strides = array<i32>} : memref<656xf32, #tpu.memory_space<vmem>>, vector<16xf32>, vector<16xi1>
        tpu.vector_store %arg14[%swap3A_2192], %masked_cumsum3A_2191 masked %eq3A_181 {strides = array<i32>} : memref<656xf32, #tpu.memory_space<vmem>>, vector<16xf32>, vector<16xi1>
        %broadcast_in_dim3A_2194 = arith.constant true
        %broadcast_in_dim3A_2195 = vector.broadcast %broadcast_in_dim3A_2194 : i1 to vector<16xi1>
        %masked_cumsum3A_2196 = tpu.scan <sum>, %add3A_2188 masked %broadcast_in_dim3A_2195 : vector<16xf32>, vector<16xi1> -> vector<16xf32>
        %swap3A_2197 = arith.index_cast %add3A_2150 : i32 to index
        %swap3A_2198 = tpu.vector_load %arg15[%swap3A_2197] masked %eq3A_181 {strides = array<i32>} : memref<656xf32, #tpu.memory_space<vmem>>, vector<16xf32>, vector<16xi1>
        tpu.vector_store %arg15[%swap3A_2197], %masked_cumsum3A_2196 masked %eq3A_181 {strides = array<i32>} : memref<656xf32, #tpu.memory_space<vmem>>, vector<16xf32>, vector<16xi1>
        %scan3A_2199 = arith.constant 0 : i32
        scf.yield %scan3A_2199 : i32
      }
      %scan3A_188 = arith.constant 32 : i32
      %get3A = arith.constant 0 : index
      %get3A_189 = tpu.vector_load %arg14[%get3A] {strides = array<i32>} : memref<656xf32, #tpu.memory_space<vmem>>, vector<16xf32>,
      %neg3A = arith.constant 0.000000e+00 : f32
      %neg3A_190 = vector.broadcast %neg3A : f32 to vector<16xf32>
      %neg3A_191 = arith.subf %neg3A_190, %get3A_189 : vector<16xf32>
      %exp3A = math.exp %neg3A_191 : vector<16xf32>
      %add3A_192 = arith.constant 1.000000e+00 : f32
      %add3A_193 = vector.broadcast %add3A_192 : f32 to vector<16xf32>
      %add3A_194 = arith.addf %add3A_193, %exp3A : vector<16xf32>
      %div3A = arith.constant 1.000000e+00 : f32
      %div3A_195 = vector.broadcast %div3A : f32 to vector<16xf32>
      %div3A_196 = arith.divf %div3A_195, %add3A_194 : vector<16xf32>
      %swap3A = arith.constant 0 : index
      %swap3A_197 = tpu.vector_load %arg14[%swap3A] {strides = array<i32>} : memref<656xf32, #tpu.memory_space<vmem>>, vector<16xf32>,
      tpu.vector_store %arg14[%swap3A], %div3A_196 {strides = array<i32>} : memref<656xf32, #tpu.memory_space<vmem>>, vector<16xf32>,
      %get3A_198 = arith.constant 0 : index
      %get3A_199 = tpu.vector_load %arg15[%get3A_198] {strides = array<i32>} : memref<656xf32, #tpu.memory_space<vmem>>, vector<16xf32>,
      %exp3A_200 = math.exp %get3A_199 : vector<16xf32>
      %add3A_201 = arith.constant 1.000000e+00 : f32
      %add3A_202 = vector.broadcast %add3A_201 : f32 to vector<16xf32>
      %add3A_203 = arith.addf %add3A_202, %exp3A_200 : vector<16xf32>
      %div3A_204 = arith.constant 1.000000e+00 : f32
      %div3A_205 = vector.broadcast %div3A_204 : f32 to vector<16xf32>
      %div3A_206 = arith.divf %div3A_205, %add3A_203 : vector<16xf32>
      %swap3A_207 = arith.constant 0 : index
      %swap3A_208 = tpu.vector_load %arg15[%swap3A_207] {strides = array<i32>} : memref<656xf32, #tpu.memory_space<vmem>>, vector<16xf32>,
      tpu.vector_store %arg15[%swap3A_207], %div3A_206 {strides = array<i32>} : memref<656xf32, #tpu.memory_space<vmem>>, vector<16xf32>,
      %get3A_209 = arith.constant 16 : index
      %get3A_210 = tpu.vector_load %arg14[%get3A_209] {strides = array<i32>} : memref<656xf32, #tpu.memory_space<vmem>>, vector<16xf32>,
      %neg3A_211 = arith.constant 0.000000e+00 : f32
      %neg3A_212 = vector.broadcast %neg3A_211 : f32 to vector<16xf32>
      %neg3A_213 = arith.subf %neg3A_212, %get3A_210 : vector<16xf32>
      %exp3A_214 = math.exp %neg3A_213 : vector<16xf32>
      %add3A_215 = arith.constant 1.000000e+00 : f32
      %add3A_216 = vector.broadcast %add3A_215 : f32 to vector<16xf32>
      %add3A_217 = arith.addf %add3A_216, %exp3A_214 : vector<16xf32>
      %div3A_218 = arith.constant 1.000000e+00 : f32
      %div3A_219 = vector.broadcast %div3A_218 : f32 to vector<16xf32>
      %div3A_220 = arith.divf %div3A_219, %add3A_217 : vector<16xf32>
      %swap3A_221 = arith.constant 16 : index
      %swap3A_222 = tpu.vector_load %arg14[%swap3A_221] {strides = array<i32>} : memref<656xf32, #tpu.memory_space<vmem>>, vector<16xf32>,
      tpu.vector_store %arg14[%swap3A_221], %div3A_220 {strides = array<i32>} : memref<656xf32, #tpu.memory_space<vmem>>, vector<16xf32>,
      %get3A_223 = arith.constant 16 : index
      %get3A_224 = tpu.vector_load %arg15[%get3A_223] {strides = array<i32>} : memref<656xf32, #tpu.memory_space<vmem>>, vector<16xf32>,
      %exp3A_225 = math.exp %get3A_224 : vector<16xf32>
      %add3A_226 = arith.constant 1.000000e+00 : f32
      %add3A_227 = vector.broadcast %add3A_226 : f32 to vector<16xf32>
      %add3A_228 = arith.addf %add3A_227, %exp3A_225 : vector<16xf32>
      %div3A_229 = arith.constant 1.000000e+00 : f32
      %div3A_230 = vector.broadcast %div3A_229 : f32 to vector<16xf32>
      %div3A_231 = arith.divf %div3A_230, %add3A_228 : vector<16xf32>
      %swap3A_232 = arith.constant 16 : index
      %swap3A_233 = tpu.vector_load %arg15[%swap3A_232] {strides = array<i32>} : memref<656xf32, #tpu.memory_space<vmem>>, vector<16xf32>,
      tpu.vector_store %arg15[%swap3A_232], %div3A_231 {strides = array<i32>} : memref<656xf32, #tpu.memory_space<vmem>>, vector<16xf32>,
      %get3A_234 = arith.constant 32 : index
      %get3A_235 = tpu.vector_load %arg14[%get3A_234] {strides = array<i32>} : memref<656xf32, #tpu.memory_space<vmem>>, vector<16xf32>,
      %neg3A_236 = arith.constant 0.000000e+00 : f32
      %neg3A_237 = vector.broadcast %neg3A_236 : f32 to vector<16xf32>
      %neg3A_238 = arith.subf %neg3A_237, %get3A_235 : vector<16xf32>
      %exp3A_239 = math.exp %neg3A_238 : vector<16xf32>
      %add3A_240 = arith.constant 1.000000e+00 : f32
      %add3A_241 = vector.broadcast %add3A_240 : f32 to vector<16xf32>
      %add3A_242 = arith.addf %add3A_241, %exp3A_239 : vector<16xf32>
      %div3A_243 = arith.constant 1.000000e+00 : f32
      %div3A_244 = vector.broadcast %div3A_243 : f32 to vector<16xf32>
      %div3A_245 = arith.divf %div3A_244, %add3A_242 : vector<16xf32>
      %swap3A_246 = arith.constant 32 : index
      %swap3A_247 = tpu.vector_load %arg14[%swap3A_246] {strides = array<i32>} : memref<656xf32, #tpu.memory_space<vmem>>, vector<16xf32>,
      tpu.vector_store %arg14[%swap3A_246], %div3A_245 {strides = array<i32>} : memref<656xf32, #tpu.memory_space<vmem>>, vector<16xf32>,
      %get3A_248 = arith.constant 32 : index
      %get3A_249 = tpu.vector_load %arg15[%get3A_248] {strides = array<i32>} : memref<656xf32, #tpu.memory_space<vmem>>, vector<16xf32>,
      %exp3A_250 = math.exp %get3A_249 : vector<16xf32>
      %add3A_251 = arith.constant 1.000000e+00 : f32
      %add3A_252 = vector.broadcast %add3A_251 : f32 to vector<16xf32>
      %add3A_253 = arith.addf %add3A_252, %exp3A_250 : vector<16xf32>
      %div3A_254 = arith.constant 1.000000e+00 : f32
      %div3A_255 = vector.broadcast %div3A_254 : f32 to vector<16xf32>
      %div3A_256 = arith.divf %div3A_255, %add3A_253 : vector<16xf32>
      %swap3A_257 = arith.constant 32 : index
      %swap3A_258 = tpu.vector_load %arg15[%swap3A_257] {strides = array<i32>} : memref<656xf32, #tpu.memory_space<vmem>>, vector<16xf32>,
      tpu.vector_store %arg15[%swap3A_257], %div3A_256 {strides = array<i32>} : memref<656xf32, #tpu.memory_space<vmem>>, vector<16xf32>,
      %get3A_259 = arith.constant 48 : index
      %get3A_260 = tpu.vector_load %arg14[%get3A_259] {strides = array<i32>} : memref<656xf32, #tpu.memory_space<vmem>>, vector<16xf32>,
      %neg3A_261 = arith.constant 0.000000e+00 : f32
      %neg3A_262 = vector.broadcast %neg3A_261 : f32 to vector<16xf32>
      %neg3A_263 = arith.subf %neg3A_262, %get3A_260 : vector<16xf32>
      %exp3A_264 = math.exp %neg3A_263 : vector<16xf32>
      %add3A_265 = arith.constant 1.000000e+00 : f32
      %add3A_266 = vector.broadcast %add3A_265 : f32 to vector<16xf32>
      %add3A_267 = arith.addf %add3A_266, %exp3A_264 : vector<16xf32>
      %div3A_268 = arith.constant 1.000000e+00 : f32
      %div3A_269 = vector.broadcast %div3A_268 : f32 to vector<16xf32>
      %div3A_270 = arith.divf %div3A_269, %add3A_267 : vector<16xf32>
      %swap3A_271 = arith.constant 48 : index
      %swap3A_272 = tpu.vector_load %arg14[%swap3A_271] {strides = array<i32>} : memref<656xf32, #tpu.memory_space<vmem>>, vector<16xf32>,
      tpu.vector_store %arg14[%swap3A_271], %div3A_270 {strides = array<i32>} : memref<656xf32, #tpu.memory_space<vmem>>, vector<16xf32>,
      %get3A_273 = arith.constant 48 : index
      %get3A_274 = tpu.vector_load %arg15[%get3A_273] {strides = array<i32>} : memref<656xf32, #tpu.memory_space<vmem>>, vector<16xf32>,
      %exp3A_275 = math.exp %get3A_274 : vector<16xf32>
      %add3A_276 = arith.constant 1.000000e+00 : f32
      %add3A_277 = vector.broadcast %add3A_276 : f32 to vector<16xf32>
      %add3A_278 = arith.addf %add3A_277, %exp3A_275 : vector<16xf32>
      %div3A_279 = arith.constant 1.000000e+00 : f32
      %div3A_280 = vector.broadcast %div3A_279 : f32 to vector<16xf32>
      %div3A_281 = arith.divf %div3A_280, %add3A_278 : vector<16xf32>
      %swap3A_282 = arith.constant 48 : index
      %swap3A_283 = tpu.vector_load %arg15[%swap3A_282] {strides = array<i32>} : memref<656xf32, #tpu.memory_space<vmem>>, vector<16xf32>,
      tpu.vector_store %arg15[%swap3A_282], %div3A_281 {strides = array<i32>} : memref<656xf32, #tpu.memory_space<vmem>>, vector<16xf32>,
      %get3A_284 = arith.constant 64 : index
      %get3A_285 = tpu.vector_load %arg14[%get3A_284] {strides = array<i32>} : memref<656xf32, #tpu.memory_space<vmem>>, vector<16xf32>,
      %neg3A_286 = arith.constant 0.000000e+00 : f32
      %neg3A_287 = vector.broadcast %neg3A_286 : f32 to vector<16xf32>
      %neg3A_288 = arith.subf %neg3A_287, %get3A_285 : vector<16xf32>
      %exp3A_289 = math.exp %neg3A_288 : vector<16xf32>
      %add3A_290 = arith.constant 1.000000e+00 : f32
      %add3A_291 = vector.broadcast %add3A_290 : f32 to vector<16xf32>
      %add3A_292 = arith.addf %add3A_291, %exp3A_289 : vector<16xf32>
      %div3A_293 = arith.constant 1.000000e+00 : f32
      %div3A_294 = vector.broadcast %div3A_293 : f32 to vector<16xf32>
      %div3A_295 = arith.divf %div3A_294, %add3A_292 : vector<16xf32>
      %swap3A_296 = arith.constant 64 : index
      %swap3A_297 = tpu.vector_load %arg14[%swap3A_296] {strides = array<i32>} : memref<656xf32, #tpu.memory_space<vmem>>, vector<16xf32>,
      tpu.vector_store %arg14[%swap3A_296], %div3A_295 {strides = array<i32>} : memref<656xf32, #tpu.memory_space<vmem>>, vector<16xf32>,
      %get3A_298 = arith.constant 64 : index
      %get3A_299 = tpu.vector_load %arg15[%get3A_298] {strides = array<i32>} : memref<656xf32, #tpu.memory_space<vmem>>, vector<16xf32>,
      %exp3A_300 = math.exp %get3A_299 : vector<16xf32>
      %add3A_301 = arith.constant 1.000000e+00 : f32
      %add3A_302 = vector.broadcast %add3A_301 : f32 to vector<16xf32>
      %add3A_303 = arith.addf %add3A_302, %exp3A_300 : vector<16xf32>
      %div3A_304 = arith.constant 1.000000e+00 : f32
      %div3A_305 = vector.broadcast %div3A_304 : f32 to vector<16xf32>
      %div3A_306 = arith.divf %div3A_305, %add3A_303 : vector<16xf32>
      %swap3A_307 = arith.constant 64 : index
      %swap3A_308 = tpu.vector_load %arg15[%swap3A_307] {strides = array<i32>} : memref<656xf32, #tpu.memory_space<vmem>>, vector<16xf32>,
      tpu.vector_store %arg15[%swap3A_307], %div3A_306 {strides = array<i32>} : memref<656xf32, #tpu.memory_space<vmem>>, vector<16xf32>,
      %get3A_309 = arith.constant 80 : index
      %get3A_310 = tpu.vector_load %arg14[%get3A_309] {strides = array<i32>} : memref<656xf32, #tpu.memory_space<vmem>>, vector<16xf32>,
      %neg3A_311 = arith.constant 0.000000e+00 : f32
      %neg3A_312 = vector.broadcast %neg3A_311 : f32 to vector<16xf32>
      %neg3A_313 = arith.subf %neg3A_312, %get3A_310 : vector<16xf32>
      %exp3A_314 = math.exp %neg3A_313 : vector<16xf32>
      %add3A_315 = arith.constant 1.000000e+00 : f32
      %add3A_316 = vector.broadcast %add3A_315 : f32 to vector<16xf32>
      %add3A_317 = arith.addf %add3A_316, %exp3A_314 : vector<16xf32>
      %div3A_318 = arith.constant 1.000000e+00 : f32
      %div3A_319 = vector.broadcast %div3A_318 : f32 to vector<16xf32>
      %div3A_320 = arith.divf %div3A_319, %add3A_317 : vector<16xf32>
      %swap3A_321 = arith.constant 80 : index
      %swap3A_322 = tpu.vector_load %arg14[%swap3A_321] {strides = array<i32>} : memref<656xf32, #tpu.memory_space<vmem>>, vector<16xf32>,
      tpu.vector_store %arg14[%swap3A_321], %div3A_320 {strides = array<i32>} : memref<656xf32, #tpu.memory_space<vmem>>, vector<16xf32>,
      %get3A_323 = arith.constant 80 : index
      %get3A_324 = tpu.vector_load %arg15[%get3A_323] {strides = array<i32>} : memref<656xf32, #tpu.memory_space<vmem>>, vector<16xf32>,
      %exp3A_325 = math.exp %get3A_324 : vector<16xf32>
      %add3A_326 = arith.constant 1.000000e+00 : f32
      %add3A_327 = vector.broadcast %add3A_326 : f32 to vector<16xf32>
      %add3A_328 = arith.addf %add3A_327, %exp3A_325 : vector<16xf32>
      %div3A_329 = arith.constant 1.000000e+00 : f32
      %div3A_330 = vector.broadcast %div3A_329 : f32 to vector<16xf32>
      %div3A_331 = arith.divf %div3A_330, %add3A_328 : vector<16xf32>
      %swap3A_332 = arith.constant 80 : index
      %swap3A_333 = tpu.vector_load %arg15[%swap3A_332] {strides = array<i32>} : memref<656xf32, #tpu.memory_space<vmem>>, vector<16xf32>,
      tpu.vector_store %arg15[%swap3A_332], %div3A_331 {strides = array<i32>} : memref<656xf32, #tpu.memory_space<vmem>>, vector<16xf32>,
      %get3A_334 = arith.constant 96 : index
      %get3A_335 = tpu.vector_load %arg14[%get3A_334] {strides = array<i32>} : memref<656xf32, #tpu.memory_space<vmem>>, vector<16xf32>,
      %neg3A_336 = arith.constant 0.000000e+00 : f32
      %neg3A_337 = vector.broadcast %neg3A_336 : f32 to vector<16xf32>
      %neg3A_338 = arith.subf %neg3A_337, %get3A_335 : vector<16xf32>
      %exp3A_339 = math.exp %neg3A_338 : vector<16xf32>
      %add3A_340 = arith.constant 1.000000e+00 : f32
      %add3A_341 = vector.broadcast %add3A_340 : f32 to vector<16xf32>
      %add3A_342 = arith.addf %add3A_341, %exp3A_339 : vector<16xf32>
      %div3A_343 = arith.constant 1.000000e+00 : f32
      %div3A_344 = vector.broadcast %div3A_343 : f32 to vector<16xf32>
      %div3A_345 = arith.divf %div3A_344, %add3A_342 : vector<16xf32>
      %swap3A_346 = arith.constant 96 : index
      %swap3A_347 = tpu.vector_load %arg14[%swap3A_346] {strides = array<i32>} : memref<656xf32, #tpu.memory_space<vmem>>, vector<16xf32>,
      tpu.vector_store %arg14[%swap3A_346], %div3A_345 {strides = array<i32>} : memref<656xf32, #tpu.memory_space<vmem>>, vector<16xf32>,
      %get3A_348 = arith.constant 96 : index
      %get3A_349 = tpu.vector_load %arg15[%get3A_348] {strides = array<i32>} : memref<656xf32, #tpu.memory_space<vmem>>, vector<16xf32>,
      %exp3A_350 = math.exp %get3A_349 : vector<16xf32>
      %add3A_351 = arith.constant 1.000000e+00 : f32
      %add3A_352 = vector.broadcast %add3A_351 : f32 to vector<16xf32>
      %add3A_353 = arith.addf %add3A_352, %exp3A_350 : vector<16xf32>
      %div3A_354 = arith.constant 1.000000e+00 : f32
      %div3A_355 = vector.broadcast %div3A_354 : f32 to vector<16xf32>
      %div3A_356 = arith.divf %div3A_355, %add3A_353 : vector<16xf32>
      %swap3A_357 = arith.constant 96 : index
      %swap3A_358 = tpu.vector_load %arg15[%swap3A_357] {strides = array<i32>} : memref<656xf32, #tpu.memory_space<vmem>>, vector<16xf32>,
      tpu.vector_store %arg15[%swap3A_357], %div3A_356 {strides = array<i32>} : memref<656xf32, #tpu.memory_space<vmem>>, vector<16xf32>,
      %get3A_359 = arith.constant 112 : index
      %get3A_360 = tpu.vector_load %arg14[%get3A_359] {strides = array<i32>} : memref<656xf32, #tpu.memory_space<vmem>>, vector<16xf32>,
      %neg3A_361 = arith.constant 0.000000e+00 : f32
      %neg3A_362 = vector.broadcast %neg3A_361 : f32 to vector<16xf32>
      %neg3A_363 = arith.subf %neg3A_362, %get3A_360 : vector<16xf32>
      %exp3A_364 = math.exp %neg3A_363 : vector<16xf32>
      %add3A_365 = arith.constant 1.000000e+00 : f32
      %add3A_366 = vector.broadcast %add3A_365 : f32 to vector<16xf32>
      %add3A_367 = arith.addf %add3A_366, %exp3A_364 : vector<16xf32>
      %div3A_368 = arith.constant 1.000000e+00 : f32
      %div3A_369 = vector.broadcast %div3A_368 : f32 to vector<16xf32>
      %div3A_370 = arith.divf %div3A_369, %add3A_367 : vector<16xf32>
      %swap3A_371 = arith.constant 112 : index
      %swap3A_372 = tpu.vector_load %arg14[%swap3A_371] {strides = array<i32>} : memref<656xf32, #tpu.memory_space<vmem>>, vector<16xf32>,
      tpu.vector_store %arg14[%swap3A_371], %div3A_370 {strides = array<i32>} : memref<656xf32, #tpu.memory_space<vmem>>, vector<16xf32>,
      %get3A_373 = arith.constant 112 : index
      %get3A_374 = tpu.vector_load %arg15[%get3A_373] {strides = array<i32>} : memref<656xf32, #tpu.memory_space<vmem>>, vector<16xf32>,
      %exp3A_375 = math.exp %get3A_374 : vector<16xf32>
      %add3A_376 = arith.constant 1.000000e+00 : f32
      %add3A_377 = vector.broadcast %add3A_376 : f32 to vector<16xf32>
      %add3A_378 = arith.addf %add3A_377, %exp3A_375 : vector<16xf32>
      %div3A_379 = arith.constant 1.000000e+00 : f32
      %div3A_380 = vector.broadcast %div3A_379 : f32 to vector<16xf32>
      %div3A_381 = arith.divf %div3A_380, %add3A_378 : vector<16xf32>
      %swap3A_382 = arith.constant 112 : index
      %swap3A_383 = tpu.vector_load %arg15[%swap3A_382] {strides = array<i32>} : memref<656xf32, #tpu.memory_space<vmem>>, vector<16xf32>,
      tpu.vector_store %arg15[%swap3A_382], %div3A_381 {strides = array<i32>} : memref<656xf32, #tpu.memory_space<vmem>>, vector<16xf32>,
      %get3A_384 = arith.constant 128 : index
      %get3A_385 = tpu.vector_load %arg14[%get3A_384] {strides = array<i32>} : memref<656xf32, #tpu.memory_space<vmem>>, vector<16xf32>,
      %neg3A_386 = arith.constant 0.000000e+00 : f32
      %neg3A_387 = vector.broadcast %neg3A_386 : f32 to vector<16xf32>
      %neg3A_388 = arith.subf %neg3A_387, %get3A_385 : vector<16xf32>
      %exp3A_389 = math.exp %neg3A_388 : vector<16xf32>
      %add3A_390 = arith.constant 1.000000e+00 : f32
      %add3A_391 = vector.broadcast %add3A_390 : f32 to vector<16xf32>
      %add3A_392 = arith.addf %add3A_391, %exp3A_389 : vector<16xf32>
      %div3A_393 = arith.constant 1.000000e+00 : f32
      %div3A_394 = vector.broadcast %div3A_393 : f32 to vector<16xf32>
      %div3A_395 = arith.divf %div3A_394, %add3A_392 : vector<16xf32>
      %swap3A_396 = arith.constant 128 : index
      %swap3A_397 = tpu.vector_load %arg14[%swap3A_396] {strides = array<i32>} : memref<656xf32, #tpu.memory_space<vmem>>, vector<16xf32>,
      tpu.vector_store %arg14[%swap3A_396], %div3A_395 {strides = array<i32>} : memref<656xf32, #tpu.memory_space<vmem>>, vector<16xf32>,
      %get3A_398 = arith.constant 128 : index
      %get3A_399 = tpu.vector_load %arg15[%get3A_398] {strides = array<i32>} : memref<656xf32, #tpu.memory_space<vmem>>, vector<16xf32>,
      %exp3A_400 = math.exp %get3A_399 : vector<16xf32>
      %add3A_401 = arith.constant 1.000000e+00 : f32
      %add3A_402 = vector.broadcast %add3A_401 : f32 to vector<16xf32>
      %add3A_403 = arith.addf %add3A_402, %exp3A_400 : vector<16xf32>
      %div3A_404 = arith.constant 1.000000e+00 : f32
      %div3A_405 = vector.broadcast %div3A_404 : f32 to vector<16xf32>
      %div3A_406 = arith.divf %div3A_405, %add3A_403 : vector<16xf32>
      %swap3A_407 = arith.constant 128 : index
      %swap3A_408 = tpu.vector_load %arg15[%swap3A_407] {strides = array<i32>} : memref<656xf32, #tpu.memory_space<vmem>>, vector<16xf32>,
      tpu.vector_store %arg15[%swap3A_407], %div3A_406 {strides = array<i32>} : memref<656xf32, #tpu.memory_space<vmem>>, vector<16xf32>,
      %get3A_409 = arith.constant 144 : index
      %get3A_410 = tpu.vector_load %arg14[%get3A_409] {strides = array<i32>} : memref<656xf32, #tpu.memory_space<vmem>>, vector<16xf32>,
      %neg3A_411 = arith.constant 0.000000e+00 : f32
      %neg3A_412 = vector.broadcast %neg3A_411 : f32 to vector<16xf32>
      %neg3A_413 = arith.subf %neg3A_412, %get3A_410 : vector<16xf32>
      %exp3A_414 = math.exp %neg3A_413 : vector<16xf32>
      %add3A_415 = arith.constant 1.000000e+00 : f32
      %add3A_416 = vector.broadcast %add3A_415 : f32 to vector<16xf32>
      %add3A_417 = arith.addf %add3A_416, %exp3A_414 : vector<16xf32>
      %div3A_418 = arith.constant 1.000000e+00 : f32
      %div3A_419 = vector.broadcast %div3A_418 : f32 to vector<16xf32>
      %div3A_420 = arith.divf %div3A_419, %add3A_417 : vector<16xf32>
      %swap3A_421 = arith.constant 144 : index
      %swap3A_422 = tpu.vector_load %arg14[%swap3A_421] {strides = array<i32>} : memref<656xf32, #tpu.memory_space<vmem>>, vector<16xf32>,
      tpu.vector_store %arg14[%swap3A_421], %div3A_420 {strides = array<i32>} : memref<656xf32, #tpu.memory_space<vmem>>, vector<16xf32>,
      %get3A_423 = arith.constant 144 : index
      %get3A_424 = tpu.vector_load %arg15[%get3A_423] {strides = array<i32>} : memref<656xf32, #tpu.memory_space<vmem>>, vector<16xf32>,
      %exp3A_425 = math.exp %get3A_424 : vector<16xf32>
      %add3A_426 = arith.constant 1.000000e+00 : f32
      %add3A_427 = vector.broadcast %add3A_426 : f32 to vector<16xf32>
      %add3A_428 = arith.addf %add3A_427, %exp3A_425 : vector<16xf32>
      %div3A_429 = arith.constant 1.000000e+00 : f32
      %div3A_430 = vector.broadcast %div3A_429 : f32 to vector<16xf32>
      %div3A_431 = arith.divf %div3A_430, %add3A_428 : vector<16xf32>
      %swap3A_432 = arith.constant 144 : index
      %swap3A_433 = tpu.vector_load %arg15[%swap3A_432] {strides = array<i32>} : memref<656xf32, #tpu.memory_space<vmem>>, vector<16xf32>,
      tpu.vector_store %arg15[%swap3A_432], %div3A_431 {strides = array<i32>} : memref<656xf32, #tpu.memory_space<vmem>>, vector<16xf32>,
      %get3A_434 = arith.constant 160 : index
      %get3A_435 = tpu.vector_load %arg14[%get3A_434] {strides = array<i32>} : memref<656xf32, #tpu.memory_space<vmem>>, vector<16xf32>,
      %neg3A_436 = arith.constant 0.000000e+00 : f32
      %neg3A_437 = vector.broadcast %neg3A_436 : f32 to vector<16xf32>
      %neg3A_438 = arith.subf %neg3A_437, %get3A_435 : vector<16xf32>
      %exp3A_439 = math.exp %neg3A_438 : vector<16xf32>
      %add3A_440 = arith.constant 1.000000e+00 : f32
      %add3A_441 = vector.broadcast %add3A_440 : f32 to vector<16xf32>
      %add3A_442 = arith.addf %add3A_441, %exp3A_439 : vector<16xf32>
      %div3A_443 = arith.constant 1.000000e+00 : f32
      %div3A_444 = vector.broadcast %div3A_443 : f32 to vector<16xf32>
      %div3A_445 = arith.divf %div3A_444, %add3A_442 : vector<16xf32>
      %swap3A_446 = arith.constant 160 : index
      %swap3A_447 = tpu.vector_load %arg14[%swap3A_446] {strides = array<i32>} : memref<656xf32, #tpu.memory_space<vmem>>, vector<16xf32>,
      tpu.vector_store %arg14[%swap3A_446], %div3A_445 {strides = array<i32>} : memref<656xf32, #tpu.memory_space<vmem>>, vector<16xf32>,
      %get3A_448 = arith.constant 160 : index
      %get3A_449 = tpu.vector_load %arg15[%get3A_448] {strides = array<i32>} : memref<656xf32, #tpu.memory_space<vmem>>, vector<16xf32>,
      %exp3A_450 = math.exp %get3A_449 : vector<16xf32>
      %add3A_451 = arith.constant 1.000000e+00 : f32
      %add3A_452 = vector.broadcast %add3A_451 : f32 to vector<16xf32>
      %add3A_453 = arith.addf %add3A_452, %exp3A_450 : vector<16xf32>
      %div3A_454 = arith.constant 1.000000e+00 : f32
      %div3A_455 = vector.broadcast %div3A_454 : f32 to vector<16xf32>
      %div3A_456 = arith.divf %div3A_455, %add3A_453 : vector<16xf32>
      %swap3A_457 = arith.constant 160 : index
      %swap3A_458 = tpu.vector_load %arg15[%swap3A_457] {strides = array<i32>} : memref<656xf32, #tpu.memory_space<vmem>>, vector<16xf32>,
      tpu.vector_store %arg15[%swap3A_457], %div3A_456 {strides = array<i32>} : memref<656xf32, #tpu.memory_space<vmem>>, vector<16xf32>,
      %get3A_459 = arith.constant 176 : index
      %get3A_460 = tpu.vector_load %arg14[%get3A_459] {strides = array<i32>} : memref<656xf32, #tpu.memory_space<vmem>>, vector<16xf32>,
      %neg3A_461 = arith.constant 0.000000e+00 : f32
      %neg3A_462 = vector.broadcast %neg3A_461 : f32 to vector<16xf32>
      %neg3A_463 = arith.subf %neg3A_462, %get3A_460 : vector<16xf32>
      %exp3A_464 = math.exp %neg3A_463 : vector<16xf32>
      %add3A_465 = arith.constant 1.000000e+00 : f32
      %add3A_466 = vector.broadcast %add3A_465 : f32 to vector<16xf32>
      %add3A_467 = arith.addf %add3A_466, %exp3A_464 : vector<16xf32>
      %div3A_468 = arith.constant 1.000000e+00 : f32
      %div3A_469 = vector.broadcast %div3A_468 : f32 to vector<16xf32>
      %div3A_470 = arith.divf %div3A_469, %add3A_467 : vector<16xf32>
      %swap3A_471 = arith.constant 176 : index
      %swap3A_472 = tpu.vector_load %arg14[%swap3A_471] {strides = array<i32>} : memref<656xf32, #tpu.memory_space<vmem>>, vector<16xf32>,
      tpu.vector_store %arg14[%swap3A_471], %div3A_470 {strides = array<i32>} : memref<656xf32, #tpu.memory_space<vmem>>, vector<16xf32>,
      %get3A_473 = arith.constant 176 : index
      %get3A_474 = tpu.vector_load %arg15[%get3A_473] {strides = array<i32>} : memref<656xf32, #tpu.memory_space<vmem>>, vector<16xf32>,
      %exp3A_475 = math.exp %get3A_474 : vector<16xf32>
      %add3A_476 = arith.constant 1.000000e+00 : f32
      %add3A_477 = vector.broadcast %add3A_476 : f32 to vector<16xf32>
      %add3A_478 = arith.addf %add3A_477, %exp3A_475 : vector<16xf32>
      %div3A_479 = arith.constant 1.000000e+00 : f32
      %div3A_480 = vector.broadcast %div3A_479 : f32 to vector<16xf32>
      %div3A_481 = arith.divf %div3A_480, %add3A_478 : vector<16xf32>
      %swap3A_482 = arith.constant 176 : index
      %swap3A_483 = tpu.vector_load %arg15[%swap3A_482] {strides = array<i32>} : memref<656xf32, #tpu.memory_space<vmem>>, vector<16xf32>,
      tpu.vector_store %arg15[%swap3A_482], %div3A_481 {strides = array<i32>} : memref<656xf32, #tpu.memory_space<vmem>>, vector<16xf32>,
      %get3A_484 = arith.constant 192 : index
      %get3A_485 = tpu.vector_load %arg14[%get3A_484] {strides = array<i32>} : memref<656xf32, #tpu.memory_space<vmem>>, vector<16xf32>,
      %neg3A_486 = arith.constant 0.000000e+00 : f32
      %neg3A_487 = vector.broadcast %neg3A_486 : f32 to vector<16xf32>
      %neg3A_488 = arith.subf %neg3A_487, %get3A_485 : vector<16xf32>
      %exp3A_489 = math.exp %neg3A_488 : vector<16xf32>
      %add3A_490 = arith.constant 1.000000e+00 : f32
      %add3A_491 = vector.broadcast %add3A_490 : f32 to vector<16xf32>
      %add3A_492 = arith.addf %add3A_491, %exp3A_489 : vector<16xf32>
      %div3A_493 = arith.constant 1.000000e+00 : f32
      %div3A_494 = vector.broadcast %div3A_493 : f32 to vector<16xf32>
      %div3A_495 = arith.divf %div3A_494, %add3A_492 : vector<16xf32>
      %swap3A_496 = arith.constant 192 : index
      %swap3A_497 = tpu.vector_load %arg14[%swap3A_496] {strides = array<i32>} : memref<656xf32, #tpu.memory_space<vmem>>, vector<16xf32>,
      tpu.vector_store %arg14[%swap3A_496], %div3A_495 {strides = array<i32>} : memref<656xf32, #tpu.memory_space<vmem>>, vector<16xf32>,
      %get3A_498 = arith.constant 192 : index
      %get3A_499 = tpu.vector_load %arg15[%get3A_498] {strides = array<i32>} : memref<656xf32, #tpu.memory_space<vmem>>, vector<16xf32>,
      %exp3A_500 = math.exp %get3A_499 : vector<16xf32>
      %add3A_501 = arith.constant 1.000000e+00 : f32
      %add3A_502 = vector.broadcast %add3A_501 : f32 to vector<16xf32>
      %add3A_503 = arith.addf %add3A_502, %exp3A_500 : vector<16xf32>
      %div3A_504 = arith.constant 1.000000e+00 : f32
      %div3A_505 = vector.broadcast %div3A_504 : f32 to vector<16xf32>
      %div3A_506 = arith.divf %div3A_505, %add3A_503 : vector<16xf32>
      %swap3A_507 = arith.constant 192 : index
      %swap3A_508 = tpu.vector_load %arg15[%swap3A_507] {strides = array<i32>} : memref<656xf32, #tpu.memory_space<vmem>>, vector<16xf32>,
      tpu.vector_store %arg15[%swap3A_507], %div3A_506 {strides = array<i32>} : memref<656xf32, #tpu.memory_space<vmem>>, vector<16xf32>,
      %get3A_509 = arith.constant 208 : index
      %get3A_510 = tpu.vector_load %arg14[%get3A_509] {strides = array<i32>} : memref<656xf32, #tpu.memory_space<vmem>>, vector<16xf32>,
      %neg3A_511 = arith.constant 0.000000e+00 : f32
      %neg3A_512 = vector.broadcast %neg3A_511 : f32 to vector<16xf32>
      %neg3A_513 = arith.subf %neg3A_512, %get3A_510 : vector<16xf32>
      %exp3A_514 = math.exp %neg3A_513 : vector<16xf32>
      %add3A_515 = arith.constant 1.000000e+00 : f32
      %add3A_516 = vector.broadcast %add3A_515 : f32 to vector<16xf32>
      %add3A_517 = arith.addf %add3A_516, %exp3A_514 : vector<16xf32>
      %div3A_518 = arith.constant 1.000000e+00 : f32
      %div3A_519 = vector.broadcast %div3A_518 : f32 to vector<16xf32>
      %div3A_520 = arith.divf %div3A_519, %add3A_517 : vector<16xf32>
      %swap3A_521 = arith.constant 208 : index
      %swap3A_522 = tpu.vector_load %arg14[%swap3A_521] {strides = array<i32>} : memref<656xf32, #tpu.memory_space<vmem>>, vector<16xf32>,
      tpu.vector_store %arg14[%swap3A_521], %div3A_520 {strides = array<i32>} : memref<656xf32, #tpu.memory_space<vmem>>, vector<16xf32>,
      %get3A_523 = arith.constant 208 : index
      %get3A_524 = tpu.vector_load %arg15[%get3A_523] {strides = array<i32>} : memref<656xf32, #tpu.memory_space<vmem>>, vector<16xf32>,
      %exp3A_525 = math.exp %get3A_524 : vector<16xf32>
      %add3A_526 = arith.constant 1.000000e+00 : f32
      %add3A_527 = vector.broadcast %add3A_526 : f32 to vector<16xf32>
      %add3A_528 = arith.addf %add3A_527, %exp3A_525 : vector<16xf32>
      %div3A_529 = arith.constant 1.000000e+00 : f32
      %div3A_530 = vector.broadcast %div3A_529 : f32 to vector<16xf32>
      %div3A_531 = arith.divf %div3A_530, %add3A_528 : vector<16xf32>
      %swap3A_532 = arith.constant 208 : index
      %swap3A_533 = tpu.vector_load %arg15[%swap3A_532] {strides = array<i32>} : memref<656xf32, #tpu.memory_space<vmem>>, vector<16xf32>,
      tpu.vector_store %arg15[%swap3A_532], %div3A_531 {strides = array<i32>} : memref<656xf32, #tpu.memory_space<vmem>>, vector<16xf32>,
      %get3A_534 = arith.constant 224 : index
      %get3A_535 = tpu.vector_load %arg14[%get3A_534] {strides = array<i32>} : memref<656xf32, #tpu.memory_space<vmem>>, vector<16xf32>,
      %neg3A_536 = arith.constant 0.000000e+00 : f32
      %neg3A_537 = vector.broadcast %neg3A_536 : f32 to vector<16xf32>
      %neg3A_538 = arith.subf %neg3A_537, %get3A_535 : vector<16xf32>
      %exp3A_539 = math.exp %neg3A_538 : vector<16xf32>
      %add3A_540 = arith.constant 1.000000e+00 : f32
      %add3A_541 = vector.broadcast %add3A_540 : f32 to vector<16xf32>
      %add3A_542 = arith.addf %add3A_541, %exp3A_539 : vector<16xf32>
      %div3A_543 = arith.constant 1.000000e+00 : f32
      %div3A_544 = vector.broadcast %div3A_543 : f32 to vector<16xf32>
      %div3A_545 = arith.divf %div3A_544, %add3A_542 : vector<16xf32>
      %swap3A_546 = arith.constant 224 : index
      %swap3A_547 = tpu.vector_load %arg14[%swap3A_546] {strides = array<i32>} : memref<656xf32, #tpu.memory_space<vmem>>, vector<16xf32>,
      tpu.vector_store %arg14[%swap3A_546], %div3A_545 {strides = array<i32>} : memref<656xf32, #tpu.memory_space<vmem>>, vector<16xf32>,
      %get3A_548 = arith.constant 224 : index
      %get3A_549 = tpu.vector_load %arg15[%get3A_548] {strides = array<i32>} : memref<656xf32, #tpu.memory_space<vmem>>, vector<16xf32>,
      %exp3A_550 = math.exp %get3A_549 : vector<16xf32>
      %add3A_551 = arith.constant 1.000000e+00 : f32
      %add3A_552 = vector.broadcast %add3A_551 : f32 to vector<16xf32>
      %add3A_553 = arith.addf %add3A_552, %exp3A_550 : vector<16xf32>
      %div3A_554 = arith.constant 1.000000e+00 : f32
      %div3A_555 = vector.broadcast %div3A_554 : f32 to vector<16xf32>
      %div3A_556 = arith.divf %div3A_555, %add3A_553 : vector<16xf32>
      %swap3A_557 = arith.constant 224 : index
      %swap3A_558 = tpu.vector_load %arg15[%swap3A_557] {strides = array<i32>} : memref<656xf32, #tpu.memory_space<vmem>>, vector<16xf32>,
      tpu.vector_store %arg15[%swap3A_557], %div3A_556 {strides = array<i32>} : memref<656xf32, #tpu.memory_space<vmem>>, vector<16xf32>,
      %get3A_559 = arith.constant 240 : index
      %get3A_560 = tpu.vector_load %arg14[%get3A_559] {strides = array<i32>} : memref<656xf32, #tpu.memory_space<vmem>>, vector<16xf32>,
      %neg3A_561 = arith.constant 0.000000e+00 : f32
      %neg3A_562 = vector.broadcast %neg3A_561 : f32 to vector<16xf32>
      %neg3A_563 = arith.subf %neg3A_562, %get3A_560 : vector<16xf32>
      %exp3A_564 = math.exp %neg3A_563 : vector<16xf32>
      %add3A_565 = arith.constant 1.000000e+00 : f32
      %add3A_566 = vector.broadcast %add3A_565 : f32 to vector<16xf32>
      %add3A_567 = arith.addf %add3A_566, %exp3A_564 : vector<16xf32>
      %div3A_568 = arith.constant 1.000000e+00 : f32
      %div3A_569 = vector.broadcast %div3A_568 : f32 to vector<16xf32>
      %div3A_570 = arith.divf %div3A_569, %add3A_567 : vector<16xf32>
      %swap3A_571 = arith.constant 240 : index
      %swap3A_572 = tpu.vector_load %arg14[%swap3A_571] {strides = array<i32>} : memref<656xf32, #tpu.memory_space<vmem>>, vector<16xf32>,
      tpu.vector_store %arg14[%swap3A_571], %div3A_570 {strides = array<i32>} : memref<656xf32, #tpu.memory_space<vmem>>, vector<16xf32>,
      %get3A_573 = arith.constant 240 : index
      %get3A_574 = tpu.vector_load %arg15[%get3A_573] {strides = array<i32>} : memref<656xf32, #tpu.memory_space<vmem>>, vector<16xf32>,
      %exp3A_575 = math.exp %get3A_574 : vector<16xf32>
      %add3A_576 = arith.constant 1.000000e+00 : f32
      %add3A_577 = vector.broadcast %add3A_576 : f32 to vector<16xf32>
      %add3A_578 = arith.addf %add3A_577, %exp3A_575 : vector<16xf32>
      %div3A_579 = arith.constant 1.000000e+00 : f32
      %div3A_580 = vector.broadcast %div3A_579 : f32 to vector<16xf32>
      %div3A_581 = arith.divf %div3A_580, %add3A_578 : vector<16xf32>
      %swap3A_582 = arith.constant 240 : index
      %swap3A_583 = tpu.vector_load %arg15[%swap3A_582] {strides = array<i32>} : memref<656xf32, #tpu.memory_space<vmem>>, vector<16xf32>,
      tpu.vector_store %arg15[%swap3A_582], %div3A_581 {strides = array<i32>} : memref<656xf32, #tpu.memory_space<vmem>>, vector<16xf32>,
      %get3A_584 = arith.constant 256 : index
      %get3A_585 = tpu.vector_load %arg14[%get3A_584] {strides = array<i32>} : memref<656xf32, #tpu.memory_space<vmem>>, vector<16xf32>,
      %neg3A_586 = arith.constant 0.000000e+00 : f32
      %neg3A_587 = vector.broadcast %neg3A_586 : f32 to vector<16xf32>
      %neg3A_588 = arith.subf %neg3A_587, %get3A_585 : vector<16xf32>
      %exp3A_589 = math.exp %neg3A_588 : vector<16xf32>
      %add3A_590 = arith.constant 1.000000e+00 : f32
      %add3A_591 = vector.broadcast %add3A_590 : f32 to vector<16xf32>
      %add3A_592 = arith.addf %add3A_591, %exp3A_589 : vector<16xf32>
      %div3A_593 = arith.constant 1.000000e+00 : f32
      %div3A_594 = vector.broadcast %div3A_593 : f32 to vector<16xf32>
      %div3A_595 = arith.divf %div3A_594, %add3A_592 : vector<16xf32>
      %swap3A_596 = arith.constant 256 : index
      %swap3A_597 = tpu.vector_load %arg14[%swap3A_596] {strides = array<i32>} : memref<656xf32, #tpu.memory_space<vmem>>, vector<16xf32>,
      tpu.vector_store %arg14[%swap3A_596], %div3A_595 {strides = array<i32>} : memref<656xf32, #tpu.memory_space<vmem>>, vector<16xf32>,
      %get3A_598 = arith.constant 256 : index
      %get3A_599 = tpu.vector_load %arg15[%get3A_598] {strides = array<i32>} : memref<656xf32, #tpu.memory_space<vmem>>, vector<16xf32>,
      %exp3A_600 = math.exp %get3A_599 : vector<16xf32>
      %add3A_601 = arith.constant 1.000000e+00 : f32
      %add3A_602 = vector.broadcast %add3A_601 : f32 to vector<16xf32>
      %add3A_603 = arith.addf %add3A_602, %exp3A_600 : vector<16xf32>
      %div3A_604 = arith.constant 1.000000e+00 : f32
      %div3A_605 = vector.broadcast %div3A_604 : f32 to vector<16xf32>
      %div3A_606 = arith.divf %div3A_605, %add3A_603 : vector<16xf32>
      %swap3A_607 = arith.constant 256 : index
      %swap3A_608 = tpu.vector_load %arg15[%swap3A_607] {strides = array<i32>} : memref<656xf32, #tpu.memory_space<vmem>>, vector<16xf32>,
      tpu.vector_store %arg15[%swap3A_607], %div3A_606 {strides = array<i32>} : memref<656xf32, #tpu.memory_space<vmem>>, vector<16xf32>,
      %get3A_609 = arith.constant 272 : index
      %get3A_610 = tpu.vector_load %arg14[%get3A_609] {strides = array<i32>} : memref<656xf32, #tpu.memory_space<vmem>>, vector<16xf32>,
      %neg3A_611 = arith.constant 0.000000e+00 : f32
      %neg3A_612 = vector.broadcast %neg3A_611 : f32 to vector<16xf32>
      %neg3A_613 = arith.subf %neg3A_612, %get3A_610 : vector<16xf32>
      %exp3A_614 = math.exp %neg3A_613 : vector<16xf32>
      %add3A_615 = arith.constant 1.000000e+00 : f32
      %add3A_616 = vector.broadcast %add3A_615 : f32 to vector<16xf32>
      %add3A_617 = arith.addf %add3A_616, %exp3A_614 : vector<16xf32>
      %div3A_618 = arith.constant 1.000000e+00 : f32
      %div3A_619 = vector.broadcast %div3A_618 : f32 to vector<16xf32>
      %div3A_620 = arith.divf %div3A_619, %add3A_617 : vector<16xf32>
      %swap3A_621 = arith.constant 272 : index
      %swap3A_622 = tpu.vector_load %arg14[%swap3A_621] {strides = array<i32>} : memref<656xf32, #tpu.memory_space<vmem>>, vector<16xf32>,
      tpu.vector_store %arg14[%swap3A_621], %div3A_620 {strides = array<i32>} : memref<656xf32, #tpu.memory_space<vmem>>, vector<16xf32>,
      %get3A_623 = arith.constant 272 : index
      %get3A_624 = tpu.vector_load %arg15[%get3A_623] {strides = array<i32>} : memref<656xf32, #tpu.memory_space<vmem>>, vector<16xf32>,
      %exp3A_625 = math.exp %get3A_624 : vector<16xf32>
      %add3A_626 = arith.constant 1.000000e+00 : f32
      %add3A_627 = vector.broadcast %add3A_626 : f32 to vector<16xf32>
      %add3A_628 = arith.addf %add3A_627, %exp3A_625 : vector<16xf32>
      %div3A_629 = arith.constant 1.000000e+00 : f32
      %div3A_630 = vector.broadcast %div3A_629 : f32 to vector<16xf32>
      %div3A_631 = arith.divf %div3A_630, %add3A_628 : vector<16xf32>
      %swap3A_632 = arith.constant 272 : index
      %swap3A_633 = tpu.vector_load %arg15[%swap3A_632] {strides = array<i32>} : memref<656xf32, #tpu.memory_space<vmem>>, vector<16xf32>,
      tpu.vector_store %arg15[%swap3A_632], %div3A_631 {strides = array<i32>} : memref<656xf32, #tpu.memory_space<vmem>>, vector<16xf32>,
      %get3A_634 = arith.constant 288 : index
      %get3A_635 = tpu.vector_load %arg14[%get3A_634] {strides = array<i32>} : memref<656xf32, #tpu.memory_space<vmem>>, vector<16xf32>,
      %neg3A_636 = arith.constant 0.000000e+00 : f32
      %neg3A_637 = vector.broadcast %neg3A_636 : f32 to vector<16xf32>
      %neg3A_638 = arith.subf %neg3A_637, %get3A_635 : vector<16xf32>
      %exp3A_639 = math.exp %neg3A_638 : vector<16xf32>
      %add3A_640 = arith.constant 1.000000e+00 : f32
      %add3A_641 = vector.broadcast %add3A_640 : f32 to vector<16xf32>
      %add3A_642 = arith.addf %add3A_641, %exp3A_639 : vector<16xf32>
      %div3A_643 = arith.constant 1.000000e+00 : f32
      %div3A_644 = vector.broadcast %div3A_643 : f32 to vector<16xf32>
      %div3A_645 = arith.divf %div3A_644, %add3A_642 : vector<16xf32>
      %swap3A_646 = arith.constant 288 : index
      %swap3A_647 = tpu.vector_load %arg14[%swap3A_646] {strides = array<i32>} : memref<656xf32, #tpu.memory_space<vmem>>, vector<16xf32>,
      tpu.vector_store %arg14[%swap3A_646], %div3A_645 {strides = array<i32>} : memref<656xf32, #tpu.memory_space<vmem>>, vector<16xf32>,
      %get3A_648 = arith.constant 288 : index
      %get3A_649 = tpu.vector_load %arg15[%get3A_648] {strides = array<i32>} : memref<656xf32, #tpu.memory_space<vmem>>, vector<16xf32>,
      %exp3A_650 = math.exp %get3A_649 : vector<16xf32>
      %add3A_651 = arith.constant 1.000000e+00 : f32
      %add3A_652 = vector.broadcast %add3A_651 : f32 to vector<16xf32>
      %add3A_653 = arith.addf %add3A_652, %exp3A_650 : vector<16xf32>
      %div3A_654 = arith.constant 1.000000e+00 : f32
      %div3A_655 = vector.broadcast %div3A_654 : f32 to vector<16xf32>
      %div3A_656 = arith.divf %div3A_655, %add3A_653 : vector<16xf32>
      %swap3A_657 = arith.constant 288 : index
      %swap3A_658 = tpu.vector_load %arg15[%swap3A_657] {strides = array<i32>} : memref<656xf32, #tpu.memory_space<vmem>>, vector<16xf32>,
      tpu.vector_store %arg15[%swap3A_657], %div3A_656 {strides = array<i32>} : memref<656xf32, #tpu.memory_space<vmem>>, vector<16xf32>,
      %get3A_659 = arith.constant 304 : index
      %get3A_660 = tpu.vector_load %arg14[%get3A_659] {strides = array<i32>} : memref<656xf32, #tpu.memory_space<vmem>>, vector<16xf32>,
      %neg3A_661 = arith.constant 0.000000e+00 : f32
      %neg3A_662 = vector.broadcast %neg3A_661 : f32 to vector<16xf32>
      %neg3A_663 = arith.subf %neg3A_662, %get3A_660 : vector<16xf32>
      %exp3A_664 = math.exp %neg3A_663 : vector<16xf32>
      %add3A_665 = arith.constant 1.000000e+00 : f32
      %add3A_666 = vector.broadcast %add3A_665 : f32 to vector<16xf32>
      %add3A_667 = arith.addf %add3A_666, %exp3A_664 : vector<16xf32>
      %div3A_668 = arith.constant 1.000000e+00 : f32
      %div3A_669 = vector.broadcast %div3A_668 : f32 to vector<16xf32>
      %div3A_670 = arith.divf %div3A_669, %add3A_667 : vector<16xf32>
      %swap3A_671 = arith.constant 304 : index
      %swap3A_672 = tpu.vector_load %arg14[%swap3A_671] {strides = array<i32>} : memref<656xf32, #tpu.memory_space<vmem>>, vector<16xf32>,
      tpu.vector_store %arg14[%swap3A_671], %div3A_670 {strides = array<i32>} : memref<656xf32, #tpu.memory_space<vmem>>, vector<16xf32>,
      %get3A_673 = arith.constant 304 : index
      %get3A_674 = tpu.vector_load %arg15[%get3A_673] {strides = array<i32>} : memref<656xf32, #tpu.memory_space<vmem>>, vector<16xf32>,
      %exp3A_675 = math.exp %get3A_674 : vector<16xf32>
      %add3A_676 = arith.constant 1.000000e+00 : f32
      %add3A_677 = vector.broadcast %add3A_676 : f32 to vector<16xf32>
      %add3A_678 = arith.addf %add3A_677, %exp3A_675 : vector<16xf32>
      %div3A_679 = arith.constant 1.000000e+00 : f32
      %div3A_680 = vector.broadcast %div3A_679 : f32 to vector<16xf32>
      %div3A_681 = arith.divf %div3A_680, %add3A_678 : vector<16xf32>
      %swap3A_682 = arith.constant 304 : index
      %swap3A_683 = tpu.vector_load %arg15[%swap3A_682] {strides = array<i32>} : memref<656xf32, #tpu.memory_space<vmem>>, vector<16xf32>,
      tpu.vector_store %arg15[%swap3A_682], %div3A_681 {strides = array<i32>} : memref<656xf32, #tpu.memory_space<vmem>>, vector<16xf32>,
      %get3A_684 = arith.constant 320 : index
      %get3A_685 = tpu.vector_load %arg14[%get3A_684] {strides = array<i32>} : memref<656xf32, #tpu.memory_space<vmem>>, vector<16xf32>,
      %neg3A_686 = arith.constant 0.000000e+00 : f32
      %neg3A_687 = vector.broadcast %neg3A_686 : f32 to vector<16xf32>
      %neg3A_688 = arith.subf %neg3A_687, %get3A_685 : vector<16xf32>
      %exp3A_689 = math.exp %neg3A_688 : vector<16xf32>
      %add3A_690 = arith.constant 1.000000e+00 : f32
      %add3A_691 = vector.broadcast %add3A_690 : f32 to vector<16xf32>
      %add3A_692 = arith.addf %add3A_691, %exp3A_689 : vector<16xf32>
      %div3A_693 = arith.constant 1.000000e+00 : f32
      %div3A_694 = vector.broadcast %div3A_693 : f32 to vector<16xf32>
      %div3A_695 = arith.divf %div3A_694, %add3A_692 : vector<16xf32>
      %swap3A_696 = arith.constant 320 : index
      %swap3A_697 = tpu.vector_load %arg14[%swap3A_696] {strides = array<i32>} : memref<656xf32, #tpu.memory_space<vmem>>, vector<16xf32>,
      tpu.vector_store %arg14[%swap3A_696], %div3A_695 {strides = array<i32>} : memref<656xf32, #tpu.memory_space<vmem>>, vector<16xf32>,
      %get3A_698 = arith.constant 320 : index
      %get3A_699 = tpu.vector_load %arg15[%get3A_698] {strides = array<i32>} : memref<656xf32, #tpu.memory_space<vmem>>, vector<16xf32>,
      %exp3A_700 = math.exp %get3A_699 : vector<16xf32>
      %add3A_701 = arith.constant 1.000000e+00 : f32
      %add3A_702 = vector.broadcast %add3A_701 : f32 to vector<16xf32>
      %add3A_703 = arith.addf %add3A_702, %exp3A_700 : vector<16xf32>
      %div3A_704 = arith.constant 1.000000e+00 : f32
      %div3A_705 = vector.broadcast %div3A_704 : f32 to vector<16xf32>
      %div3A_706 = arith.divf %div3A_705, %add3A_703 : vector<16xf32>
      %swap3A_707 = arith.constant 320 : index
      %swap3A_708 = tpu.vector_load %arg15[%swap3A_707] {strides = array<i32>} : memref<656xf32, #tpu.memory_space<vmem>>, vector<16xf32>,
      tpu.vector_store %arg15[%swap3A_707], %div3A_706 {strides = array<i32>} : memref<656xf32, #tpu.memory_space<vmem>>, vector<16xf32>,
      %get3A_709 = arith.constant 336 : index
      %get3A_710 = tpu.vector_load %arg14[%get3A_709] {strides = array<i32>} : memref<656xf32, #tpu.memory_space<vmem>>, vector<16xf32>,
      %neg3A_711 = arith.constant 0.000000e+00 : f32
      %neg3A_712 = vector.broadcast %neg3A_711 : f32 to vector<16xf32>
      %neg3A_713 = arith.subf %neg3A_712, %get3A_710 : vector<16xf32>
      %exp3A_714 = math.exp %neg3A_713 : vector<16xf32>
      %add3A_715 = arith.constant 1.000000e+00 : f32
      %add3A_716 = vector.broadcast %add3A_715 : f32 to vector<16xf32>
      %add3A_717 = arith.addf %add3A_716, %exp3A_714 : vector<16xf32>
      %div3A_718 = arith.constant 1.000000e+00 : f32
      %div3A_719 = vector.broadcast %div3A_718 : f32 to vector<16xf32>
      %div3A_720 = arith.divf %div3A_719, %add3A_717 : vector<16xf32>
      %swap3A_721 = arith.constant 336 : index
      %swap3A_722 = tpu.vector_load %arg14[%swap3A_721] {strides = array<i32>} : memref<656xf32, #tpu.memory_space<vmem>>, vector<16xf32>,
      tpu.vector_store %arg14[%swap3A_721], %div3A_720 {strides = array<i32>} : memref<656xf32, #tpu.memory_space<vmem>>, vector<16xf32>,
      %get3A_723 = arith.constant 336 : index
      %get3A_724 = tpu.vector_load %arg15[%get3A_723] {strides = array<i32>} : memref<656xf32, #tpu.memory_space<vmem>>, vector<16xf32>,
      %exp3A_725 = math.exp %get3A_724 : vector<16xf32>
      %add3A_726 = arith.constant 1.000000e+00 : f32
      %add3A_727 = vector.broadcast %add3A_726 : f32 to vector<16xf32>
      %add3A_728 = arith.addf %add3A_727, %exp3A_725 : vector<16xf32>
      %div3A_729 = arith.constant 1.000000e+00 : f32
      %div3A_730 = vector.broadcast %div3A_729 : f32 to vector<16xf32>
      %div3A_731 = arith.divf %div3A_730, %add3A_728 : vector<16xf32>
      %swap3A_732 = arith.constant 336 : index
      %swap3A_733 = tpu.vector_load %arg15[%swap3A_732] {strides = array<i32>} : memref<656xf32, #tpu.memory_space<vmem>>, vector<16xf32>,
      tpu.vector_store %arg15[%swap3A_732], %div3A_731 {strides = array<i32>} : memref<656xf32, #tpu.memory_space<vmem>>, vector<16xf32>,
      %get3A_734 = arith.constant 352 : index
      %get3A_735 = tpu.vector_load %arg14[%get3A_734] {strides = array<i32>} : memref<656xf32, #tpu.memory_space<vmem>>, vector<16xf32>,
      %neg3A_736 = arith.constant 0.000000e+00 : f32
      %neg3A_737 = vector.broadcast %neg3A_736 : f32 to vector<16xf32>
      %neg3A_738 = arith.subf %neg3A_737, %get3A_735 : vector<16xf32>
      %exp3A_739 = math.exp %neg3A_738 : vector<16xf32>
      %add3A_740 = arith.constant 1.000000e+00 : f32
      %add3A_741 = vector.broadcast %add3A_740 : f32 to vector<16xf32>
      %add3A_742 = arith.addf %add3A_741, %exp3A_739 : vector<16xf32>
      %div3A_743 = arith.constant 1.000000e+00 : f32
      %div3A_744 = vector.broadcast %div3A_743 : f32 to vector<16xf32>
      %div3A_745 = arith.divf %div3A_744, %add3A_742 : vector<16xf32>
      %swap3A_746 = arith.constant 352 : index
      %swap3A_747 = tpu.vector_load %arg14[%swap3A_746] {strides = array<i32>} : memref<656xf32, #tpu.memory_space<vmem>>, vector<16xf32>,
      tpu.vector_store %arg14[%swap3A_746], %div3A_745 {strides = array<i32>} : memref<656xf32, #tpu.memory_space<vmem>>, vector<16xf32>,
      %get3A_748 = arith.constant 352 : index
      %get3A_749 = tpu.vector_load %arg15[%get3A_748] {strides = array<i32>} : memref<656xf32, #tpu.memory_space<vmem>>, vector<16xf32>,
      %exp3A_750 = math.exp %get3A_749 : vector<16xf32>
      %add3A_751 = arith.constant 1.000000e+00 : f32
      %add3A_752 = vector.broadcast %add3A_751 : f32 to vector<16xf32>
      %add3A_753 = arith.addf %add3A_752, %exp3A_750 : vector<16xf32>
      %div3A_754 = arith.constant 1.000000e+00 : f32
      %div3A_755 = vector.broadcast %div3A_754 : f32 to vector<16xf32>
      %div3A_756 = arith.divf %div3A_755, %add3A_753 : vector<16xf32>
      %swap3A_757 = arith.constant 352 : index
      %swap3A_758 = tpu.vector_load %arg15[%swap3A_757] {strides = array<i32>} : memref<656xf32, #tpu.memory_space<vmem>>, vector<16xf32>,
      tpu.vector_store %arg15[%swap3A_757], %div3A_756 {strides = array<i32>} : memref<656xf32, #tpu.memory_space<vmem>>, vector<16xf32>,
      %get3A_759 = arith.constant 368 : index
      %get3A_760 = tpu.vector_load %arg14[%get3A_759] {strides = array<i32>} : memref<656xf32, #tpu.memory_space<vmem>>, vector<16xf32>,
      %neg3A_761 = arith.constant 0.000000e+00 : f32
      %neg3A_762 = vector.broadcast %neg3A_761 : f32 to vector<16xf32>
      %neg3A_763 = arith.subf %neg3A_762, %get3A_760 : vector<16xf32>
      %exp3A_764 = math.exp %neg3A_763 : vector<16xf32>
      %add3A_765 = arith.constant 1.000000e+00 : f32
      %add3A_766 = vector.broadcast %add3A_765 : f32 to vector<16xf32>
      %add3A_767 = arith.addf %add3A_766, %exp3A_764 : vector<16xf32>
      %div3A_768 = arith.constant 1.000000e+00 : f32
      %div3A_769 = vector.broadcast %div3A_768 : f32 to vector<16xf32>
      %div3A_770 = arith.divf %div3A_769, %add3A_767 : vector<16xf32>
      %swap3A_771 = arith.constant 368 : index
      %swap3A_772 = tpu.vector_load %arg14[%swap3A_771] {strides = array<i32>} : memref<656xf32, #tpu.memory_space<vmem>>, vector<16xf32>,
      tpu.vector_store %arg14[%swap3A_771], %div3A_770 {strides = array<i32>} : memref<656xf32, #tpu.memory_space<vmem>>, vector<16xf32>,
      %get3A_773 = arith.constant 368 : index
      %get3A_774 = tpu.vector_load %arg15[%get3A_773] {strides = array<i32>} : memref<656xf32, #tpu.memory_space<vmem>>, vector<16xf32>,
      %exp3A_775 = math.exp %get3A_774 : vector<16xf32>
      %add3A_776 = arith.constant 1.000000e+00 : f32
      %add3A_777 = vector.broadcast %add3A_776 : f32 to vector<16xf32>
      %add3A_778 = arith.addf %add3A_777, %exp3A_775 : vector<16xf32>
      %div3A_779 = arith.constant 1.000000e+00 : f32
      %div3A_780 = vector.broadcast %div3A_779 : f32 to vector<16xf32>
      %div3A_781 = arith.divf %div3A_780, %add3A_778 : vector<16xf32>
      %swap3A_782 = arith.constant 368 : index
      %swap3A_783 = tpu.vector_load %arg15[%swap3A_782] {strides = array<i32>} : memref<656xf32, #tpu.memory_space<vmem>>, vector<16xf32>,
      tpu.vector_store %arg15[%swap3A_782], %div3A_781 {strides = array<i32>} : memref<656xf32, #tpu.memory_space<vmem>>, vector<16xf32>,
      %get3A_784 = arith.constant 384 : index
      %get3A_785 = tpu.vector_load %arg14[%get3A_784] {strides = array<i32>} : memref<656xf32, #tpu.memory_space<vmem>>, vector<16xf32>,
      %neg3A_786 = arith.constant 0.000000e+00 : f32
      %neg3A_787 = vector.broadcast %neg3A_786 : f32 to vector<16xf32>
      %neg3A_788 = arith.subf %neg3A_787, %get3A_785 : vector<16xf32>
      %exp3A_789 = math.exp %neg3A_788 : vector<16xf32>
      %add3A_790 = arith.constant 1.000000e+00 : f32
      %add3A_791 = vector.broadcast %add3A_790 : f32 to vector<16xf32>
      %add3A_792 = arith.addf %add3A_791, %exp3A_789 : vector<16xf32>
      %div3A_793 = arith.constant 1.000000e+00 : f32
      %div3A_794 = vector.broadcast %div3A_793 : f32 to vector<16xf32>
      %div3A_795 = arith.divf %div3A_794, %add3A_792 : vector<16xf32>
      %swap3A_796 = arith.constant 384 : index
      %swap3A_797 = tpu.vector_load %arg14[%swap3A_796] {strides = array<i32>} : memref<656xf32, #tpu.memory_space<vmem>>, vector<16xf32>,
      tpu.vector_store %arg14[%swap3A_796], %div3A_795 {strides = array<i32>} : memref<656xf32, #tpu.memory_space<vmem>>, vector<16xf32>,
      %get3A_798 = arith.constant 384 : index
      %get3A_799 = tpu.vector_load %arg15[%get3A_798] {strides = array<i32>} : memref<656xf32, #tpu.memory_space<vmem>>, vector<16xf32>,
      %exp3A_800 = math.exp %get3A_799 : vector<16xf32>
      %add3A_801 = arith.constant 1.000000e+00 : f32
      %add3A_802 = vector.broadcast %add3A_801 : f32 to vector<16xf32>
      %add3A_803 = arith.addf %add3A_802, %exp3A_800 : vector<16xf32>
      %div3A_804 = arith.constant 1.000000e+00 : f32
      %div3A_805 = vector.broadcast %div3A_804 : f32 to vector<16xf32>
      %div3A_806 = arith.divf %div3A_805, %add3A_803 : vector<16xf32>
      %swap3A_807 = arith.constant 384 : index
      %swap3A_808 = tpu.vector_load %arg15[%swap3A_807] {strides = array<i32>} : memref<656xf32, #tpu.memory_space<vmem>>, vector<16xf32>,
      tpu.vector_store %arg15[%swap3A_807], %div3A_806 {strides = array<i32>} : memref<656xf32, #tpu.memory_space<vmem>>, vector<16xf32>,
      %get3A_809 = arith.constant 400 : index
      %get3A_810 = tpu.vector_load %arg14[%get3A_809] {strides = array<i32>} : memref<656xf32, #tpu.memory_space<vmem>>, vector<16xf32>,
      %neg3A_811 = arith.constant 0.000000e+00 : f32
      %neg3A_812 = vector.broadcast %neg3A_811 : f32 to vector<16xf32>
      %neg3A_813 = arith.subf %neg3A_812, %get3A_810 : vector<16xf32>
      %exp3A_814 = math.exp %neg3A_813 : vector<16xf32>
      %add3A_815 = arith.constant 1.000000e+00 : f32
      %add3A_816 = vector.broadcast %add3A_815 : f32 to vector<16xf32>
      %add3A_817 = arith.addf %add3A_816, %exp3A_814 : vector<16xf32>
      %div3A_818 = arith.constant 1.000000e+00 : f32
      %div3A_819 = vector.broadcast %div3A_818 : f32 to vector<16xf32>
      %div3A_820 = arith.divf %div3A_819, %add3A_817 : vector<16xf32>
      %swap3A_821 = arith.constant 400 : index
      %swap3A_822 = tpu.vector_load %arg14[%swap3A_821] {strides = array<i32>} : memref<656xf32, #tpu.memory_space<vmem>>, vector<16xf32>,
      tpu.vector_store %arg14[%swap3A_821], %div3A_820 {strides = array<i32>} : memref<656xf32, #tpu.memory_space<vmem>>, vector<16xf32>,
      %get3A_823 = arith.constant 400 : index
      %get3A_824 = tpu.vector_load %arg15[%get3A_823] {strides = array<i32>} : memref<656xf32, #tpu.memory_space<vmem>>, vector<16xf32>,
      %exp3A_825 = math.exp %get3A_824 : vector<16xf32>
      %add3A_826 = arith.constant 1.000000e+00 : f32
      %add3A_827 = vector.broadcast %add3A_826 : f32 to vector<16xf32>
      %add3A_828 = arith.addf %add3A_827, %exp3A_825 : vector<16xf32>
      %div3A_829 = arith.constant 1.000000e+00 : f32
      %div3A_830 = vector.broadcast %div3A_829 : f32 to vector<16xf32>
      %div3A_831 = arith.divf %div3A_830, %add3A_828 : vector<16xf32>
      %swap3A_832 = arith.constant 400 : index
      %swap3A_833 = tpu.vector_load %arg15[%swap3A_832] {strides = array<i32>} : memref<656xf32, #tpu.memory_space<vmem>>, vector<16xf32>,
      tpu.vector_store %arg15[%swap3A_832], %div3A_831 {strides = array<i32>} : memref<656xf32, #tpu.memory_space<vmem>>, vector<16xf32>,
      %get3A_834 = arith.constant 416 : index
      %get3A_835 = tpu.vector_load %arg14[%get3A_834] {strides = array<i32>} : memref<656xf32, #tpu.memory_space<vmem>>, vector<16xf32>,
      %neg3A_836 = arith.constant 0.000000e+00 : f32
      %neg3A_837 = vector.broadcast %neg3A_836 : f32 to vector<16xf32>
      %neg3A_838 = arith.subf %neg3A_837, %get3A_835 : vector<16xf32>
      %exp3A_839 = math.exp %neg3A_838 : vector<16xf32>
      %add3A_840 = arith.constant 1.000000e+00 : f32
      %add3A_841 = vector.broadcast %add3A_840 : f32 to vector<16xf32>
      %add3A_842 = arith.addf %add3A_841, %exp3A_839 : vector<16xf32>
      %div3A_843 = arith.constant 1.000000e+00 : f32
      %div3A_844 = vector.broadcast %div3A_843 : f32 to vector<16xf32>
      %div3A_845 = arith.divf %div3A_844, %add3A_842 : vector<16xf32>
      %swap3A_846 = arith.constant 416 : index
      %swap3A_847 = tpu.vector_load %arg14[%swap3A_846] {strides = array<i32>} : memref<656xf32, #tpu.memory_space<vmem>>, vector<16xf32>,
      tpu.vector_store %arg14[%swap3A_846], %div3A_845 {strides = array<i32>} : memref<656xf32, #tpu.memory_space<vmem>>, vector<16xf32>,
      %get3A_848 = arith.constant 416 : index
      %get3A_849 = tpu.vector_load %arg15[%get3A_848] {strides = array<i32>} : memref<656xf32, #tpu.memory_space<vmem>>, vector<16xf32>,
      %exp3A_850 = math.exp %get3A_849 : vector<16xf32>
      %add3A_851 = arith.constant 1.000000e+00 : f32
      %add3A_852 = vector.broadcast %add3A_851 : f32 to vector<16xf32>
      %add3A_853 = arith.addf %add3A_852, %exp3A_850 : vector<16xf32>
      %div3A_854 = arith.constant 1.000000e+00 : f32
      %div3A_855 = vector.broadcast %div3A_854 : f32 to vector<16xf32>
      %div3A_856 = arith.divf %div3A_855, %add3A_853 : vector<16xf32>
      %swap3A_857 = arith.constant 416 : index
      %swap3A_858 = tpu.vector_load %arg15[%swap3A_857] {strides = array<i32>} : memref<656xf32, #tpu.memory_space<vmem>>, vector<16xf32>,
      tpu.vector_store %arg15[%swap3A_857], %div3A_856 {strides = array<i32>} : memref<656xf32, #tpu.memory_space<vmem>>, vector<16xf32>,
      %get3A_859 = arith.constant 432 : index
      %get3A_860 = tpu.vector_load %arg14[%get3A_859] {strides = array<i32>} : memref<656xf32, #tpu.memory_space<vmem>>, vector<16xf32>,
      %neg3A_861 = arith.constant 0.000000e+00 : f32
      %neg3A_862 = vector.broadcast %neg3A_861 : f32 to vector<16xf32>
      %neg3A_863 = arith.subf %neg3A_862, %get3A_860 : vector<16xf32>
      %exp3A_864 = math.exp %neg3A_863 : vector<16xf32>
      %add3A_865 = arith.constant 1.000000e+00 : f32
      %add3A_866 = vector.broadcast %add3A_865 : f32 to vector<16xf32>
      %add3A_867 = arith.addf %add3A_866, %exp3A_864 : vector<16xf32>
      %div3A_868 = arith.constant 1.000000e+00 : f32
      %div3A_869 = vector.broadcast %div3A_868 : f32 to vector<16xf32>
      %div3A_870 = arith.divf %div3A_869, %add3A_867 : vector<16xf32>
      %swap3A_871 = arith.constant 432 : index
      %swap3A_872 = tpu.vector_load %arg14[%swap3A_871] {strides = array<i32>} : memref<656xf32, #tpu.memory_space<vmem>>, vector<16xf32>,
      tpu.vector_store %arg14[%swap3A_871], %div3A_870 {strides = array<i32>} : memref<656xf32, #tpu.memory_space<vmem>>, vector<16xf32>,
      %get3A_873 = arith.constant 432 : index
      %get3A_874 = tpu.vector_load %arg15[%get3A_873] {strides = array<i32>} : memref<656xf32, #tpu.memory_space<vmem>>, vector<16xf32>,
      %exp3A_875 = math.exp %get3A_874 : vector<16xf32>
      %add3A_876 = arith.constant 1.000000e+00 : f32
      %add3A_877 = vector.broadcast %add3A_876 : f32 to vector<16xf32>
      %add3A_878 = arith.addf %add3A_877, %exp3A_875 : vector<16xf32>
      %div3A_879 = arith.constant 1.000000e+00 : f32
      %div3A_880 = vector.broadcast %div3A_879 : f32 to vector<16xf32>
      %div3A_881 = arith.divf %div3A_880, %add3A_878 : vector<16xf32>
      %swap3A_882 = arith.constant 432 : index
      %swap3A_883 = tpu.vector_load %arg15[%swap3A_882] {strides = array<i32>} : memref<656xf32, #tpu.memory_space<vmem>>, vector<16xf32>,
      tpu.vector_store %arg15[%swap3A_882], %div3A_881 {strides = array<i32>} : memref<656xf32, #tpu.memory_space<vmem>>, vector<16xf32>,
      %get3A_884 = arith.constant 448 : index
      %get3A_885 = tpu.vector_load %arg14[%get3A_884] {strides = array<i32>} : memref<656xf32, #tpu.memory_space<vmem>>, vector<16xf32>,
      %neg3A_886 = arith.constant 0.000000e+00 : f32
      %neg3A_887 = vector.broadcast %neg3A_886 : f32 to vector<16xf32>
      %neg3A_888 = arith.subf %neg3A_887, %get3A_885 : vector<16xf32>
      %exp3A_889 = math.exp %neg3A_888 : vector<16xf32>
      %add3A_890 = arith.constant 1.000000e+00 : f32
      %add3A_891 = vector.broadcast %add3A_890 : f32 to vector<16xf32>
      %add3A_892 = arith.addf %add3A_891, %exp3A_889 : vector<16xf32>
      %div3A_893 = arith.constant 1.000000e+00 : f32
      %div3A_894 = vector.broadcast %div3A_893 : f32 to vector<16xf32>
      %div3A_895 = arith.divf %div3A_894, %add3A_892 : vector<16xf32>
      %swap3A_896 = arith.constant 448 : index
      %swap3A_897 = tpu.vector_load %arg14[%swap3A_896] {strides = array<i32>} : memref<656xf32, #tpu.memory_space<vmem>>, vector<16xf32>,
      tpu.vector_store %arg14[%swap3A_896], %div3A_895 {strides = array<i32>} : memref<656xf32, #tpu.memory_space<vmem>>, vector<16xf32>,
      %get3A_898 = arith.constant 448 : index
      %get3A_899 = tpu.vector_load %arg15[%get3A_898] {strides = array<i32>} : memref<656xf32, #tpu.memory_space<vmem>>, vector<16xf32>,
      %exp3A_900 = math.exp %get3A_899 : vector<16xf32>
      %add3A_901 = arith.constant 1.000000e+00 : f32
      %add3A_902 = vector.broadcast %add3A_901 : f32 to vector<16xf32>
      %add3A_903 = arith.addf %add3A_902, %exp3A_900 : vector<16xf32>
      %div3A_904 = arith.constant 1.000000e+00 : f32
      %div3A_905 = vector.broadcast %div3A_904 : f32 to vector<16xf32>
      %div3A_906 = arith.divf %div3A_905, %add3A_903 : vector<16xf32>
      %swap3A_907 = arith.constant 448 : index
      %swap3A_908 = tpu.vector_load %arg15[%swap3A_907] {strides = array<i32>} : memref<656xf32, #tpu.memory_space<vmem>>, vector<16xf32>,
      tpu.vector_store %arg15[%swap3A_907], %div3A_906 {strides = array<i32>} : memref<656xf32, #tpu.memory_space<vmem>>, vector<16xf32>,
      %get3A_909 = arith.constant 464 : index
      %get3A_910 = tpu.vector_load %arg14[%get3A_909] {strides = array<i32>} : memref<656xf32, #tpu.memory_space<vmem>>, vector<16xf32>,
      %neg3A_911 = arith.constant 0.000000e+00 : f32
      %neg3A_912 = vector.broadcast %neg3A_911 : f32 to vector<16xf32>
      %neg3A_913 = arith.subf %neg3A_912, %get3A_910 : vector<16xf32>
      %exp3A_914 = math.exp %neg3A_913 : vector<16xf32>
      %add3A_915 = arith.constant 1.000000e+00 : f32
      %add3A_916 = vector.broadcast %add3A_915 : f32 to vector<16xf32>
      %add3A_917 = arith.addf %add3A_916, %exp3A_914 : vector<16xf32>
      %div3A_918 = arith.constant 1.000000e+00 : f32
      %div3A_919 = vector.broadcast %div3A_918 : f32 to vector<16xf32>
      %div3A_920 = arith.divf %div3A_919, %add3A_917 : vector<16xf32>
      %swap3A_921 = arith.constant 464 : index
      %swap3A_922 = tpu.vector_load %arg14[%swap3A_921] {strides = array<i32>} : memref<656xf32, #tpu.memory_space<vmem>>, vector<16xf32>,
      tpu.vector_store %arg14[%swap3A_921], %div3A_920 {strides = array<i32>} : memref<656xf32, #tpu.memory_space<vmem>>, vector<16xf32>,
      %get3A_923 = arith.constant 464 : index
      %get3A_924 = tpu.vector_load %arg15[%get3A_923] {strides = array<i32>} : memref<656xf32, #tpu.memory_space<vmem>>, vector<16xf32>,
      %exp3A_925 = math.exp %get3A_924 : vector<16xf32>
      %add3A_926 = arith.constant 1.000000e+00 : f32
      %add3A_927 = vector.broadcast %add3A_926 : f32 to vector<16xf32>
      %add3A_928 = arith.addf %add3A_927, %exp3A_925 : vector<16xf32>
      %div3A_929 = arith.constant 1.000000e+00 : f32
      %div3A_930 = vector.broadcast %div3A_929 : f32 to vector<16xf32>
      %div3A_931 = arith.divf %div3A_930, %add3A_928 : vector<16xf32>
      %swap3A_932 = arith.constant 464 : index
      %swap3A_933 = tpu.vector_load %arg15[%swap3A_932] {strides = array<i32>} : memref<656xf32, #tpu.memory_space<vmem>>, vector<16xf32>,
      tpu.vector_store %arg15[%swap3A_932], %div3A_931 {strides = array<i32>} : memref<656xf32, #tpu.memory_space<vmem>>, vector<16xf32>,
      %get3A_934 = arith.constant 480 : index
      %get3A_935 = tpu.vector_load %arg14[%get3A_934] {strides = array<i32>} : memref<656xf32, #tpu.memory_space<vmem>>, vector<16xf32>,
      %neg3A_936 = arith.constant 0.000000e+00 : f32
      %neg3A_937 = vector.broadcast %neg3A_936 : f32 to vector<16xf32>
      %neg3A_938 = arith.subf %neg3A_937, %get3A_935 : vector<16xf32>
      %exp3A_939 = math.exp %neg3A_938 : vector<16xf32>
      %add3A_940 = arith.constant 1.000000e+00 : f32
      %add3A_941 = vector.broadcast %add3A_940 : f32 to vector<16xf32>
      %add3A_942 = arith.addf %add3A_941, %exp3A_939 : vector<16xf32>
      %div3A_943 = arith.constant 1.000000e+00 : f32
      %div3A_944 = vector.broadcast %div3A_943 : f32 to vector<16xf32>
      %div3A_945 = arith.divf %div3A_944, %add3A_942 : vector<16xf32>
      %swap3A_946 = arith.constant 480 : index
      %swap3A_947 = tpu.vector_load %arg14[%swap3A_946] {strides = array<i32>} : memref<656xf32, #tpu.memory_space<vmem>>, vector<16xf32>,
      tpu.vector_store %arg14[%swap3A_946], %div3A_945 {strides = array<i32>} : memref<656xf32, #tpu.memory_space<vmem>>, vector<16xf32>,
      %get3A_948 = arith.constant 480 : index
      %get3A_949 = tpu.vector_load %arg15[%get3A_948] {strides = array<i32>} : memref<656xf32, #tpu.memory_space<vmem>>, vector<16xf32>,
      %exp3A_950 = math.exp %get3A_949 : vector<16xf32>
      %add3A_951 = arith.constant 1.000000e+00 : f32
      %add3A_952 = vector.broadcast %add3A_951 : f32 to vector<16xf32>
      %add3A_953 = arith.addf %add3A_952, %exp3A_950 : vector<16xf32>
      %div3A_954 = arith.constant 1.000000e+00 : f32
      %div3A_955 = vector.broadcast %div3A_954 : f32 to vector<16xf32>
      %div3A_956 = arith.divf %div3A_955, %add3A_953 : vector<16xf32>
      %swap3A_957 = arith.constant 480 : index
      %swap3A_958 = tpu.vector_load %arg15[%swap3A_957] {strides = array<i32>} : memref<656xf32, #tpu.memory_space<vmem>>, vector<16xf32>,
      tpu.vector_store %arg15[%swap3A_957], %div3A_956 {strides = array<i32>} : memref<656xf32, #tpu.memory_space<vmem>>, vector<16xf32>,
      %get3A_959 = arith.constant 496 : index
      %get3A_960 = tpu.vector_load %arg14[%get3A_959] {strides = array<i32>} : memref<656xf32, #tpu.memory_space<vmem>>, vector<16xf32>,
      %neg3A_961 = arith.constant 0.000000e+00 : f32
      %neg3A_962 = vector.broadcast %neg3A_961 : f32 to vector<16xf32>
      %neg3A_963 = arith.subf %neg3A_962, %get3A_960 : vector<16xf32>
      %exp3A_964 = math.exp %neg3A_963 : vector<16xf32>
      %add3A_965 = arith.constant 1.000000e+00 : f32
      %add3A_966 = vector.broadcast %add3A_965 : f32 to vector<16xf32>
      %add3A_967 = arith.addf %add3A_966, %exp3A_964 : vector<16xf32>
      %div3A_968 = arith.constant 1.000000e+00 : f32
      %div3A_969 = vector.broadcast %div3A_968 : f32 to vector<16xf32>
      %div3A_970 = arith.divf %div3A_969, %add3A_967 : vector<16xf32>
      %swap3A_971 = arith.constant 496 : index
      %swap3A_972 = tpu.vector_load %arg14[%swap3A_971] {strides = array<i32>} : memref<656xf32, #tpu.memory_space<vmem>>, vector<16xf32>,
      tpu.vector_store %arg14[%swap3A_971], %div3A_970 {strides = array<i32>} : memref<656xf32, #tpu.memory_space<vmem>>, vector<16xf32>,
      %get3A_973 = arith.constant 496 : index
      %get3A_974 = tpu.vector_load %arg15[%get3A_973] {strides = array<i32>} : memref<656xf32, #tpu.memory_space<vmem>>, vector<16xf32>,
      %exp3A_975 = math.exp %get3A_974 : vector<16xf32>
      %add3A_976 = arith.constant 1.000000e+00 : f32
      %add3A_977 = vector.broadcast %add3A_976 : f32 to vector<16xf32>
      %add3A_978 = arith.addf %add3A_977, %exp3A_975 : vector<16xf32>
      %div3A_979 = arith.constant 1.000000e+00 : f32
      %div3A_980 = vector.broadcast %div3A_979 : f32 to vector<16xf32>
      %div3A_981 = arith.divf %div3A_980, %add3A_978 : vector<16xf32>
      %swap3A_982 = arith.constant 496 : index
      %swap3A_983 = tpu.vector_load %arg15[%swap3A_982] {strides = array<i32>} : memref<656xf32, #tpu.memory_space<vmem>>, vector<16xf32>,
      tpu.vector_store %arg15[%swap3A_982], %div3A_981 {strides = array<i32>} : memref<656xf32, #tpu.memory_space<vmem>>, vector<16xf32>,
      %get3A_984 = arith.constant 512 : index
      %get3A_985 = tpu.vector_load %arg14[%get3A_984] {strides = array<i32>} : memref<656xf32, #tpu.memory_space<vmem>>, vector<16xf32>,
      %neg3A_986 = arith.constant 0.000000e+00 : f32
      %neg3A_987 = vector.broadcast %neg3A_986 : f32 to vector<16xf32>
      %neg3A_988 = arith.subf %neg3A_987, %get3A_985 : vector<16xf32>
      %exp3A_989 = math.exp %neg3A_988 : vector<16xf32>
      %add3A_990 = arith.constant 1.000000e+00 : f32
      %add3A_991 = vector.broadcast %add3A_990 : f32 to vector<16xf32>
      %add3A_992 = arith.addf %add3A_991, %exp3A_989 : vector<16xf32>
      %div3A_993 = arith.constant 1.000000e+00 : f32
      %div3A_994 = vector.broadcast %div3A_993 : f32 to vector<16xf32>
      %div3A_995 = arith.divf %div3A_994, %add3A_992 : vector<16xf32>
      %swap3A_996 = arith.constant 512 : index
      %swap3A_997 = tpu.vector_load %arg14[%swap3A_996] {strides = array<i32>} : memref<656xf32, #tpu.memory_space<vmem>>, vector<16xf32>,
      tpu.vector_store %arg14[%swap3A_996], %div3A_995 {strides = array<i32>} : memref<656xf32, #tpu.memory_space<vmem>>, vector<16xf32>,
      %get3A_998 = arith.constant 512 : index
      %get3A_999 = tpu.vector_load %arg15[%get3A_998] {strides = array<i32>} : memref<656xf32, #tpu.memory_space<vmem>>, vector<16xf32>,
      %exp3A_1000 = math.exp %get3A_999 : vector<16xf32>
      %add3A_1001 = arith.constant 1.000000e+00 : f32
      %add3A_1002 = vector.broadcast %add3A_1001 : f32 to vector<16xf32>
      %add3A_1003 = arith.addf %add3A_1002, %exp3A_1000 : vector<16xf32>
      %div3A_1004 = arith.constant 1.000000e+00 : f32
      %div3A_1005 = vector.broadcast %div3A_1004 : f32 to vector<16xf32>
      %div3A_1006 = arith.divf %div3A_1005, %add3A_1003 : vector<16xf32>
      %swap3A_1007 = arith.constant 512 : index
      %swap3A_1008 = tpu.vector_load %arg15[%swap3A_1007] {strides = array<i32>} : memref<656xf32, #tpu.memory_space<vmem>>, vector<16xf32>,
      tpu.vector_store %arg15[%swap3A_1007], %div3A_1006 {strides = array<i32>} : memref<656xf32, #tpu.memory_space<vmem>>, vector<16xf32>,
      %get3A_1009 = arith.constant 528 : index
      %get3A_1010 = tpu.vector_load %arg14[%get3A_1009] {strides = array<i32>} : memref<656xf32, #tpu.memory_space<vmem>>, vector<16xf32>,
      %neg3A_1011 = arith.constant 0.000000e+00 : f32
      %neg3A_1012 = vector.broadcast %neg3A_1011 : f32 to vector<16xf32>
      %neg3A_1013 = arith.subf %neg3A_1012, %get3A_1010 : vector<16xf32>
      %exp3A_1014 = math.exp %neg3A_1013 : vector<16xf32>
      %add3A_1015 = arith.constant 1.000000e+00 : f32
      %add3A_1016 = vector.broadcast %add3A_1015 : f32 to vector<16xf32>
      %add3A_1017 = arith.addf %add3A_1016, %exp3A_1014 : vector<16xf32>
      %div3A_1018 = arith.constant 1.000000e+00 : f32
      %div3A_1019 = vector.broadcast %div3A_1018 : f32 to vector<16xf32>
      %div3A_1020 = arith.divf %div3A_1019, %add3A_1017 : vector<16xf32>
      %swap3A_1021 = arith.constant 528 : index
      %swap3A_1022 = tpu.vector_load %arg14[%swap3A_1021] {strides = array<i32>} : memref<656xf32, #tpu.memory_space<vmem>>, vector<16xf32>,
      tpu.vector_store %arg14[%swap3A_1021], %div3A_1020 {strides = array<i32>} : memref<656xf32, #tpu.memory_space<vmem>>, vector<16xf32>,
      %get3A_1023 = arith.constant 528 : index
      %get3A_1024 = tpu.vector_load %arg15[%get3A_1023] {strides = array<i32>} : memref<656xf32, #tpu.memory_space<vmem>>, vector<16xf32>,
      %exp3A_1025 = math.exp %get3A_1024 : vector<16xf32>
      %add3A_1026 = arith.constant 1.000000e+00 : f32
      %add3A_1027 = vector.broadcast %add3A_1026 : f32 to vector<16xf32>
      %add3A_1028 = arith.addf %add3A_1027, %exp3A_1025 : vector<16xf32>
      %div3A_1029 = arith.constant 1.000000e+00 : f32
      %div3A_1030 = vector.broadcast %div3A_1029 : f32 to vector<16xf32>
      %div3A_1031 = arith.divf %div3A_1030, %add3A_1028 : vector<16xf32>
      %swap3A_1032 = arith.constant 528 : index
      %swap3A_1033 = tpu.vector_load %arg15[%swap3A_1032] {strides = array<i32>} : memref<656xf32, #tpu.memory_space<vmem>>, vector<16xf32>,
      tpu.vector_store %arg15[%swap3A_1032], %div3A_1031 {strides = array<i32>} : memref<656xf32, #tpu.memory_space<vmem>>, vector<16xf32>,
      %get3A_1034 = arith.constant 544 : index
      %get3A_1035 = tpu.vector_load %arg14[%get3A_1034] {strides = array<i32>} : memref<656xf32, #tpu.memory_space<vmem>>, vector<16xf32>,
      %neg3A_1036 = arith.constant 0.000000e+00 : f32
      %neg3A_1037 = vector.broadcast %neg3A_1036 : f32 to vector<16xf32>
      %neg3A_1038 = arith.subf %neg3A_1037, %get3A_1035 : vector<16xf32>
      %exp3A_1039 = math.exp %neg3A_1038 : vector<16xf32>
      %add3A_1040 = arith.constant 1.000000e+00 : f32
      %add3A_1041 = vector.broadcast %add3A_1040 : f32 to vector<16xf32>
      %add3A_1042 = arith.addf %add3A_1041, %exp3A_1039 : vector<16xf32>
      %div3A_1043 = arith.constant 1.000000e+00 : f32
      %div3A_1044 = vector.broadcast %div3A_1043 : f32 to vector<16xf32>
      %div3A_1045 = arith.divf %div3A_1044, %add3A_1042 : vector<16xf32>
      %swap3A_1046 = arith.constant 544 : index
      %swap3A_1047 = tpu.vector_load %arg14[%swap3A_1046] {strides = array<i32>} : memref<656xf32, #tpu.memory_space<vmem>>, vector<16xf32>,
      tpu.vector_store %arg14[%swap3A_1046], %div3A_1045 {strides = array<i32>} : memref<656xf32, #tpu.memory_space<vmem>>, vector<16xf32>,
      %get3A_1048 = arith.constant 544 : index
      %get3A_1049 = tpu.vector_load %arg15[%get3A_1048] {strides = array<i32>} : memref<656xf32, #tpu.memory_space<vmem>>, vector<16xf32>,
      %exp3A_1050 = math.exp %get3A_1049 : vector<16xf32>
      %add3A_1051 = arith.constant 1.000000e+00 : f32
      %add3A_1052 = vector.broadcast %add3A_1051 : f32 to vector<16xf32>
      %add3A_1053 = arith.addf %add3A_1052, %exp3A_1050 : vector<16xf32>
      %div3A_1054 = arith.constant 1.000000e+00 : f32
      %div3A_1055 = vector.broadcast %div3A_1054 : f32 to vector<16xf32>
      %div3A_1056 = arith.divf %div3A_1055, %add3A_1053 : vector<16xf32>
      %swap3A_1057 = arith.constant 544 : index
      %swap3A_1058 = tpu.vector_load %arg15[%swap3A_1057] {strides = array<i32>} : memref<656xf32, #tpu.memory_space<vmem>>, vector<16xf32>,
      tpu.vector_store %arg15[%swap3A_1057], %div3A_1056 {strides = array<i32>} : memref<656xf32, #tpu.memory_space<vmem>>, vector<16xf32>,
      %get3A_1059 = arith.constant 560 : index
      %get3A_1060 = tpu.vector_load %arg14[%get3A_1059] {strides = array<i32>} : memref<656xf32, #tpu.memory_space<vmem>>, vector<16xf32>,
      %neg3A_1061 = arith.constant 0.000000e+00 : f32
      %neg3A_1062 = vector.broadcast %neg3A_1061 : f32 to vector<16xf32>
      %neg3A_1063 = arith.subf %neg3A_1062, %get3A_1060 : vector<16xf32>
      %exp3A_1064 = math.exp %neg3A_1063 : vector<16xf32>
      %add3A_1065 = arith.constant 1.000000e+00 : f32
      %add3A_1066 = vector.broadcast %add3A_1065 : f32 to vector<16xf32>
      %add3A_1067 = arith.addf %add3A_1066, %exp3A_1064 : vector<16xf32>
      %div3A_1068 = arith.constant 1.000000e+00 : f32
      %div3A_1069 = vector.broadcast %div3A_1068 : f32 to vector<16xf32>
      %div3A_1070 = arith.divf %div3A_1069, %add3A_1067 : vector<16xf32>
      %swap3A_1071 = arith.constant 560 : index
      %swap3A_1072 = tpu.vector_load %arg14[%swap3A_1071] {strides = array<i32>} : memref<656xf32, #tpu.memory_space<vmem>>, vector<16xf32>,
      tpu.vector_store %arg14[%swap3A_1071], %div3A_1070 {strides = array<i32>} : memref<656xf32, #tpu.memory_space<vmem>>, vector<16xf32>,
      %get3A_1073 = arith.constant 560 : index
      %get3A_1074 = tpu.vector_load %arg15[%get3A_1073] {strides = array<i32>} : memref<656xf32, #tpu.memory_space<vmem>>, vector<16xf32>,
      %exp3A_1075 = math.exp %get3A_1074 : vector<16xf32>
      %add3A_1076 = arith.constant 1.000000e+00 : f32
      %add3A_1077 = vector.broadcast %add3A_1076 : f32 to vector<16xf32>
      %add3A_1078 = arith.addf %add3A_1077, %exp3A_1075 : vector<16xf32>
      %div3A_1079 = arith.constant 1.000000e+00 : f32
      %div3A_1080 = vector.broadcast %div3A_1079 : f32 to vector<16xf32>
      %div3A_1081 = arith.divf %div3A_1080, %add3A_1078 : vector<16xf32>
      %swap3A_1082 = arith.constant 560 : index
      %swap3A_1083 = tpu.vector_load %arg15[%swap3A_1082] {strides = array<i32>} : memref<656xf32, #tpu.memory_space<vmem>>, vector<16xf32>,
      tpu.vector_store %arg15[%swap3A_1082], %div3A_1081 {strides = array<i32>} : memref<656xf32, #tpu.memory_space<vmem>>, vector<16xf32>,
      %get3A_1084 = arith.constant 576 : index
      %get3A_1085 = tpu.vector_load %arg14[%get3A_1084] {strides = array<i32>} : memref<656xf32, #tpu.memory_space<vmem>>, vector<16xf32>,
      %neg3A_1086 = arith.constant 0.000000e+00 : f32
      %neg3A_1087 = vector.broadcast %neg3A_1086 : f32 to vector<16xf32>
      %neg3A_1088 = arith.subf %neg3A_1087, %get3A_1085 : vector<16xf32>
      %exp3A_1089 = math.exp %neg3A_1088 : vector<16xf32>
      %add3A_1090 = arith.constant 1.000000e+00 : f32
      %add3A_1091 = vector.broadcast %add3A_1090 : f32 to vector<16xf32>
      %add3A_1092 = arith.addf %add3A_1091, %exp3A_1089 : vector<16xf32>
      %div3A_1093 = arith.constant 1.000000e+00 : f32
      %div3A_1094 = vector.broadcast %div3A_1093 : f32 to vector<16xf32>
      %div3A_1095 = arith.divf %div3A_1094, %add3A_1092 : vector<16xf32>
      %swap3A_1096 = arith.constant 576 : index
      %swap3A_1097 = tpu.vector_load %arg14[%swap3A_1096] {strides = array<i32>} : memref<656xf32, #tpu.memory_space<vmem>>, vector<16xf32>,
      tpu.vector_store %arg14[%swap3A_1096], %div3A_1095 {strides = array<i32>} : memref<656xf32, #tpu.memory_space<vmem>>, vector<16xf32>,
      %get3A_1098 = arith.constant 576 : index
      %get3A_1099 = tpu.vector_load %arg15[%get3A_1098] {strides = array<i32>} : memref<656xf32, #tpu.memory_space<vmem>>, vector<16xf32>,
      %exp3A_1100 = math.exp %get3A_1099 : vector<16xf32>
      %add3A_1101 = arith.constant 1.000000e+00 : f32
      %add3A_1102 = vector.broadcast %add3A_1101 : f32 to vector<16xf32>
      %add3A_1103 = arith.addf %add3A_1102, %exp3A_1100 : vector<16xf32>
      %div3A_1104 = arith.constant 1.000000e+00 : f32
      %div3A_1105 = vector.broadcast %div3A_1104 : f32 to vector<16xf32>
      %div3A_1106 = arith.divf %div3A_1105, %add3A_1103 : vector<16xf32>
      %swap3A_1107 = arith.constant 576 : index
      %swap3A_1108 = tpu.vector_load %arg15[%swap3A_1107] {strides = array<i32>} : memref<656xf32, #tpu.memory_space<vmem>>, vector<16xf32>,
      tpu.vector_store %arg15[%swap3A_1107], %div3A_1106 {strides = array<i32>} : memref<656xf32, #tpu.memory_space<vmem>>, vector<16xf32>,
      %get3A_1109 = arith.constant 592 : index
      %get3A_1110 = tpu.vector_load %arg14[%get3A_1109] {strides = array<i32>} : memref<656xf32, #tpu.memory_space<vmem>>, vector<16xf32>,
      %neg3A_1111 = arith.constant 0.000000e+00 : f32
      %neg3A_1112 = vector.broadcast %neg3A_1111 : f32 to vector<16xf32>
      %neg3A_1113 = arith.subf %neg3A_1112, %get3A_1110 : vector<16xf32>
      %exp3A_1114 = math.exp %neg3A_1113 : vector<16xf32>
      %add3A_1115 = arith.constant 1.000000e+00 : f32
      %add3A_1116 = vector.broadcast %add3A_1115 : f32 to vector<16xf32>
      %add3A_1117 = arith.addf %add3A_1116, %exp3A_1114 : vector<16xf32>
      %div3A_1118 = arith.constant 1.000000e+00 : f32
      %div3A_1119 = vector.broadcast %div3A_1118 : f32 to vector<16xf32>
      %div3A_1120 = arith.divf %div3A_1119, %add3A_1117 : vector<16xf32>
      %swap3A_1121 = arith.constant 592 : index
      %swap3A_1122 = tpu.vector_load %arg14[%swap3A_1121] {strides = array<i32>} : memref<656xf32, #tpu.memory_space<vmem>>, vector<16xf32>,
      tpu.vector_store %arg14[%swap3A_1121], %div3A_1120 {strides = array<i32>} : memref<656xf32, #tpu.memory_space<vmem>>, vector<16xf32>,
      %get3A_1123 = arith.constant 592 : index
      %get3A_1124 = tpu.vector_load %arg15[%get3A_1123] {strides = array<i32>} : memref<656xf32, #tpu.memory_space<vmem>>, vector<16xf32>,
      %exp3A_1125 = math.exp %get3A_1124 : vector<16xf32>
      %add3A_1126 = arith.constant 1.000000e+00 : f32
      %add3A_1127 = vector.broadcast %add3A_1126 : f32 to vector<16xf32>
      %add3A_1128 = arith.addf %add3A_1127, %exp3A_1125 : vector<16xf32>
      %div3A_1129 = arith.constant 1.000000e+00 : f32
      %div3A_1130 = vector.broadcast %div3A_1129 : f32 to vector<16xf32>
      %div3A_1131 = arith.divf %div3A_1130, %add3A_1128 : vector<16xf32>
      %swap3A_1132 = arith.constant 592 : index
      %swap3A_1133 = tpu.vector_load %arg15[%swap3A_1132] {strides = array<i32>} : memref<656xf32, #tpu.memory_space<vmem>>, vector<16xf32>,
      tpu.vector_store %arg15[%swap3A_1132], %div3A_1131 {strides = array<i32>} : memref<656xf32, #tpu.memory_space<vmem>>, vector<16xf32>,
      %get3A_1134 = arith.constant 608 : index
      %get3A_1135 = tpu.vector_load %arg14[%get3A_1134] {strides = array<i32>} : memref<656xf32, #tpu.memory_space<vmem>>, vector<16xf32>,
      %neg3A_1136 = arith.constant 0.000000e+00 : f32
      %neg3A_1137 = vector.broadcast %neg3A_1136 : f32 to vector<16xf32>
      %neg3A_1138 = arith.subf %neg3A_1137, %get3A_1135 : vector<16xf32>
      %exp3A_1139 = math.exp %neg3A_1138 : vector<16xf32>
      %add3A_1140 = arith.constant 1.000000e+00 : f32
      %add3A_1141 = vector.broadcast %add3A_1140 : f32 to vector<16xf32>
      %add3A_1142 = arith.addf %add3A_1141, %exp3A_1139 : vector<16xf32>
      %div3A_1143 = arith.constant 1.000000e+00 : f32
      %div3A_1144 = vector.broadcast %div3A_1143 : f32 to vector<16xf32>
      %div3A_1145 = arith.divf %div3A_1144, %add3A_1142 : vector<16xf32>
      %swap3A_1146 = arith.constant 608 : index
      %swap3A_1147 = tpu.vector_load %arg14[%swap3A_1146] {strides = array<i32>} : memref<656xf32, #tpu.memory_space<vmem>>, vector<16xf32>,
      tpu.vector_store %arg14[%swap3A_1146], %div3A_1145 {strides = array<i32>} : memref<656xf32, #tpu.memory_space<vmem>>, vector<16xf32>,
      %get3A_1148 = arith.constant 608 : index
      %get3A_1149 = tpu.vector_load %arg15[%get3A_1148] {strides = array<i32>} : memref<656xf32, #tpu.memory_space<vmem>>, vector<16xf32>,
      %exp3A_1150 = math.exp %get3A_1149 : vector<16xf32>
      %add3A_1151 = arith.constant 1.000000e+00 : f32
      %add3A_1152 = vector.broadcast %add3A_1151 : f32 to vector<16xf32>
      %add3A_1153 = arith.addf %add3A_1152, %exp3A_1150 : vector<16xf32>
      %div3A_1154 = arith.constant 1.000000e+00 : f32
      %div3A_1155 = vector.broadcast %div3A_1154 : f32 to vector<16xf32>
      %div3A_1156 = arith.divf %div3A_1155, %add3A_1153 : vector<16xf32>
      %swap3A_1157 = arith.constant 608 : index
      %swap3A_1158 = tpu.vector_load %arg15[%swap3A_1157] {strides = array<i32>} : memref<656xf32, #tpu.memory_space<vmem>>, vector<16xf32>,
      tpu.vector_store %arg15[%swap3A_1157], %div3A_1156 {strides = array<i32>} : memref<656xf32, #tpu.memory_space<vmem>>, vector<16xf32>,
      %get3A_1159 = arith.constant 624 : index
      %get3A_1160 = tpu.vector_load %arg14[%get3A_1159] {strides = array<i32>} : memref<656xf32, #tpu.memory_space<vmem>>, vector<16xf32>,
      %neg3A_1161 = arith.constant 0.000000e+00 : f32
      %neg3A_1162 = vector.broadcast %neg3A_1161 : f32 to vector<16xf32>
      %neg3A_1163 = arith.subf %neg3A_1162, %get3A_1160 : vector<16xf32>
      %exp3A_1164 = math.exp %neg3A_1163 : vector<16xf32>
      %add3A_1165 = arith.constant 1.000000e+00 : f32
      %add3A_1166 = vector.broadcast %add3A_1165 : f32 to vector<16xf32>
      %add3A_1167 = arith.addf %add3A_1166, %exp3A_1164 : vector<16xf32>
      %div3A_1168 = arith.constant 1.000000e+00 : f32
      %div3A_1169 = vector.broadcast %div3A_1168 : f32 to vector<16xf32>
      %div3A_1170 = arith.divf %div3A_1169, %add3A_1167 : vector<16xf32>
      %swap3A_1171 = arith.constant 624 : index
      %swap3A_1172 = tpu.vector_load %arg14[%swap3A_1171] {strides = array<i32>} : memref<656xf32, #tpu.memory_space<vmem>>, vector<16xf32>,
      tpu.vector_store %arg14[%swap3A_1171], %div3A_1170 {strides = array<i32>} : memref<656xf32, #tpu.memory_space<vmem>>, vector<16xf32>,
      %get3A_1173 = arith.constant 624 : index
      %get3A_1174 = tpu.vector_load %arg15[%get3A_1173] {strides = array<i32>} : memref<656xf32, #tpu.memory_space<vmem>>, vector<16xf32>,
      %exp3A_1175 = math.exp %get3A_1174 : vector<16xf32>
      %add3A_1176 = arith.constant 1.000000e+00 : f32
      %add3A_1177 = vector.broadcast %add3A_1176 : f32 to vector<16xf32>
      %add3A_1178 = arith.addf %add3A_1177, %exp3A_1175 : vector<16xf32>
      %div3A_1179 = arith.constant 1.000000e+00 : f32
      %div3A_1180 = vector.broadcast %div3A_1179 : f32 to vector<16xf32>
      %div3A_1181 = arith.divf %div3A_1180, %add3A_1178 : vector<16xf32>
      %swap3A_1182 = arith.constant 624 : index
      %swap3A_1183 = tpu.vector_load %arg15[%swap3A_1182] {strides = array<i32>} : memref<656xf32, #tpu.memory_space<vmem>>, vector<16xf32>,
      tpu.vector_store %arg15[%swap3A_1182], %div3A_1181 {strides = array<i32>} : memref<656xf32, #tpu.memory_space<vmem>>, vector<16xf32>,
      "tpu.region"() ({
        %run_scoped3A = tpu.sem_alloc : memref<!tpu.dma_semaphore, #tpu.memory_space<semaphore_mem>>
        %dma_start3A_1185 = arith.constant 0 : i32
        %dma_start3A_1186 = tpu.memref_slice %arg14[%dma_start3A_1185] : memref<656xf32, #tpu.memory_space<vmem>> -> memref<640xf32, #tpu.memory_space<vmem>>
        %dma_start3A_1187 = tpu.memref_slice %arg6[%mul3A_15] : memref<327680xf32, #tpu.memory_space<hbm>> -> memref<640xf32, #tpu.memory_space<hbm>>
        %dma_start3A_1188 = tpu.memref_slice %arg6[%mul3A_15] : memref<327680xf32, #tpu.memory_space<hbm>> -> memref<640xf32, #tpu.memory_space<hbm>>
        %dma_start3A_1189 = arith.constant 0 : i32
        %dma_start3A_1190 = tpu.memref_slice %arg14[%dma_start3A_1189] : memref<656xf32, #tpu.memory_space<vmem>> -> memref<640xf32, #tpu.memory_space<vmem>>
        tpu.enqueue_dma source(%dma_start3A_1190 : memref<640xf32, #tpu.memory_space<vmem>>) target(%dma_start3A_1188 : memref<640xf32, #tpu.memory_space<hbm>>) target_semaphore(%run_scoped3A : memref<!tpu.dma_semaphore, #tpu.memory_space<semaphore_mem>>)
        %dma_wait3A_1191 = arith.constant 0 : i32
        %dma_wait3A_1192 = tpu.memref_slice %arg14[%dma_wait3A_1191] : memref<656xf32, #tpu.memory_space<vmem>> -> memref<640xf32, #tpu.memory_space<vmem>>
        %dma_wait3A_1193 = tpu.memref_slice %arg6[%mul3A_15] : memref<327680xf32, #tpu.memory_space<hbm>> -> memref<640xf32, #tpu.memory_space<hbm>>
        %dma_wait3A_1194 = tpu.memref_slice %arg6[%mul3A_15] : memref<327680xf32, #tpu.memory_space<hbm>> -> memref<640xf32, #tpu.memory_space<hbm>>
        %dma_wait3A_1195 = arith.constant 0 : i32
        %dma_wait3A_1196 = tpu.memref_slice %arg14[%dma_wait3A_1195] : memref<656xf32, #tpu.memory_space<vmem>> -> memref<640xf32, #tpu.memory_space<vmem>>
        tpu.wait_dma2 semaphore(%run_scoped3A : memref<!tpu.dma_semaphore, #tpu.memory_space<semaphore_mem>>) src(%dma_wait3A_1196 : memref<640xf32, #tpu.memory_space<vmem>>) dst(%dma_wait3A_1194 : memref<640xf32, #tpu.memory_space<hbm>>)
        tpu.yield
      }) : () -> ()
      "tpu.region"() ({
        %run_scoped3A = tpu.sem_alloc : memref<!tpu.dma_semaphore, #tpu.memory_space<semaphore_mem>>
        %dma_start3A_1185 = arith.constant 0 : i32
        %dma_start3A_1186 = tpu.memref_slice %arg15[%dma_start3A_1185] : memref<656xf32, #tpu.memory_space<vmem>> -> memref<640xf32, #tpu.memory_space<vmem>>
        %dma_start3A_1187 = tpu.memref_slice %arg7[%mul3A_15] : memref<327680xf32, #tpu.memory_space<hbm>> -> memref<640xf32, #tpu.memory_space<hbm>>
        %dma_start3A_1188 = tpu.memref_slice %arg7[%mul3A_15] : memref<327680xf32, #tpu.memory_space<hbm>> -> memref<640xf32, #tpu.memory_space<hbm>>
        %dma_start3A_1189 = arith.constant 0 : i32
        %dma_start3A_1190 = tpu.memref_slice %arg15[%dma_start3A_1189] : memref<656xf32, #tpu.memory_space<vmem>> -> memref<640xf32, #tpu.memory_space<vmem>>
        tpu.enqueue_dma source(%dma_start3A_1190 : memref<640xf32, #tpu.memory_space<vmem>>) target(%dma_start3A_1188 : memref<640xf32, #tpu.memory_space<hbm>>) target_semaphore(%run_scoped3A : memref<!tpu.dma_semaphore, #tpu.memory_space<semaphore_mem>>)
        %dma_wait3A_1191 = arith.constant 0 : i32
        %dma_wait3A_1192 = tpu.memref_slice %arg15[%dma_wait3A_1191] : memref<656xf32, #tpu.memory_space<vmem>> -> memref<640xf32, #tpu.memory_space<vmem>>
        %dma_wait3A_1193 = tpu.memref_slice %arg7[%mul3A_15] : memref<327680xf32, #tpu.memory_space<hbm>> -> memref<640xf32, #tpu.memory_space<hbm>>
        %dma_wait3A_1194 = tpu.memref_slice %arg7[%mul3A_15] : memref<327680xf32, #tpu.memory_space<hbm>> -> memref<640xf32, #tpu.memory_space<hbm>>
        %dma_wait3A_1195 = arith.constant 0 : i32
        %dma_wait3A_1196 = tpu.memref_slice %arg15[%dma_wait3A_1195] : memref<656xf32, #tpu.memory_space<vmem>> -> memref<640xf32, #tpu.memory_space<vmem>>
        tpu.wait_dma2 semaphore(%run_scoped3A : memref<!tpu.dma_semaphore, #tpu.memory_space<semaphore_mem>>) src(%dma_wait3A_1196 : memref<640xf32, #tpu.memory_space<vmem>>) dst(%dma_wait3A_1194 : memref<640xf32, #tpu.memory_space<hbm>>)
        tpu.yield
      }) : () -> ()
      %scan3A_1184 = arith.constant 0 : i32
      scf.yield %scan3A_1184 : i32
    }
    %scan3A_6 = arith.constant 16 : i32
    return
  }
}

</mosaic_0001>

<sc_bundles>
// kernel: _run.3.cloned.1.call-start
scs
__scs_entry_jumppad:
0x0: {  	(pc) =	sbr.rel $0x88, $3  }
0x1: {  	(tag) =	ssettag $0x0;
	lr =	simm.s32 $0x1  }
0x2: {  	[smem:$0x3F9D] =	sst lr;
	_ =	strace $0xD0000000  }
0x3: {  	_ = 	snop  }
0x4: {  	_ = 	snop  }
0x5: {  	_ = 	snop  }
0x6: {  	_ = 	snop  }
0x7: {  	_ = 	snop  }
__scs_overlays_trampoline_lowered:
0x8: {  	[smem:$0x3FAC] =	sst s0  }
0x9: {  	[smem:$0x3FAD] =	sst s1  }
0xa: {  	[smem:$0x3FAE] =	sst s2  }
0xb: {  	[smem:$0x3FAF] =	sst s3  }
0xc: {  	[smem:$0x3FB0] =	sst s4  }
0xd: {  	[smem:$0x3FB1] =	sst s5  }
0xe: {  	[smem:$0x3FB2] =	sst s6  }
0xf: {  	[smem:$0x3FB3] =	sst s7  }
0x10: {  	[smem:$0x3FB4] =	sst s8  }
0x11: {  	[smem:$0x3FB5] =	sst s9;
	s0 =	simm.s32 @!p0 $0x0  }
0x12: {  	s1 =	sld [smem:$0x3F9B];
	s0 =	simm.s32 @p0 $0x1  }
0x13: {  	[smem:$0x3FB6] =	sst s0;
	s0 =	simm.s32 @!p1 $0x0  }
0x14: {  	s2 =	sld [smem:$0x3F9A];
	s0 =	simm.s32 @p1 $0x1  }
0x15: {  	[smem:$0x3FB7] =	sst s0;
	s0 =	simm.s32 @!p2 $0x0  }
0x16: {  	s3 =	sld [smem:$0x3FDB];
	s0 =	simm.s32 @p2 $0x1  }
0x17: {  	s4 =	simm.s32 $0x1BF5;
	[smem:$0x3FB9] =	sst s0  }
0x18: {  	s0 =	sld [smem:$0x3F9C];
	_ =	swait.ge [sflag:s4], $0x0  }
0x19: {  	s7 =	sld [smem:$0x3F9D]  }
0x1a: {  	s8 =	sadd.s32 $0xFFFFE003, lr  }
0x1b: {  	s9 =	sadd.s32 $0xFFFFFEF7, lr;
	s5 =	simm.s32 $0xFFFFFFFF;
	p2 =	slt.u32 s8, $0xFFFFF086  }
0x1c: {  	p1 =	slt.u32 s9, $0xF7A;
	s5 =	simm.s32 @!p2 $0x0  }
0x1d: {  	s5 =	simm.s32 @p1 $0x1;
	p0 =	seq.s32 s7, s2  }
0x1e: {  	s7 =	smul.u32 @!p0 $0xF7A, s2;
	p2 =	seq.s32 @!p0 s5, $0x0  }
0x1f: {  	s9 =	smul.u32 $0xF7A, s1;
	s8 =	simm.s32 @!p0 $0x1BF5;
	p2 =	por !p2, p0  }
0x20: {  	[sflag:s8] =	ssyncset.s32 @!p0 $0xFFFFF086;
	s6 =	sadd.s32 @!p0 s3, s7;
	s7 =	simm.s32 @!p0 $0x108  }
0x21: {  	s3 =	sadd.s32 s3, s9;
	s6 =	sadd.s32 @!p0 $0x88, s6;
	s7 =	simm.s32 @p2 $0x1082  }
0x22: {  	[simem:s7], [sflag:s8] =	dma.local @!p0 [hbm:s6], $0xF7A  }
0x23: {  	s9 =	sor.u32 $0xD0000000, s2;
	s6 =	simm.s32 $0x108;
	_ =	swait.ge @!p0 [sflag:s8], $0x0  }
0x24: {  	s3 =	sadd.s32 $0x88, s3;
	s6 =	simm.s32 @!p1 $0x1082;
	[sflag:s4] =	ssyncset.s32 $0xFFFFF086  }
0x25: {  	[simem:s6], [sflag:s4] =	dma.local [hbm:s3], $0xF7A  }
0x26: {  	[smem:$0x3F9D] =	sst s1;
	(tag) =	ssettag s2;
	_ =	strace s9  }
0x27: {  	s1 =	sld [smem:$0x3FAD]  }
0x28: {  	s2 =	sld [smem:$0x3FAE]  }
0x29: {  	s4 =	sld [smem:$0x3FB0]  }
0x2a: {  	p0 =	seq.s32 s5, $0x0;
	s5 =	sld [smem:$0x3FB1]  }
0x2b: {  	s6 =	sld [smem:$0x3FB2]  }
0x2c: {  	s7 =	sld [smem:$0x3FB3]  }
0x2d: {  	s3 =	simm.s32 $0x108;
	s8 =	sld [smem:$0x3FB4]  }
0x2e: {  	s3 =	simm.s32 @!p0 $0x1082;
	s9 =	sld [smem:$0x3FB5]  }
0x2f: {  	lr =	sadd.s32 s0, s3;
	s0 =	sld [smem:$0x3FAC]  }
0x30: {  	s3 =	sld [smem:$0x3FAF]  }
0x31: {  	[smem:$0x3FB8] =	sst s10  }
0x32: {  	s10 =	sld [smem:$0x3FB6];
	_ =	sdelay $0x3  }
0x33: {  	p0 =	seq.s32 s10, $0x1;
	s10 =	sld [smem:$0x3FB8];
	_ =	sdelay $0x3  }
0x34: {  	[smem:$0x3FB8] =	sst s10  }
0x35: {  	s10 =	sld [smem:$0x3FB7];
	_ =	sdelay $0x3  }
0x36: {  	p1 =	seq.s32 s10, $0x1;
	s10 =	sld [smem:$0x3FB8];
	_ =	sdelay $0x3  }
0x37: {  	[smem:$0x3FB8] =	sst s10  }
0x38: {  	s10 =	sld [smem:$0x3FB9]  }
0x39: {  	_ = 	snop;
	(pc) =	sbr.ind lr, $3  }
0x3a: {  	_ = 	snop  }
0x3b: {  	_ = 	snop  }
0x3c: {  	p2 =	seq.s32 s10, $0x1;
	s10 =	sld [smem:$0x3FB8]  }
0x3d: {  	_ =	shalt  }
0x3e: {  	_ =	shalt  }
0x3f: {  	_ =	shalt  }
0x40: {  	_ =	shalt  }
0x41: {  	_ =	shalt  }
0x42: {  	_ =	shalt  }
0x43: {  	_ =	shalt  }
0x44: {  	_ =	shalt  }
0x45: {  	_ =	shalt  }
0x46: {  	_ =	shalt  }
0x47: {  	_ =	shalt  }
0x48: {  	_ =	shalt  }
0x49: {  	_ =	shalt  }
0x4a: {  	_ =	shalt  }
0x4b: {  	_ =	shalt  }
0x4c: {  	_ =	shalt  }
0x4d: {  	_ =	shalt  }
0x4e: {  	_ =	shalt  }
0x4f: {  	_ =	shalt  }
0x50: {  	_ =	shalt  }
0x51: {  	_ =	shalt  }
0x52: {  	_ =	shalt  }
0x53: {  	_ =	shalt  }
0x54: {  	_ =	shalt  }
0x55: {  	_ =	shalt  }
0x56: {  	_ =	shalt  }
0x57: {  	_ =	shalt  }
0x58: {  	_ =	shalt  }
0x59: {  	_ =	shalt  }
0x5a: {  	_ =	shalt  }
0x5b: {  	_ =	shalt  }
0x5c: {  	_ =	shalt  }
0x5d: {  	_ =	shalt  }
0x5e: {  	_ =	shalt  }
0x5f: {  	_ =	shalt  }
0x60: {  	_ =	shalt  }
0x61: {  	_ =	shalt  }
0x62: {  	_ =	shalt  }
0x63: {  	_ =	shalt  }
0x64: {  	_ =	shalt  }
0x65: {  	_ =	shalt  }
0x66: {  	_ =	shalt  }
0x67: {  	_ =	shalt  }
0x68: {  	_ =	shalt  }
0x69: {  	_ =	shalt  }
0x6a: {  	_ =	shalt  }
0x6b: {  	_ =	shalt  }
0x6c: {  	_ =	shalt  }
0x6d: {  	_ =	shalt  }
0x6e: {  	_ =	shalt  }
0x6f: {  	_ =	shalt  }
0x70: {  	_ =	shalt  }
0x71: {  	_ =	shalt  }
0x72: {  	_ =	shalt  }
0x73: {  	_ =	shalt  }
0x74: {  	_ =	shalt  }
0x75: {  	_ =	shalt  }
0x76: {  	_ =	shalt  }
0x77: {  	_ =	shalt  }
0x78: {  	_ =	shalt  }
0x79: {  	_ =	shalt  }
0x7a: {  	_ =	shalt  }
0x7b: {  	_ =	shalt  }
0x7c: {  	_ =	shalt  }
0x7d: {  	_ =	shalt  }
0x7e: {  	_ =	shalt  }
0x7f: {  	_ =	shalt  }
0x80: {  	_ =	shalt  }
0x81: {  	_ =	shalt  }
0x82: {  	_ =	shalt  }
0x83: {  	_ =	shalt  }
0x84: {  	_ =	shalt  }
0x85: {  	_ =	shalt  }
0x86: {  	_ =	shalt  }
0x87: {  	_ =	shalt  }
.Lfunc_end0:
.L_simem_size_0:
called_computation_lowered:
.L_overlay_start_0:
0x88: {  	s2 =	sld [smem:$0x3FD9]  }
0x89: {  	s3 =	sld [smem:$0x3FFE];
	_ =	sdelay $0x1  }
0x8a: {  	s1 =	srdreg.scid  }
0x8b: {  	s0 =	sand.u32 $0x1, s1  }
0x8c: {  	s14 =	sshll.u32 s0, $0xA;
	s2 =	sadd.s32 s3, s2  }
0x8d: {  	s2 =	sadd.s32 s2, s14  }
0x8e: {  	[smem:$0x3FC4] =	sst s2  }
0x8f: {  	_ = 	snop  }
0x90: {  	s2 =	sld [smem:$0x3FD0]  }
0x91: {  	s15 =	sld [smem:$0x3FC9]  }
0x92: {  	s4 =	sld [smem:$0x3FC8]  }
0x93: {  	s6 =	simm.s32 $0xA;
	s7 =	simm.s32 $0x10;
	s5 =	sld [smem:$0x3FC7]  }
0x94: {  	[smem:s7], [sflag:s6] =	dma.local [hbm:s2], $0x1  }
0x95: {  	_ =	swait.eq [sflag:s6], $0x1  }
0x96: {  	[sflag:s6] =	ssyncset.done $0x0  }
0x97: {  	s16 =	sld [smem:$0x10];
	[sflag:s6] =	ssyncadd.s32 $0xFFFFFFFF  }
0x98: {  	s17 =	sld [smem:$0x11];
	(tm) =	ssettm $0x1  }
0x99: {  	s18 =	sld [smem:$0x3FFB];
	_ =	sdelay $0x3  }
0x9a: {  	_ =	strace s18  }
0x9b: {  	s7 =	sld [smem:$0x3FFC];
	_ =	sdelay $0x3  }
0x9c: {  	_ =	strace s7  }
0x9d: {  	s7 =	sld [smem:$0x3FFD];
	_ =	sdelay $0x3  }
0x9e: {  	_ =	strace s7  }
0x9f: {  	_ =	strace $0x8FFFFFFF  }
0xa0: {  	s19 =	sld [smem:$0x3FDB];
	_ =	sdelay $0x1  }
0xa1: {  	s8 =	simm.s32 $_scs_section_size  }
0xa2: {  	s9 =	simm.s32 $_size__tile_overlayer_lowered;
	s10 =	simm.s32 $_tile_overlayer_lowered  }
0xa3: {  	s22 =	simm.s32 $0x1BFF;
	s21 =	sshll.u32 s10, $0x1;
	s7 =	sadd.s32 s8, s19  }
0xa4: {  	s11 =	simm.s32 $0x0;
	s20 =	sshll.u32 s9, $0x1;
	s9 =	sadd.s32 s21, s7  }
0xa5: {  	[timem:s11], [sflag:s22] =	dma.local [hbm:s9], s20  }
0xa6: {  	_ =	swait.ge [sflag:s22], s20  }
0xa7: {  	s8 =	ssub.s32 $0x0, s20;
	[sflag:s22] =	ssyncset.done $0x0  }
0xa8: {  	[sflag:s22] =	ssyncadd.s32 s8;
	_ =	sdelay $0x1  }
0xa9: {  	s23 =	simm.s32 $0x1B8B  }
0xaa: {  	_ =	swait.ge [sflag:s23], $0x1  }
0xab: {  	[sflag:s23] =	ssyncset.done $0x0  }
0xac: {  	s25 =	simm.s32 $0x1B8E;
	s24 =	sld [smem:$0x3FFE];
	[sflag:s23] =	ssyncadd.s32 $0xFFFFFFFF  }
0xad: {  	s26 =	simm.s32 $execute0_lowered;
	[smem:$0x3FD2] =	sst s25  }
0xae: {  	s9 =	sshll.u32 s26, $0x1;
	_ =	strace $0x80000046;
	[dreg:$0x1] =	wrdreg $0xFFFFFFFF  }
0xaf: {  	s28 =	simm.s32 $_size_execute0_lowered;
	s7 =	sadd.s32 s7, s9;
	[dreg:$0x0] =	wrdreg $0x0  }
0xb0: {  	s9 =	sshll.u32 s28, $0x1;
	[dreg:$0x2] =	wrdreg s7  }
0xb1: {  	[dreg:$0x3] =	wrdreg s9  }
0xb2: {  	[dreg:$0x4] =	wrdreg $0xC0  }
0xb3: {  	_ =	task [dreg:s11], $0x5FFFF  }
0xb4: {  	[dreg:$0x1] =	wrdreg $0xFFFFFFFF  }
0xb5: {  	[dreg:$0x0] =	wrdreg $0x60  }
0xb6: {  	[dreg:$0x2] =	wrdreg s15  }
0xb7: {  	[dreg:$0x3] =	wrdreg s4  }
0xb8: {  	[dreg:$0x4] =	wrdreg s5  }
0xb9: {  	[dreg:$0x5] =	wrdreg s24  }
0xba: {  	[dreg:$0x6] =	wrdreg s16  }
0xbb: {  	[dreg:$0x7] =	wrdreg s17  }
0xbc: {  	[dreg:$0x8] =	wrdreg $0x9  }
0xbd: {  	_ =	task.clear_ibuf [dreg:s11], $0x9FFFF;
	_ =	strace $0x90000046  }
0xbe: {  	s29 =	simm.s32 $0x9;
	_ =	strace $0x80000048  }
0xbf: {  	_ =	swait.ge [sflag:s29], $0x1  }
0xc0: {  	[sflag:s29] =	ssyncadd.s32 $0xFFFFFFFF  }
0xc1: {  	_ =	strace $0x90000048  }
0xc2: {  	_ =	sfence  }
0xc3: {  	s30 =	sld [smem:$0x0];
	_ =	sdelay $0x2  }
0xc4: {  	s31 =	sshll.u32 s1, $0xD;
	s1 =	sshrl.u32 s1, $0x2  }
0xc5: {  	s3 =	sand.u32 $0x4000, s31;
	s1 =	sadd.s32 s1, s30  }
0xc6: {  	s0 =	sor.u32 s3, s0;
	s1 =	sshll.u32 s1, $0x11  }
0xc7: {  	s0 =	sor.u32 s1, s0  }
0xc8: {  	s0 =	sadd.s32 $0x8F2B, s0  }
0xc9: {  	[sflag:s0] =	ssyncadd.remote.s32 $0x1  }
0xca: {  	_ =	sfence.sel $0xFFFF  }
0xcb: {  	[dreg:$0x0] =	wrdreg $0xFFFFFFFF;
	(pc) =	sbr.abs _section_cstart, $3  }
0xcc: {  	[dreg:$0x1] =	wrdreg $0xFFFFFFFF  }
0xcd: {  	_ =	task.clear_ibuf [dreg:s11], $0x2FFFF;
	_ =	strace $0x9FFFFFFF  }
0xce: {  	(tm) =	ssettm $0x7FFFFFFF  }
0xcf: {  	_ =	shalt  }
tec
execute0_lowered:
.L_overlay_start_1:
0x0: {  	(tag) =	ssettag $0x1  }
0x1: {  	s0 =	rddreg [dreg:$0x3]  }
0x2: {  	s1 =	srdreg.scid;
	s6 =	simm.s32 $0x0;
	s4 =	stileid.u32  }
0x3: {  	s11 =	simm.s32 $0x2;
	s12 =	simm.s32 $0x280;
	s13 =	simm.s32 $0x500  }
0x4: {  	s14 =	simm.s32 $0x80;
	s21 =	simm.s32 $0x4520;
	s22 =	simm.s32 $0x380  }
0x5: {  	s23 =	simm.s32 $0xE520;
	s24 =	simm.s32 $0x180;
	s28 =	simm.s32 $0x10520  }
0x6: {  	s29 =	simm.s32 $0x200;
	s30 =	simm.s32 $0x8520;
	s31 =	simm.s32 $0x480  }
0x7: {  	s7 =	simm.s32 $0x20;
	s10 =	simm.s32 $0x14520;
	s5 =	simm.s32 $0x0  }
0x8: {  	s1 =	sand.u32 $0x1, s1;
	[smem:$0x7FF] =	sst s6;
	s25 =	sshll.u32 s4, $0xA  }
0x9: {  	s8 =	sadd.s32 $0xF42C00, s0;
	s0 =	simm.s32 $0x1;
	s2 =	ssub.s32 $0x2, s1  }
0xa: {  	_ =	strace $0x80000047;
	s1 =	sshll.u32 s1, $0x9;
	s3 =	sshrl.u32 s2, $0x1  }
0xb: {  	s9 =	sor.u32 s1, s25;
	s25 =	simm.s32 $0x6520;
	s2 =	ssub.s32 s2, s3  }
0xc: {  	s1 =	simm.s32 $0x12520;
	s3 =	simm.s32 $0x14FB0;
	s26 =	smax.u32 s2, $0x1  }
0xd: {  	vm0 =	vcmask $0x3F3C;
	s2 =	simm.s32 $0x14D20;
	[dreg:$0x7] =	wrdreg s26;
	s26 =	simm.s32 $0x400  }
.LBB2_1:
0xe: {  	[dreg:$0x8] =	wrdreg s5;
	s4 =	simm.s32 $0x0  }
.LBB2_2:
0xf: {  	s5 =	sshll.u32 s4, $0x5  }
0x10: {  	s16 =	sadd.s32 s9, s5  }
0x11: {  	s5 =	smul.u32 $0x14, s16;
	_ =	sdelay $0x1  }
0x12: {  	s15 =	rddreg [dreg:$0x0];
	s5 =	sshrl.u32 s5, $0x3  }
0x13: {  	s17 =	sadd.s32 s15, s5;
	s15 =	simm.s32 $0x0  }
0x14: {  	[tilespmem:s15], [sflag:$0x2] =	stream.linear.gather [hbm4b:s17+s15], $0x280, $0x38;
	[tilespmem:$0x15240] =	vst v63  }
0x15: {  	_ =	swait.ge [sflag:s11], $0x280  }
0x16: {  	[sflag:s11] =	ssyncset.done $0x0  }
0x17: {  	[sflag:s11] =	ssyncadd.s32 $0xFFFFFD80  }
0x18: {  	s20 =	rddreg [dreg:$0x1]  }
0x19: {  	s17 =	sadd.s32 s20, s5  }
0x1a: {  	[tilespmem:s12], [sflag:$0x2] =	stream.linear.gather [hbm4b:s17+s15], $0x280, $0x38;
	[tilespmem:$0x15240] =	vst v63  }
0x1b: {  	_ =	swait.ge [sflag:s11], $0x280  }
0x1c: {  	[sflag:s11] =	ssyncset.done $0x0  }
0x1d: {  	[sflag:s11] =	ssyncadd.s32 $0xFFFFFD80  }
0x1e: {  	s16 =	sshrl.u32 s16, $0x3;
	s18 =	rddreg [dreg:$0x2]  }
0x1f: {  	s16 =	sadd.s32 s18, s16  }
0x20: {  	[tilespmem:s13], [sflag:$0x2] =	stream.linear.gather [hbm4b:s16+s15], $0x20, $0x38;
	[tilespmem:$0x15240] =	vst v63  }
0x21: {  	_ =	swait.ge [sflag:s11], $0x20  }
0x22: {  	[sflag:s11] =	ssyncset.done $0x0  }
0x23: {  	s19 =	simm.s32 $0x520;
	[sflag:s11] =	ssyncadd.s32 $0xFFFFFFE0  }
0x24: {  	[tilespmem:s19], [sflag:$0x1] =	stream.indirect.gather [hbm4b:s8+s14], $0x40, s15, s14, $0xb8;
	[tilespmem:$0x15240] =	vst v63  }
0x25: {  	s20 =	simm.s32 $0xA520  }
0x26: {  	[tilespmem:s20], [sflag:$0x1] =	stream.indirect.gather [hbm4b:s8+s14], $0x40, s12, s14, $0xb8;
	[tilespmem:$0x15240] =	vst v63  }
0x27: {  	s17 =	simm.s32 $0x2520  }
0x28: {  	[tilespmem:s17], [sflag:$0x1] =	stream.indirect.gather [hbm4b:s8+s14], $0x40, s14, s14, $0xb8;
	[tilespmem:$0x15240] =	vst v63  }
0x29: {  	s18 =	simm.s32 $0x300;
	s19 =	simm.s32 $0xC520  }
0x2a: {  	[tilespmem:s19], [sflag:$0x1] =	stream.indirect.gather [hbm4b:s8+s14], $0x40, s18, s14, $0xb8;
	[tilespmem:$0x15240] =	vst v63  }
0x2b: {  	s20 =	simm.s32 $0x100  }
0x2c: {  	[tilespmem:s21], [sflag:$0x1] =	stream.indirect.gather [hbm4b:s8+s14], $0x40, s20, s14, $0xb8;
	[tilespmem:$0x15240] =	vst v63  }
0x2d: {  	_ = 	snop  }
0x2e: {  	[tilespmem:s23], [sflag:$0x1] =	stream.indirect.gather [hbm4b:s8+s14], $0x40, s22, s14, $0xb8;
	[tilespmem:$0x15240] =	vst v63  }
0x2f: {  	_ = 	snop  }
0x30: {  	[tilespmem:s25], [sflag:$0x1] =	stream.indirect.gather [hbm4b:s8+s14], $0x40, s24, s14, $0xb8;
	[tilespmem:$0x15240] =	vst v63  }
0x31: {  	_ = 	snop  }
0x32: {  	[tilespmem:s28], [sflag:$0x1] =	stream.indirect.gather [hbm4b:s8+s14], $0x40, s26, s14, $0xb8;
	[tilespmem:$0x15240] =	vst v63  }
0x33: {  	_ = 	snop  }
0x34: {  	[tilespmem:s30], [sflag:$0x1] =	stream.indirect.gather [hbm4b:s8+s14], $0x40, s29, s14, $0xb8;
	[tilespmem:$0x15240] =	vst v63  }
0x35: {  	_ = 	snop  }
0x36: {  	[tilespmem:s1], [sflag:$0x1] =	stream.indirect.gather [hbm4b:s8+s14], $0x40, s31, s14, $0xb8;
	[tilespmem:$0x15240] =	vst v63  }
0x37: {  	_ = 	snop  }
0x38: {  	[tilespmem:s10], [sflag:$0x1] =	stream.indirect.gather [hbm4b:s8+s7], $0x40, s13, s7, $0xb8;
	[tilespmem:$0x15240] =	vst v63  }
0x39: {  	_ =	swait.ge [sflag:s0], $0x2000  }
0x3a: {  	[sflag:s0] =	ssyncset.done $0x0  }
0x3b: {  	[sflag:s0] =	ssyncadd.s32 $0xFFFFE000  }
0x3c: {  	_ =	swait.ge [sflag:s0], $0x2000  }
0x3d: {  	[sflag:s0] =	ssyncset.done $0x0  }
0x3e: {  	[sflag:s0] =	ssyncadd.s32 $0xFFFFE000  }
0x3f: {  	_ =	swait.ge [sflag:s0], $0x2000  }
0x40: {  	[sflag:s0] =	ssyncset.done $0x0  }
0x41: {  	[sflag:s0] =	ssyncadd.s32 $0xFFFFE000  }
0x42: {  	_ =	swait.ge [sflag:s0], $0x2000  }
0x43: {  	[sflag:s0] =	ssyncset.done $0x0  }
0x44: {  	[sflag:s0] =	ssyncadd.s32 $0xFFFFE000  }
0x45: {  	_ =	swait.ge [sflag:s0], $0x2000  }
0x46: {  	[sflag:s0] =	ssyncset.done $0x0  }
0x47: {  	[sflag:s0] =	ssyncadd.s32 $0xFFFFE000  }
0x48: {  	_ =	swait.ge [sflag:s0], $0x2000  }
0x49: {  	[sflag:s0] =	ssyncset.done $0x0  }
0x4a: {  	[sflag:s0] =	ssyncadd.s32 $0xFFFFE000  }
0x4b: {  	_ =	swait.ge [sflag:s0], $0x2000  }
0x4c: {  	[sflag:s0] =	ssyncset.done $0x0  }
0x4d: {  	[sflag:s0] =	ssyncadd.s32 $0xFFFFE000  }
0x4e: {  	_ =	swait.ge [sflag:s0], $0x2000  }
0x4f: {  	[sflag:s0] =	ssyncset.done $0x0  }
0x50: {  	[sflag:s0] =	ssyncadd.s32 $0xFFFFE000  }
0x51: {  	_ =	swait.ge [sflag:s0], $0x2000  }
0x52: {  	[sflag:s0] =	ssyncset.done $0x0  }
0x53: {  	[sflag:s0] =	ssyncadd.s32 $0xFFFFE000  }
0x54: {  	_ =	swait.ge [sflag:s0], $0x2000  }
0x55: {  	[sflag:s0] =	ssyncset.done $0x0  }
0x56: {  	[sflag:s0] =	ssyncadd.s32 $0xFFFFE000  }
0x57: {  	_ =	swait.ge [sflag:s0], $0x800  }
0x58: {  	[sflag:s0] =	ssyncset.done $0x0  }
0x59: {  	[sflag:s0] =	ssyncadd.s32 $0xFFFFF800  }
.LBB2_3:
0x5a: {  	s16 =	sshll.u32 s15, $0x6  }
0x5b: {  	s16 =	sand.u32 $0x3FFFFFC0, s16  }
0x5c: {  	v2 =	vld [tilespmem:s16+$0x14520]  }
0x5d: {  	v3 =	vld [tilespmem:s16+$0x14530]  }
0x5e: {  	s18 =	smul.u32 $0x500, s15;
	v1 =	vld [tilespmem:s16+$0x14540]  }
0x5f: {  	v0 =	vld [tilespmem:s16+$0x14550]  }
0x60: {  	v4 =	vld [tilespmem:s18+$0x520]  }
0x61: {  	v5 =	vld [tilespmem:s18+$0xA520]  }
0x62: {  	v6 =	vld [tilespmem:s18+$0x530]  }
0x63: {  	v7 =	vld [tilespmem:s18+$0xA530]  }
0x64: {  	v8 =	vld [tilespmem:s18+$0x540]  }
0x65: {  	v9 =	vld [tilespmem:s18+$0xA540]  }
0x66: {  	v10 =	vld [tilespmem:s18+$0x550]  }
0x67: {  	v11 =	vld [tilespmem:s18+$0xA550];
	v4 =	vmul.f32 v4, v2;
	v6 =	vmul.f32 v6, v3  }
0x68: {  	v5 =	vmul.f32 v5, v2;
	v7 =	vmul.f32 v7, v3  }
0x69: {  	v42 =	vmul.f32 v8, v1;
	v4 =	vadd.f32 v6, v4  }
0x6a: {  	v43 =	vmul.f32 v9, v1;
	v5 =	vadd.f32 v7, v5  }
0x6b: {  	v44 =	vmul.f32 v10, v0;
	v4 =	vadd.f32 v42, v4  }
0x6c: {  	v45 =	vmul.f32 v11, v0;
	v5 =	vadd.f32 v43, v5  }
0x6d: {  	v4 =	vadd.f32 v44, v4  }
0x6e: {  	v5 =	vadd.f32 v45, v5  }
0x6f: {  	(xrf2) =	vadd.scan.msk.f32 $0xffff, v4  }
0x70: {  	(xrf2) =	vadd.scan.msk.f32 $0xffff, v5;
	_ =	sdelay $0x7  }
0x71: {  	s16 =	smul.u32 $0x14, s15  }
0x72: {  	v4, _, _ =	vpop (xrf2)  }
0x73: {  	[tilespmem:s16+$0x14D20] =	vst.msk vm0, v4;
	v46, _, _ =	vpop (xrf2)  }
0x74: {  	s17 =	sshll.u32 s16, $0x6;
	[tilespmem:s16+$0x14FB0] =	vst.msk vm0, v46  }
0x75: {  	v4 =	vld [tilespmem:s17+$0x560]  }
0x76: {  	v47 =	vld [tilespmem:s17+$0xA560]  }
0x77: {  	v48 =	vld [tilespmem:s17+$0x570]  }
0x78: {  	v49 =	vld [tilespmem:s17+$0xA570]  }
0x79: {  	v50 =	vld [tilespmem:s17+$0x580]  }
0x7a: {  	v51 =	vld [tilespmem:s17+$0xA580]  }
0x7b: {  	v52 =	vld [tilespmem:s17+$0x590]  }
0x7c: {  	v53 =	vld [tilespmem:s17+$0xA590];
	v4 =	vmul.f32 v4, v2;
	v6 =	vmul.f32 v48, v3  }
0x7d: {  	v5 =	vmul.f32 v47, v2;
	v7 =	vmul.f32 v49, v3  }
0x7e: {  	v54 =	vmul.f32 v50, v1;
	v4 =	vadd.f32 v6, v4  }
0x7f: {  	v55 =	vmul.f32 v51, v1;
	v5 =	vadd.f32 v7, v5  }
0x80: {  	v56 =	vmul.f32 v52, v0;
	v4 =	vadd.f32 v54, v4  }
0x81: {  	v57 =	vmul.f32 v53, v0;
	v5 =	vadd.f32 v55, v5  }
0x82: {  	v4 =	vadd.f32 v56, v4  }
0x83: {  	v5 =	vadd.f32 v57, v5  }
0x84: {  	(xrf2) =	vadd.scan.msk.f32 $0xffff, v4  }
0x85: {  	(xrf2) =	vadd.scan.msk.f32 $0xffff, v5;
	_ =	sdelay $0x8  }
0x86: {  	v4, _, _ =	vpop (xrf2)  }
0x87: {  	[tilespmem:s16+$0x14D21] =	vst.msk vm0, v4;
	v58, _, _ =	vpop (xrf2)  }
0x88: {  	[tilespmem:s16+$0x14FB1] =	vst.msk vm0, v58  }
0x89: {  	v4 =	vld [tilespmem:s17+$0x5A0]  }
0x8a: {  	v59 =	vld [tilespmem:s17+$0xA5A0]  }
0x8b: {  	v60 =	vld [tilespmem:s17+$0x5B0]  }
0x8c: {  	v61 =	vld [tilespmem:s17+$0xA5B0]  }
0x8d: {  	v62 =	vld [tilespmem:s17+$0x5C0]  }
0x8e: {  	v63 =	vld [tilespmem:s17+$0xA5C0]  }
0x8f: {  	v12 =	vld [tilespmem:s17+$0x5D0]  }
0x90: {  	v13 =	vld [tilespmem:s17+$0xA5D0];
	v4 =	vmul.f32 v4, v2;
	v6 =	vmul.f32 v60, v3  }
0x91: {  	v5 =	vmul.f32 v59, v2;
	v7 =	vmul.f32 v61, v3  }
0x92: {  	v14 =	vmul.f32 v62, v1;
	v4 =	vadd.f32 v6, v4  }
0x93: {  	v15 =	vmul.f32 v63, v1;
	v5 =	vadd.f32 v7, v5  }
0x94: {  	v16 =	vmul.f32 v12, v0;
	v4 =	vadd.f32 v14, v4  }
0x95: {  	v17 =	vmul.f32 v13, v0;
	v5 =	vadd.f32 v15, v5  }
0x96: {  	v4 =	vadd.f32 v16, v4  }
0x97: {  	v5 =	vadd.f32 v17, v5  }
0x98: {  	(xrf2) =	vadd.scan.msk.f32 $0xffff, v4  }
0x99: {  	(xrf2) =	vadd.scan.msk.f32 $0xffff, v5;
	_ =	sdelay $0x8  }
0x9a: {  	v4, _, _ =	vpop (xrf2)  }
0x9b: {  	[tilespmem:s16+$0x14D22] =	vst.msk vm0, v4;
	v18, _, _ =	vpop (xrf2)  }
0x9c: {  	[tilespmem:s16+$0x14FB2] =	vst.msk vm0, v18  }
0x9d: {  	v4 =	vld [tilespmem:s18+$0x5E0]  }
0x9e: {  	v19 =	vld [tilespmem:s18+$0xA5E0]  }
0x9f: {  	v20 =	vld [tilespmem:s18+$0x5F0]  }
0xa0: {  	v21 =	vld [tilespmem:s18+$0xA5F0]  }
0xa1: {  	v22 =	vld [tilespmem:s18+$0x600]  }
0xa2: {  	v23 =	vld [tilespmem:s18+$0xA600]  }
0xa3: {  	v24 =	vld [tilespmem:s18+$0x610]  }
0xa4: {  	v25 =	vld [tilespmem:s18+$0xA610];
	v4 =	vmul.f32 v4, v2;
	v6 =	vmul.f32 v20, v3  }
0xa5: {  	v5 =	vmul.f32 v19, v2;
	v7 =	vmul.f32 v21, v3  }
0xa6: {  	v26 =	vmul.f32 v22, v1;
	v4 =	vadd.f32 v6, v4  }
0xa7: {  	v27 =	vmul.f32 v23, v1;
	v5 =	vadd.f32 v7, v5  }
0xa8: {  	v28 =	vmul.f32 v24, v0;
	v4 =	vadd.f32 v26, v4  }
0xa9: {  	v29 =	vmul.f32 v25, v0;
	v5 =	vadd.f32 v27, v5  }
0xaa: {  	v4 =	vadd.f32 v28, v4  }
0xab: {  	v5 =	vadd.f32 v29, v5  }
0xac: {  	(xrf2) =	vadd.scan.msk.f32 $0xffff, v4  }
0xad: {  	(xrf2) =	vadd.scan.msk.f32 $0xffff, v5;
	_ =	sdelay $0x8  }
0xae: {  	v4, _, _ =	vpop (xrf2)  }
0xaf: {  	[tilespmem:s16+$0x14D23] =	vst.msk vm0, v4;
	v30, _, _ =	vpop (xrf2)  }
0xb0: {  	[tilespmem:s16+$0x14FB3] =	vst.msk vm0, v30  }
0xb1: {  	v4 =	vld [tilespmem:s17+$0x620]  }
0xb2: {  	v31 =	vld [tilespmem:s17+$0xA620]  }
0xb3: {  	v32 =	vld [tilespmem:s17+$0x630]  }
0xb4: {  	v33 =	vld [tilespmem:s17+$0xA630]  }
0xb5: {  	v34 =	vld [tilespmem:s17+$0x640]  }
0xb6: {  	v35 =	vld [tilespmem:s17+$0xA640]  }
0xb7: {  	v36 =	vld [tilespmem:s17+$0x650]  }
0xb8: {  	v37 =	vld [tilespmem:s17+$0xA650];
	v4 =	vmul.f32 v4, v2;
	v6 =	vmul.f32 v32, v3  }
0xb9: {  	v5 =	vmul.f32 v31, v2;
	v7 =	vmul.f32 v33, v3  }
0xba: {  	v38 =	vmul.f32 v34, v1;
	v4 =	vadd.f32 v6, v4  }
0xbb: {  	v39 =	vmul.f32 v35, v1;
	v5 =	vadd.f32 v7, v5  }
0xbc: {  	v40 =	vmul.f32 v36, v0;
	v4 =	vadd.f32 v38, v4  }
0xbd: {  	v41 =	vmul.f32 v37, v0;
	v5 =	vadd.f32 v39, v5  }
0xbe: {  	v4 =	vadd.f32 v40, v4  }
0xbf: {  	v5 =	vadd.f32 v41, v5  }
0xc0: {  	(xrf2) =	vadd.scan.msk.f32 $0xffff, v4  }
0xc1: {  	(xrf2) =	vadd.scan.msk.f32 $0xffff, v5;
	_ =	sdelay $0x8  }
0xc2: {  	v4, _, _ =	vpop (xrf2)  }
0xc3: {  	[tilespmem:s16+$0x14D24] =	vst.msk vm0, v4;
	v42, _, _ =	vpop (xrf2)  }
0xc4: {  	[tilespmem:s16+$0x14FB4] =	vst.msk vm0, v42  }
0xc5: {  	v4 =	vld [tilespmem:s17+$0x660]  }
0xc6: {  	v43 =	vld [tilespmem:s17+$0xA660]  }
0xc7: {  	v44 =	vld [tilespmem:s17+$0x670]  }
0xc8: {  	v45 =	vld [tilespmem:s17+$0xA670]  }
0xc9: {  	v46 =	vld [tilespmem:s17+$0x680]  }
0xca: {  	v47 =	vld [tilespmem:s17+$0xA680]  }
0xcb: {  	v48 =	vld [tilespmem:s17+$0x690]  }
0xcc: {  	v49 =	vld [tilespmem:s17+$0xA690];
	v4 =	vmul.f32 v4, v2;
	v6 =	vmul.f32 v44, v3  }
0xcd: {  	v5 =	vmul.f32 v43, v2;
	v7 =	vmul.f32 v45, v3  }
0xce: {  	v50 =	vmul.f32 v46, v1;
	v4 =	vadd.f32 v6, v4  }
0xcf: {  	v51 =	vmul.f32 v47, v1;
	v5 =	vadd.f32 v7, v5  }
0xd0: {  	v52 =	vmul.f32 v48, v0;
	v4 =	vadd.f32 v50, v4  }
0xd1: {  	v53 =	vmul.f32 v49, v0;
	v5 =	vadd.f32 v51, v5  }
0xd2: {  	v4 =	vadd.f32 v52, v4  }
0xd3: {  	v5 =	vadd.f32 v53, v5  }
0xd4: {  	(xrf2) =	vadd.scan.msk.f32 $0xffff, v4  }
0xd5: {  	(xrf2) =	vadd.scan.msk.f32 $0xffff, v5;
	_ =	sdelay $0x8  }
0xd6: {  	v4, _, _ =	vpop (xrf2)  }
0xd7: {  	[tilespmem:s16+$0x14D25] =	vst.msk vm0, v4;
	v54, _, _ =	vpop (xrf2)  }
0xd8: {  	[tilespmem:s16+$0x14FB5] =	vst.msk vm0, v54  }
0xd9: {  	v4 =	vld [tilespmem:s17+$0x6A0]  }
0xda: {  	v55 =	vld [tilespmem:s17+$0xA6A0]  }
0xdb: {  	v56 =	vld [tilespmem:s17+$0x6B0]  }
0xdc: {  	v57 =	vld [tilespmem:s17+$0xA6B0]  }
0xdd: {  	v58 =	vld [tilespmem:s17+$0x6C0]  }
0xde: {  	v59 =	vld [tilespmem:s17+$0xA6C0]  }
0xdf: {  	v60 =	vld [tilespmem:s17+$0x6D0]  }
0xe0: {  	v61 =	vld [tilespmem:s17+$0xA6D0];
	v4 =	vmul.f32 v4, v2;
	v6 =	vmul.f32 v56, v3  }
0xe1: {  	v5 =	vmul.f32 v55, v2;
	v7 =	vmul.f32 v57, v3  }
0xe2: {  	v62 =	vmul.f32 v58, v1;
	v4 =	vadd.f32 v6, v4  }
0xe3: {  	v63 =	vmul.f32 v59, v1;
	v5 =	vadd.f32 v7, v5  }
0xe4: {  	v9 =	vmul.f32 v60, v0;
	v4 =	vadd.f32 v62, v4  }
0xe5: {  	v10 =	vmul.f32 v61, v0;
	v5 =	vadd.f32 v63, v5  }
0xe6: {  	v4 =	vadd.f32 v9, v4  }
0xe7: {  	v5 =	vadd.f32 v10, v5  }
0xe8: {  	(xrf2) =	vadd.scan.msk.f32 $0xffff, v4  }
0xe9: {  	(xrf2) =	vadd.scan.msk.f32 $0xffff, v5;
	_ =	sdelay $0x8  }
0xea: {  	v4, _, _ =	vpop (xrf2)  }
0xeb: {  	[tilespmem:s16+$0x14D26] =	vst.msk vm0, v4;
	v11, _, _ =	vpop (xrf2)  }
0xec: {  	[tilespmem:s16+$0x14FB6] =	vst.msk vm0, v11  }
0xed: {  	v4 =	vld [tilespmem:s17+$0x6E0]  }
0xee: {  	v12 =	vld [tilespmem:s17+$0xA6E0]  }
0xef: {  	v13 =	vld [tilespmem:s17+$0x6F0]  }
0xf0: {  	v14 =	vld [tilespmem:s17+$0xA6F0]  }
0xf1: {  	v15 =	vld [tilespmem:s17+$0x700]  }
0xf2: {  	v16 =	vld [tilespmem:s17+$0xA700]  }
0xf3: {  	v17 =	vld [tilespmem:s17+$0x710]  }
0xf4: {  	v18 =	vld [tilespmem:s17+$0xA710];
	v4 =	vmul.f32 v4, v2;
	v6 =	vmul.f32 v13, v3  }
0xf5: {  	v5 =	vmul.f32 v12, v2;
	v7 =	vmul.f32 v14, v3  }
0xf6: {  	v19 =	vmul.f32 v15, v1;
	v4 =	vadd.f32 v6, v4  }
0xf7: {  	v20 =	vmul.f32 v16, v1;
	v5 =	vadd.f32 v7, v5  }
0xf8: {  	v21 =	vmul.f32 v17, v0;
	v4 =	vadd.f32 v19, v4  }
0xf9: {  	v22 =	vmul.f32 v18, v0;
	v5 =	vadd.f32 v20, v5  }
0xfa: {  	v4 =	vadd.f32 v21, v4  }
0xfb: {  	v5 =	vadd.f32 v22, v5  }
0xfc: {  	(xrf2) =	vadd.scan.msk.f32 $0xffff, v4  }
0xfd: {  	(xrf2) =	vadd.scan.msk.f32 $0xffff, v5;
	_ =	sdelay $0x8  }
0xfe: {  	v4, _, _ =	vpop (xrf2)  }
0xff: {  	s20 =	sadd.s32 $0x8, s16;
	[tilespmem:s16+$0x14D27] =	vst.msk vm0, v4;
	v23, _, _ =	vpop (xrf2)  }
0x100: {  	s19 =	sshll.u32 s20, $0x6;
	[tilespmem:s16+$0x14FB7] =	vst.msk vm0, v23  }
0x101: {  	v4 =	vld [tilespmem:s19+$0x520]  }
0x102: {  	v24 =	vld [tilespmem:s19+$0xA520]  }
0x103: {  	v25 =	vld [tilespmem:s19+$0x530]  }
0x104: {  	v26 =	vld [tilespmem:s19+$0xA530]  }
0x105: {  	v27 =	vld [tilespmem:s19+$0x540]  }
0x106: {  	v28 =	vld [tilespmem:s19+$0xA540]  }
0x107: {  	v29 =	vld [tilespmem:s19+$0x550]  }
0x108: {  	v30 =	vld [tilespmem:s19+$0xA550];
	v4 =	vmul.f32 v4, v2;
	v6 =	vmul.f32 v25, v3  }
0x109: {  	v5 =	vmul.f32 v24, v2;
	v7 =	vmul.f32 v26, v3  }
0x10a: {  	v31 =	vmul.f32 v27, v1;
	v4 =	vadd.f32 v6, v4  }
0x10b: {  	v32 =	vmul.f32 v28, v1;
	v5 =	vadd.f32 v7, v5  }
0x10c: {  	v33 =	vmul.f32 v29, v0;
	v4 =	vadd.f32 v31, v4  }
0x10d: {  	v34 =	vmul.f32 v30, v0;
	v5 =	vadd.f32 v32, v5  }
0x10e: {  	v4 =	vadd.f32 v33, v4  }
0x10f: {  	v5 =	vadd.f32 v34, v5  }
0x110: {  	(xrf2) =	vadd.scan.msk.f32 $0xffff, v4  }
0x111: {  	(xrf2) =	vadd.scan.msk.f32 $0xffff, v5;
	_ =	sdelay $0x7  }
0x112: {  	s20 =	sand.u32 $0x7F8, s20;
	s18 =	sand.u32 $0x4, s16  }
0x113: {  	s19 =	sor.u32 s18, s20;
	v4, _, _ =	vpop (xrf2)  }
0x114: {  	[tilespmem:s19+$0x14D20] =	vst.msk vm0, v4;
	v35, _, _ =	vpop (xrf2)  }
0x115: {  	[tilespmem:s19+$0x14FB0] =	vst.msk vm0, v35  }
0x116: {  	v4 =	vld [tilespmem:s17+$0x760]  }
0x117: {  	v36 =	vld [tilespmem:s17+$0xA760]  }
0x118: {  	v37 =	vld [tilespmem:s17+$0x770]  }
0x119: {  	v38 =	vld [tilespmem:s17+$0xA770]  }
0x11a: {  	v39 =	vld [tilespmem:s17+$0x780]  }
0x11b: {  	v40 =	vld [tilespmem:s17+$0xA780]  }
0x11c: {  	v41 =	vld [tilespmem:s17+$0x790]  }
0x11d: {  	v42 =	vld [tilespmem:s17+$0xA790];
	v4 =	vmul.f32 v4, v2;
	v6 =	vmul.f32 v37, v3  }
0x11e: {  	v5 =	vmul.f32 v36, v2;
	v7 =	vmul.f32 v38, v3  }
0x11f: {  	v43 =	vmul.f32 v39, v1;
	v4 =	vadd.f32 v6, v4  }
0x120: {  	v44 =	vmul.f32 v40, v1;
	v5 =	vadd.f32 v7, v5  }
0x121: {  	v45 =	vmul.f32 v41, v0;
	v4 =	vadd.f32 v43, v4  }
0x122: {  	v46 =	vmul.f32 v42, v0;
	v5 =	vadd.f32 v44, v5  }
0x123: {  	v4 =	vadd.f32 v45, v4  }
0x124: {  	v5 =	vadd.f32 v46, v5  }
0x125: {  	(xrf2) =	vadd.scan.msk.f32 $0xffff, v4  }
0x126: {  	(xrf2) =	vadd.scan.msk.f32 $0xffff, v5;
	_ =	sdelay $0x8  }
0x127: {  	v4, _, _ =	vpop (xrf2)  }
0x128: {  	[tilespmem:s16+$0x14D29] =	vst.msk vm0, v4;
	v47, _, _ =	vpop (xrf2)  }
0x129: {  	[tilespmem:s16+$0x14FB9] =	vst.msk vm0, v47  }
0x12a: {  	v4 =	vld [tilespmem:s17+$0x7A0]  }
0x12b: {  	v48 =	vld [tilespmem:s17+$0xA7A0]  }
0x12c: {  	v49 =	vld [tilespmem:s17+$0x7B0]  }
0x12d: {  	v50 =	vld [tilespmem:s17+$0xA7B0]  }
0x12e: {  	v51 =	vld [tilespmem:s17+$0x7C0]  }
0x12f: {  	v52 =	vld [tilespmem:s17+$0xA7C0]  }
0x130: {  	v53 =	vld [tilespmem:s17+$0x7D0]  }
0x131: {  	v54 =	vld [tilespmem:s17+$0xA7D0];
	v4 =	vmul.f32 v4, v2;
	v6 =	vmul.f32 v49, v3  }
0x132: {  	v5 =	vmul.f32 v48, v2;
	v7 =	vmul.f32 v50, v3  }
0x133: {  	v55 =	vmul.f32 v51, v1;
	v4 =	vadd.f32 v6, v4  }
0x134: {  	v56 =	vmul.f32 v52, v1;
	v5 =	vadd.f32 v7, v5  }
0x135: {  	v57 =	vmul.f32 v53, v0;
	v4 =	vadd.f32 v55, v4  }
0x136: {  	v58 =	vmul.f32 v54, v0;
	v5 =	vadd.f32 v56, v5  }
0x137: {  	v4 =	vadd.f32 v57, v4  }
0x138: {  	v5 =	vadd.f32 v58, v5  }
0x139: {  	(xrf2) =	vadd.scan.msk.f32 $0xffff, v4  }
0x13a: {  	(xrf2) =	vadd.scan.msk.f32 $0xffff, v5;
	_ =	sdelay $0x8  }
0x13b: {  	v4, _, _ =	vpop (xrf2)  }
0x13c: {  	[tilespmem:s16+$0x14D2A] =	vst.msk vm0, v4;
	v59, _, _ =	vpop (xrf2)  }
0x13d: {  	[tilespmem:s16+$0x14FBA] =	vst.msk vm0, v59  }
0x13e: {  	v4 =	vld [tilespmem:s17+$0x7E0]  }
0x13f: {  	v60 =	vld [tilespmem:s17+$0xA7E0]  }
0x140: {  	v61 =	vld [tilespmem:s17+$0x7F0]  }
0x141: {  	v62 =	vld [tilespmem:s17+$0xA7F0]  }
0x142: {  	v63 =	vld [tilespmem:s17+$0x800]  }
0x143: {  	v12 =	vld [tilespmem:s17+$0xA800]  }
0x144: {  	v13 =	vld [tilespmem:s17+$0x810]  }
0x145: {  	v14 =	vld [tilespmem:s17+$0xA810];
	v4 =	vmul.f32 v4, v2;
	v6 =	vmul.f32 v61, v3  }
0x146: {  	v5 =	vmul.f32 v60, v2;
	v7 =	vmul.f32 v62, v3  }
0x147: {  	v15 =	vmul.f32 v63, v1;
	v4 =	vadd.f32 v6, v4  }
0x148: {  	v16 =	vmul.f32 v12, v1;
	v5 =	vadd.f32 v7, v5  }
0x149: {  	v17 =	vmul.f32 v13, v0;
	v4 =	vadd.f32 v15, v4  }
0x14a: {  	v18 =	vmul.f32 v14, v0;
	v5 =	vadd.f32 v16, v5  }
0x14b: {  	v4 =	vadd.f32 v17, v4  }
0x14c: {  	v5 =	vadd.f32 v18, v5  }
0x14d: {  	(xrf2) =	vadd.scan.msk.f32 $0xffff, v4  }
0x14e: {  	(xrf2) =	vadd.scan.msk.f32 $0xffff, v5;
	_ =	sdelay $0x8  }
0x14f: {  	v4, _, _ =	vpop (xrf2)  }
0x150: {  	[tilespmem:s16+$0x14D2B] =	vst.msk vm0, v4;
	v19, _, _ =	vpop (xrf2)  }
0x151: {  	[tilespmem:s16+$0x14FBB] =	vst.msk vm0, v19  }
0x152: {  	v4 =	vld [tilespmem:s17+$0x820]  }
0x153: {  	v20 =	vld [tilespmem:s17+$0xA820]  }
0x154: {  	v21 =	vld [tilespmem:s17+$0x830]  }
0x155: {  	v22 =	vld [tilespmem:s17+$0xA830]  }
0x156: {  	v23 =	vld [tilespmem:s17+$0x840]  }
0x157: {  	v24 =	vld [tilespmem:s17+$0xA840]  }
0x158: {  	v25 =	vld [tilespmem:s17+$0x850]  }
0x159: {  	v26 =	vld [tilespmem:s17+$0xA850];
	v4 =	vmul.f32 v4, v2;
	v6 =	vmul.f32 v21, v3  }
0x15a: {  	v5 =	vmul.f32 v20, v2;
	v7 =	vmul.f32 v22, v3  }
0x15b: {  	v27 =	vmul.f32 v23, v1;
	v4 =	vadd.f32 v6, v4  }
0x15c: {  	v28 =	vmul.f32 v24, v1;
	v5 =	vadd.f32 v7, v5  }
0x15d: {  	v29 =	vmul.f32 v25, v0;
	v4 =	vadd.f32 v27, v4  }
0x15e: {  	v30 =	vmul.f32 v26, v0;
	v5 =	vadd.f32 v28, v5  }
0x15f: {  	v4 =	vadd.f32 v29, v4  }
0x160: {  	v5 =	vadd.f32 v30, v5  }
0x161: {  	(xrf2) =	vadd.scan.msk.f32 $0xffff, v4  }
0x162: {  	(xrf2) =	vadd.scan.msk.f32 $0xffff, v5;
	_ =	sdelay $0x8  }
0x163: {  	v4, _, _ =	vpop (xrf2)  }
0x164: {  	[tilespmem:s16+$0x14D2C] =	vst.msk vm0, v4;
	v31, _, _ =	vpop (xrf2)  }
0x165: {  	[tilespmem:s16+$0x14FBC] =	vst.msk vm0, v31  }
0x166: {  	v4 =	vld [tilespmem:s17+$0x860]  }
0x167: {  	v32 =	vld [tilespmem:s17+$0xA860]  }
0x168: {  	v33 =	vld [tilespmem:s17+$0x870]  }
0x169: {  	v34 =	vld [tilespmem:s17+$0xA870]  }
0x16a: {  	v35 =	vld [tilespmem:s17+$0x880]  }
0x16b: {  	v36 =	vld [tilespmem:s17+$0xA880]  }
0x16c: {  	v37 =	vld [tilespmem:s17+$0x890]  }
0x16d: {  	v38 =	vld [tilespmem:s17+$0xA890];
	v4 =	vmul.f32 v4, v2;
	v6 =	vmul.f32 v33, v3  }
0x16e: {  	v5 =	vmul.f32 v32, v2;
	v7 =	vmul.f32 v34, v3  }
0x16f: {  	v39 =	vmul.f32 v35, v1;
	v4 =	vadd.f32 v6, v4  }
0x170: {  	v40 =	vmul.f32 v36, v1;
	v5 =	vadd.f32 v7, v5  }
0x171: {  	v41 =	vmul.f32 v37, v0;
	v4 =	vadd.f32 v39, v4  }
0x172: {  	v42 =	vmul.f32 v38, v0;
	v5 =	vadd.f32 v40, v5  }
0x173: {  	v4 =	vadd.f32 v41, v4  }
0x174: {  	v5 =	vadd.f32 v42, v5  }
0x175: {  	(xrf2) =	vadd.scan.msk.f32 $0xffff, v4  }
0x176: {  	(xrf2) =	vadd.scan.msk.f32 $0xffff, v5;
	_ =	sdelay $0x8  }
0x177: {  	v4, _, _ =	vpop (xrf2)  }
0x178: {  	[tilespmem:s16+$0x14D2D] =	vst.msk vm0, v4;
	v43, _, _ =	vpop (xrf2)  }
0x179: {  	[tilespmem:s16+$0x14FBD] =	vst.msk vm0, v43  }
0x17a: {  	v4 =	vld [tilespmem:s17+$0x8A0]  }
0x17b: {  	v44 =	vld [tilespmem:s17+$0xA8A0]  }
0x17c: {  	v45 =	vld [tilespmem:s17+$0x8B0]  }
0x17d: {  	v46 =	vld [tilespmem:s17+$0xA8B0]  }
0x17e: {  	v47 =	vld [tilespmem:s17+$0x8C0]  }
0x17f: {  	v48 =	vld [tilespmem:s17+$0xA8C0]  }
0x180: {  	v49 =	vld [tilespmem:s17+$0x8D0]  }
0x181: {  	v50 =	vld [tilespmem:s17+$0xA8D0];
	v4 =	vmul.f32 v4, v2;
	v6 =	vmul.f32 v45, v3  }
0x182: {  	v5 =	vmul.f32 v44, v2;
	v7 =	vmul.f32 v46, v3  }
0x183: {  	v51 =	vmul.f32 v47, v1;
	v4 =	vadd.f32 v6, v4  }
0x184: {  	v52 =	vmul.f32 v48, v1;
	v5 =	vadd.f32 v7, v5  }
0x185: {  	v53 =	vmul.f32 v49, v0;
	v4 =	vadd.f32 v51, v4  }
0x186: {  	v54 =	vmul.f32 v50, v0;
	v5 =	vadd.f32 v52, v5  }
0x187: {  	v4 =	vadd.f32 v53, v4  }
0x188: {  	v5 =	vadd.f32 v54, v5  }
0x189: {  	(xrf2) =	vadd.scan.msk.f32 $0xffff, v4  }
0x18a: {  	(xrf2) =	vadd.scan.msk.f32 $0xffff, v5;
	_ =	sdelay $0x8  }
0x18b: {  	v4, _, _ =	vpop (xrf2)  }
0x18c: {  	[tilespmem:s16+$0x14D2E] =	vst.msk vm0, v4;
	v55, _, _ =	vpop (xrf2)  }
0x18d: {  	[tilespmem:s16+$0x14FBE] =	vst.msk vm0, v55  }
0x18e: {  	v4 =	vld [tilespmem:s17+$0x8E0]  }
0x18f: {  	v56 =	vld [tilespmem:s17+$0xA8E0]  }
0x190: {  	v57 =	vld [tilespmem:s17+$0x8F0]  }
0x191: {  	v58 =	vld [tilespmem:s17+$0xA8F0]  }
0x192: {  	v59 =	vld [tilespmem:s17+$0x900]  }
0x193: {  	v60 =	vld [tilespmem:s17+$0xA900]  }
0x194: {  	v61 =	vld [tilespmem:s17+$0x910]  }
0x195: {  	v62 =	vld [tilespmem:s17+$0xA910];
	v4 =	vmul.f32 v4, v2;
	v6 =	vmul.f32 v57, v3  }
0x196: {  	v5 =	vmul.f32 v56, v2;
	v7 =	vmul.f32 v58, v3  }
0x197: {  	v63 =	vmul.f32 v59, v1;
	v4 =	vadd.f32 v6, v4  }
0x198: {  	v9 =	vmul.f32 v60, v1;
	v5 =	vadd.f32 v7, v5  }
0x199: {  	v12 =	vmul.f32 v61, v0;
	v4 =	vadd.f32 v63, v4  }
0x19a: {  	v13 =	vmul.f32 v62, v0;
	v5 =	vadd.f32 v9, v5  }
0x19b: {  	v4 =	vadd.f32 v12, v4  }
0x19c: {  	v5 =	vadd.f32 v13, v5  }
0x19d: {  	(xrf2) =	vadd.scan.msk.f32 $0xffff, v4  }
0x19e: {  	(xrf2) =	vadd.scan.msk.f32 $0xffff, v5;
	_ =	sdelay $0x8  }
0x19f: {  	v4, _, _ =	vpop (xrf2)  }
0x1a0: {  	s19 =	sadd.s32 $0x10, s16;
	[tilespmem:s16+$0x14D2F] =	vst.msk vm0, v4;
	v14, _, _ =	vpop (xrf2)  }
0x1a1: {  	s20 =	sshll.u32 s19, $0x6;
	[tilespmem:s16+$0x14FBF] =	vst.msk vm0, v14  }
0x1a2: {  	v4 =	vld [tilespmem:s20+$0x520]  }
0x1a3: {  	v15 =	vld [tilespmem:s20+$0xA520]  }
0x1a4: {  	v16 =	vld [tilespmem:s20+$0x530]  }
0x1a5: {  	v17 =	vld [tilespmem:s20+$0xA530]  }
0x1a6: {  	v18 =	vld [tilespmem:s20+$0x540]  }
0x1a7: {  	v19 =	vld [tilespmem:s20+$0xA540]  }
0x1a8: {  	v20 =	vld [tilespmem:s20+$0x550]  }
0x1a9: {  	v21 =	vld [tilespmem:s20+$0xA550];
	v4 =	vmul.f32 v4, v2;
	v6 =	vmul.f32 v16, v3  }
0x1aa: {  	v5 =	vmul.f32 v15, v2;
	v7 =	vmul.f32 v17, v3  }
0x1ab: {  	v22 =	vmul.f32 v18, v1;
	v4 =	vadd.f32 v6, v4  }
0x1ac: {  	v23 =	vmul.f32 v19, v1;
	v5 =	vadd.f32 v7, v5  }
0x1ad: {  	v24 =	vmul.f32 v20, v0;
	v4 =	vadd.f32 v22, v4  }
0x1ae: {  	v25 =	vmul.f32 v21, v0;
	v5 =	vadd.f32 v23, v5  }
0x1af: {  	v4 =	vadd.f32 v24, v4  }
0x1b0: {  	v5 =	vadd.f32 v25, v5  }
0x1b1: {  	(xrf2) =	vadd.scan.msk.f32 $0xffff, v4  }
0x1b2: {  	(xrf2) =	vadd.scan.msk.f32 $0xffff, v5;
	_ =	sdelay $0x7  }
0x1b3: {  	s19 =	sand.u32 $0x7F8, s19  }
0x1b4: {  	s18 =	sor.u32 s18, s19;
	v4, _, _ =	vpop (xrf2)  }
0x1b5: {  	[tilespmem:s18+$0x14D20] =	vst.msk vm0, v4;
	v26, _, _ =	vpop (xrf2)  }
0x1b6: {  	[tilespmem:s18+$0x14FB0] =	vst.msk vm0, v26  }
0x1b7: {  	v4 =	vld [tilespmem:s17+$0x960]  }
0x1b8: {  	v27 =	vld [tilespmem:s17+$0xA960]  }
0x1b9: {  	v28 =	vld [tilespmem:s17+$0x970]  }
0x1ba: {  	v29 =	vld [tilespmem:s17+$0xA970]  }
0x1bb: {  	v30 =	vld [tilespmem:s17+$0x980]  }
0x1bc: {  	v31 =	vld [tilespmem:s17+$0xA980]  }
0x1bd: {  	v32 =	vld [tilespmem:s17+$0x990]  }
0x1be: {  	v33 =	vld [tilespmem:s17+$0xA990];
	v4 =	vmul.f32 v4, v2;
	v6 =	vmul.f32 v28, v3  }
0x1bf: {  	v5 =	vmul.f32 v27, v2;
	v7 =	vmul.f32 v29, v3  }
0x1c0: {  	v34 =	vmul.f32 v30, v1;
	v4 =	vadd.f32 v6, v4  }
0x1c1: {  	v35 =	vmul.f32 v31, v1;
	v5 =	vadd.f32 v7, v5  }
0x1c2: {  	v36 =	vmul.f32 v32, v0;
	v4 =	vadd.f32 v34, v4  }
0x1c3: {  	v37 =	vmul.f32 v33, v0;
	v5 =	vadd.f32 v35, v5  }
0x1c4: {  	v4 =	vadd.f32 v36, v4  }
0x1c5: {  	v5 =	vadd.f32 v37, v5  }
0x1c6: {  	(xrf2) =	vadd.scan.msk.f32 $0xffff, v4  }
0x1c7: {  	(xrf2) =	vadd.scan.msk.f32 $0xffff, v5;
	_ =	sdelay $0x8  }
0x1c8: {  	v4, _, _ =	vpop (xrf2)  }
0x1c9: {  	[tilespmem:s16+$0x14D31] =	vst.msk vm0, v4;
	v38, _, _ =	vpop (xrf2)  }
0x1ca: {  	[tilespmem:s16+$0x14FC1] =	vst.msk vm0, v38  }
0x1cb: {  	v4 =	vld [tilespmem:s17+$0x9A0]  }
0x1cc: {  	v39 =	vld [tilespmem:s17+$0xA9A0]  }
0x1cd: {  	v40 =	vld [tilespmem:s17+$0x9B0]  }
0x1ce: {  	v41 =	vld [tilespmem:s17+$0xA9B0]  }
0x1cf: {  	v42 =	vld [tilespmem:s17+$0x9C0]  }
0x1d0: {  	v43 =	vld [tilespmem:s17+$0xA9C0]  }
0x1d1: {  	v44 =	vld [tilespmem:s17+$0x9D0]  }
0x1d2: {  	v45 =	vld [tilespmem:s17+$0xA9D0];
	v4 =	vmul.f32 v4, v2;
	v6 =	vmul.f32 v40, v3  }
0x1d3: {  	v5 =	vmul.f32 v39, v2;
	v7 =	vmul.f32 v41, v3  }
0x1d4: {  	v46 =	vmul.f32 v42, v1;
	v4 =	vadd.f32 v6, v4  }
0x1d5: {  	v47 =	vmul.f32 v43, v1;
	v5 =	vadd.f32 v7, v5  }
0x1d6: {  	v48 =	vmul.f32 v44, v0;
	v4 =	vadd.f32 v46, v4  }
0x1d7: {  	v49 =	vmul.f32 v45, v0;
	v5 =	vadd.f32 v47, v5  }
0x1d8: {  	v4 =	vadd.f32 v48, v4  }
0x1d9: {  	v5 =	vadd.f32 v49, v5  }
0x1da: {  	(xrf2) =	vadd.scan.msk.f32 $0xffff, v4  }
0x1db: {  	(xrf2) =	vadd.scan.msk.f32 $0xffff, v5;
	_ =	sdelay $0x8  }
0x1dc: {  	v4, _, _ =	vpop (xrf2)  }
0x1dd: {  	[tilespmem:s16+$0x14D32] =	vst.msk vm0, v4;
	v50, _, _ =	vpop (xrf2)  }
0x1de: {  	[tilespmem:s16+$0x14FC2] =	vst.msk vm0, v50  }
0x1df: {  	v4 =	vld [tilespmem:s17+$0x9E0]  }
0x1e0: {  	v51 =	vld [tilespmem:s17+$0xA9E0]  }
0x1e1: {  	v52 =	vld [tilespmem:s17+$0x9F0]  }
0x1e2: {  	v53 =	vld [tilespmem:s17+$0xA9F0]  }
0x1e3: {  	v54 =	vld [tilespmem:s17+$0xA00]  }
0x1e4: {  	v55 =	vld [tilespmem:s17+$0xAA00]  }
0x1e5: {  	v56 =	vld [tilespmem:s17+$0xA10]  }
0x1e6: {  	v57 =	vld [tilespmem:s17+$0xAA10];
	v4 =	vmul.f32 v4, v2;
	v6 =	vmul.f32 v52, v3  }
0x1e7: {  	v2 =	vmul.f32 v51, v2;
	v3 =	vmul.f32 v53, v3  }
0x1e8: {  	v58 =	vmul.f32 v54, v1;
	v4 =	vadd.f32 v6, v4  }
0x1e9: {  	v1 =	vmul.f32 v55, v1;
	v2 =	vadd.f32 v3, v2  }
0x1ea: {  	v60 =	vmul.f32 v56, v0;
	v59 =	vadd.f32 v58, v4  }
0x1eb: {  	v0 =	vmul.f32 v57, v0;
	v1 =	vadd.f32 v1, v2  }
0x1ec: {  	v61 =	vadd.f32 v60, v59  }
0x1ed: {  	v0 =	vadd.f32 v0, v1  }
0x1ee: {  	(xrf2) =	vadd.scan.msk.f32 $0xffff, v61  }
0x1ef: {  	(xrf2) =	vadd.scan.msk.f32 $0xffff, v0;
	_ =	sdelay $0x5  }
0x1f0: {  	p0 =	sne.s32 s15, $0x1F  }
.Ltmp0:
0x1f1: {  	_ = 	snop;
	(pc) =	sbr.rel @p0 .LBB2_3-.Ltmp0, $4  }
0x1f2: {  	_ = 	snop  }
0x1f3: {  	v62, _, _ =	vpop (xrf2)  }
0x1f4: {  	[tilespmem:s16+$0x14D33] =	vst.msk vm0, v62;
	v63, _, _ =	vpop (xrf2)  }
0x1f5: {  	s15 =	sadd.s32 $0x1, s15;
	[tilespmem:s16+$0x14FC3] =	vst.msk vm0, v63  }
0x1f6: {  	v0 =	vld [tilespmem:$0x14D20];
	_ =	sdelay $0x4  }
0x1f7: {  	v0 =	vsub.f32 $0.0e+00, v0;
	_ =	sdelay $0x1  }
0x1f8: {  	v0 =	vmul.f32 $1.442695020e+00, v0;
	_ =	sdelay $0x1  }
0x1f9: {  	(erf) = vpow2.f32 v0;
	_ =	sdelay $0x5  }
0x1fa: {  	v58 =	vld [tilespmem:$0x14FB0];
	_ =	sdelay $0x2  }
0x1fb: {  	v1 =	vpop (erf)  }
0x1fc: {  	v1 =	vadd.f32 $1.000000000e+00, v1  }
0x1fd: {  	v0 =	vmul.f32 $1.442695020e+00, v58  }
0x1fe: {  	(erf) = vrcp.f32 v1  }
0x1ff: {  	(erf) = vpow2.f32 v0;
	_ =	sdelay $0x4  }
0x200: {  	v59 =	vld [tilespmem:$0x14D30];
	_ =	sdelay $0x2  }
0x201: {  	v1 =	vpop (erf)  }
0x202: {  	v60 =	vpop (erf)  }
0x203: {  	v0 =	vsub.f32 $0.0e+00, v59;
	[tilespmem:$0x1FF30] =	vst v1;
	v1 =	vadd.f32 $1.000000000e+00, v60;
	_ =	sdelay $0x1  }
0x204: {  	v0 =	vmul.f32 $1.442695020e+00, v0;
	(erf) = vrcp.f32 v1;
	_ =	sdelay $0x1  }
0x205: {  	(erf) = vpow2.f32 v0;
	_ =	sdelay $0x5  }
0x206: {  	v61 =	vld [tilespmem:$0x14FC0]  }
0x207: {  	v1 =	vpop (erf)  }
0x208: {  	[tilespmem:$0x1FF40] =	vst v1  }
0x209: {  	v1 =	vpop (erf)  }
0x20a: {  	v1 =	vadd.f32 $1.000000000e+00, v1  }
0x20b: {  	v0 =	vmul.f32 $1.442695020e+00, v61  }
0x20c: {  	(erf) = vrcp.f32 v1  }
0x20d: {  	(erf) = vpow2.f32 v0;
	_ =	sdelay $0x3  }
0x20e: {  	v62 =	vld [tilespmem:$0x14D40];
	_ =	sdelay $0x3  }
0x20f: {  	v1 =	vpop (erf)  }
0x210: {  	v0 =	vsub.f32 $0.0e+00, v62;
	v63 =	vpop (erf)  }
0x211: {  	[tilespmem:$0x1FF50] =	vst v1;
	v1 =	vadd.f32 $1.000000000e+00, v63  }
0x212: {  	v0 =	vmul.f32 $1.442695020e+00, v0  }
0x213: {  	(erf) = vrcp.f32 v1  }
0x214: {  	(erf) = vpow2.f32 v0;
	_ =	sdelay $0x5  }
0x215: {  	v4 =	vld [tilespmem:$0x14FD0];
	_ =	sdelay $0x1  }
0x216: {  	v1 =	vpop (erf)  }
0x217: {  	v5 =	vpop (erf)  }
0x218: {  	[tilespmem:$0x1FF60] =	vst v1;
	v1 =	vadd.f32 $1.000000000e+00, v5  }
0x219: {  	v0 =	vmul.f32 $1.442695020e+00, v4  }
0x21a: {  	(erf) = vrcp.f32 v1  }
0x21b: {  	(erf) = vpow2.f32 v0;
	_ =	sdelay $0x3  }
0x21c: {  	v6 =	vld [tilespmem:$0x14D50];
	_ =	sdelay $0x3  }
0x21d: {  	v1 =	vpop (erf)  }
0x21e: {  	v0 =	vsub.f32 $0.0e+00, v6;
	v7 =	vpop (erf)  }
0x21f: {  	[tilespmem:$0x1FF70] =	vst v1;
	v1 =	vadd.f32 $1.000000000e+00, v7  }
0x220: {  	v0 =	vmul.f32 $1.442695020e+00, v0  }
0x221: {  	(erf) = vrcp.f32 v1  }
0x222: {  	(erf) = vpow2.f32 v0;
	_ =	sdelay $0x5  }
0x223: {  	v8 =	vld [tilespmem:$0x14FE0];
	_ =	sdelay $0x1  }
0x224: {  	v1 =	vpop (erf)  }
0x225: {  	v9 =	vpop (erf)  }
0x226: {  	[tilespmem:$0x1FF80] =	vst v1;
	v1 =	vadd.f32 $1.000000000e+00, v9  }
0x227: {  	v0 =	vmul.f32 $1.442695020e+00, v8  }
0x228: {  	(erf) = vrcp.f32 v1  }
0x229: {  	(erf) = vpow2.f32 v0;
	_ =	sdelay $0x3  }
0x22a: {  	v10 =	vld [tilespmem:$0x14D60];
	_ =	sdelay $0x3  }
0x22b: {  	v1 =	vpop (erf)  }
0x22c: {  	v0 =	vsub.f32 $0.0e+00, v10;
	v11 =	vpop (erf)  }
0x22d: {  	[tilespmem:$0x1FF90] =	vst v1;
	v1 =	vadd.f32 $1.000000000e+00, v11  }
0x22e: {  	v0 =	vmul.f32 $1.442695020e+00, v0  }
0x22f: {  	(erf) = vrcp.f32 v1  }
0x230: {  	(erf) = vpow2.f32 v0;
	_ =	sdelay $0x5  }
0x231: {  	v12 =	vld [tilespmem:$0x14FF0];
	_ =	sdelay $0x1  }
0x232: {  	v1 =	vpop (erf)  }
0x233: {  	v13 =	vpop (erf)  }
0x234: {  	[tilespmem:$0x1FFA0] =	vst v1;
	v1 =	vadd.f32 $1.000000000e+00, v13  }
0x235: {  	v0 =	vmul.f32 $1.442695020e+00, v12  }
0x236: {  	(erf) = vrcp.f32 v1  }
0x237: {  	(erf) = vpow2.f32 v0;
	_ =	sdelay $0x3  }
0x238: {  	v14 =	vld [tilespmem:$0x14D70];
	_ =	sdelay $0x3  }
0x239: {  	v1 =	vpop (erf)  }
0x23a: {  	v0 =	vsub.f32 $0.0e+00, v14;
	v15 =	vpop (erf)  }
0x23b: {  	[tilespmem:$0x1FFB0] =	vst v1;
	v1 =	vadd.f32 $1.000000000e+00, v15  }
0x23c: {  	v0 =	vmul.f32 $1.442695020e+00, v0  }
0x23d: {  	(erf) = vrcp.f32 v1  }
0x23e: {  	(erf) = vpow2.f32 v0;
	_ =	sdelay $0x5  }
0x23f: {  	v16 =	vld [tilespmem:$0x15000];
	_ =	sdelay $0x1  }
0x240: {  	v1 =	vpop (erf)  }
0x241: {  	v17 =	vpop (erf)  }
0x242: {  	[tilespmem:$0x1FFC0] =	vst v1;
	v1 =	vadd.f32 $1.000000000e+00, v17  }
0x243: {  	v0 =	vmul.f32 $1.442695020e+00, v16  }
0x244: {  	(erf) = vrcp.f32 v1  }
0x245: {  	(erf) = vpow2.f32 v0;
	_ =	sdelay $0x3  }
0x246: {  	v18 =	vld [tilespmem:$0x14D80];
	_ =	sdelay $0x3  }
0x247: {  	v1 =	vpop (erf)  }
0x248: {  	v0 =	vsub.f32 $0.0e+00, v18;
	v19 =	vpop (erf)  }
0x249: {  	[tilespmem:$0x1FFD0] =	vst v1;
	v1 =	vadd.f32 $1.000000000e+00, v19  }
0x24a: {  	v0 =	vmul.f32 $1.442695020e+00, v0  }
0x24b: {  	(erf) = vrcp.f32 v1  }
0x24c: {  	(erf) = vpow2.f32 v0;
	_ =	sdelay $0x5  }
0x24d: {  	v20 =	vld [tilespmem:$0x15010];
	_ =	sdelay $0x1  }
0x24e: {  	v1 =	vpop (erf)  }
0x24f: {  	v21 =	vpop (erf)  }
0x250: {  	[tilespmem:$0x1FFE0] =	vst v1;
	v1 =	vadd.f32 $1.000000000e+00, v21  }
0x251: {  	v0 =	vmul.f32 $1.442695020e+00, v20  }
0x252: {  	(erf) = vrcp.f32 v1  }
0x253: {  	(erf) = vpow2.f32 v0;
	_ =	sdelay $0x3  }
0x254: {  	v22 =	vld [tilespmem:$0x14D90];
	_ =	sdelay $0x3  }
0x255: {  	v1 =	vpop (erf)  }
0x256: {  	v0 =	vsub.f32 $0.0e+00, v22;
	v23 =	vpop (erf)  }
0x257: {  	[tilespmem:$0x1FFF0] =	vst v1;
	v1 =	vadd.f32 $1.000000000e+00, v23  }
0x258: {  	v0 =	vmul.f32 $1.442695020e+00, v0  }
0x259: {  	(erf) = vrcp.f32 v1  }
0x25a: {  	(erf) = vpow2.f32 v0;
	_ =	sdelay $0x5  }
0x25b: {  	v24 =	vld [tilespmem:$0x15020];
	_ =	sdelay $0x1  }
0x25c: {  	v13 =	vpop (erf)  }
0x25d: {  	v25 =	vpop (erf)  }
0x25e: {  	v1 =	vadd.f32 $1.000000000e+00, v25  }
0x25f: {  	v0 =	vmul.f32 $1.442695020e+00, v24  }
0x260: {  	(erf) = vrcp.f32 v1  }
0x261: {  	(erf) = vpow2.f32 v0;
	_ =	sdelay $0x3  }
0x262: {  	v26 =	vld [tilespmem:$0x14DA0];
	_ =	sdelay $0x3  }
0x263: {  	v14 =	vpop (erf)  }
0x264: {  	v0 =	vsub.f32 $0.0e+00, v26;
	v27 =	vpop (erf)  }
0x265: {  	v1 =	vadd.f32 $1.000000000e+00, v27  }
0x266: {  	v0 =	vmul.f32 $1.442695020e+00, v0  }
0x267: {  	(erf) = vrcp.f32 v1  }
0x268: {  	(erf) = vpow2.f32 v0;
	_ =	sdelay $0x5  }
0x269: {  	v28 =	vld [tilespmem:$0x15030];
	_ =	sdelay $0x1  }
0x26a: {  	v15 =	vpop (erf)  }
0x26b: {  	v29 =	vpop (erf)  }
0x26c: {  	v1 =	vadd.f32 $1.000000000e+00, v29  }
0x26d: {  	v0 =	vmul.f32 $1.442695020e+00, v28  }
0x26e: {  	(erf) = vrcp.f32 v1  }
0x26f: {  	(erf) = vpow2.f32 v0;
	_ =	sdelay $0x3  }
0x270: {  	v30 =	vld [tilespmem:$0x14DB0];
	_ =	sdelay $0x3  }
0x271: {  	v16 =	vpop (erf)  }
0x272: {  	v0 =	vsub.f32 $0.0e+00, v30;
	v31 =	vpop (erf)  }
0x273: {  	v1 =	vadd.f32 $1.000000000e+00, v31  }
0x274: {  	v0 =	vmul.f32 $1.442695020e+00, v0  }
0x275: {  	(erf) = vrcp.f32 v1  }
0x276: {  	(erf) = vpow2.f32 v0;
	_ =	sdelay $0x5  }
0x277: {  	v32 =	vld [tilespmem:$0x15040];
	_ =	sdelay $0x1  }
0x278: {  	v17 =	vpop (erf)  }
0x279: {  	v33 =	vpop (erf)  }
0x27a: {  	v1 =	vadd.f32 $1.000000000e+00, v33  }
0x27b: {  	v0 =	vmul.f32 $1.442695020e+00, v32  }
0x27c: {  	(erf) = vrcp.f32 v1  }
0x27d: {  	(erf) = vpow2.f32 v0;
	_ =	sdelay $0x3  }
0x27e: {  	v34 =	vld [tilespmem:$0x14DC0];
	_ =	sdelay $0x3  }
0x27f: {  	v18 =	vpop (erf)  }
0x280: {  	v0 =	vsub.f32 $0.0e+00, v34;
	v35 =	vpop (erf)  }
0x281: {  	v1 =	vadd.f32 $1.000000000e+00, v35  }
0x282: {  	v0 =	vmul.f32 $1.442695020e+00, v0  }
0x283: {  	(erf) = vrcp.f32 v1  }
0x284: {  	(erf) = vpow2.f32 v0;
	_ =	sdelay $0x5  }
0x285: {  	v36 =	vld [tilespmem:$0x15050];
	_ =	sdelay $0x1  }
0x286: {  	v19 =	vpop (erf)  }
0x287: {  	v37 =	vpop (erf)  }
0x288: {  	v1 =	vadd.f32 $1.000000000e+00, v37  }
0x289: {  	v0 =	vmul.f32 $1.442695020e+00, v36  }
0x28a: {  	(erf) = vrcp.f32 v1  }
0x28b: {  	(erf) = vpow2.f32 v0;
	_ =	sdelay $0x3  }
0x28c: {  	v38 =	vld [tilespmem:$0x14DD0];
	_ =	sdelay $0x3  }
0x28d: {  	v20 =	vpop (erf)  }
0x28e: {  	v0 =	vsub.f32 $0.0e+00, v38;
	v39 =	vpop (erf)  }
0x28f: {  	v1 =	vadd.f32 $1.000000000e+00, v39  }
0x290: {  	v0 =	vmul.f32 $1.442695020e+00, v0  }
0x291: {  	(erf) = vrcp.f32 v1  }
0x292: {  	(erf) = vpow2.f32 v0;
	_ =	sdelay $0x5  }
0x293: {  	v40 =	vld [tilespmem:$0x15060];
	_ =	sdelay $0x1  }
0x294: {  	v21 =	vpop (erf)  }
0x295: {  	v41 =	vpop (erf)  }
0x296: {  	v1 =	vadd.f32 $1.000000000e+00, v41  }
0x297: {  	v0 =	vmul.f32 $1.442695020e+00, v40  }
0x298: {  	(erf) = vrcp.f32 v1  }
0x299: {  	(erf) = vpow2.f32 v0;
	_ =	sdelay $0x3  }
0x29a: {  	v42 =	vld [tilespmem:$0x14DE0];
	_ =	sdelay $0x3  }
0x29b: {  	v22 =	vpop (erf)  }
0x29c: {  	v0 =	vsub.f32 $0.0e+00, v42;
	v43 =	vpop (erf)  }
0x29d: {  	v1 =	vadd.f32 $1.000000000e+00, v43  }
0x29e: {  	v0 =	vmul.f32 $1.442695020e+00, v0  }
0x29f: {  	(erf) = vrcp.f32 v1  }
0x2a0: {  	(erf) = vpow2.f32 v0;
	_ =	sdelay $0x5  }
0x2a1: {  	v44 =	vld [tilespmem:$0x15070];
	_ =	sdelay $0x1  }
0x2a2: {  	v23 =	vpop (erf)  }
0x2a3: {  	v45 =	vpop (erf)  }
0x2a4: {  	v1 =	vadd.f32 $1.000000000e+00, v45  }
0x2a5: {  	v0 =	vmul.f32 $1.442695020e+00, v44  }
0x2a6: {  	(erf) = vrcp.f32 v1  }
0x2a7: {  	(erf) = vpow2.f32 v0;
	_ =	sdelay $0x3  }
0x2a8: {  	v46 =	vld [tilespmem:$0x14DF0];
	_ =	sdelay $0x3  }
0x2a9: {  	v24 =	vpop (erf)  }
0x2aa: {  	v0 =	vsub.f32 $0.0e+00, v46;
	v47 =	vpop (erf)  }
0x2ab: {  	v1 =	vadd.f32 $1.000000000e+00, v47  }
0x2ac: {  	v0 =	vmul.f32 $1.442695020e+00, v0  }
0x2ad: {  	(erf) = vrcp.f32 v1  }
0x2ae: {  	(erf) = vpow2.f32 v0;
	_ =	sdelay $0x5  }
0x2af: {  	v48 =	vld [tilespmem:$0x15080];
	_ =	sdelay $0x1  }
0x2b0: {  	v25 =	vpop (erf)  }
0x2b1: {  	v49 =	vpop (erf)  }
0x2b2: {  	v1 =	vadd.f32 $1.000000000e+00, v49  }
0x2b3: {  	v0 =	vmul.f32 $1.442695020e+00, v48  }
0x2b4: {  	(erf) = vrcp.f32 v1  }
0x2b5: {  	(erf) = vpow2.f32 v0;
	_ =	sdelay $0x3  }
0x2b6: {  	v50 =	vld [tilespmem:$0x14E00];
	_ =	sdelay $0x3  }
0x2b7: {  	v26 =	vpop (erf)  }
0x2b8: {  	v0 =	vsub.f32 $0.0e+00, v50;
	v51 =	vpop (erf)  }
0x2b9: {  	v1 =	vadd.f32 $1.000000000e+00, v51  }
0x2ba: {  	v0 =	vmul.f32 $1.442695020e+00, v0  }
0x2bb: {  	(erf) = vrcp.f32 v1  }
0x2bc: {  	(erf) = vpow2.f32 v0;
	_ =	sdelay $0x5  }
0x2bd: {  	v52 =	vld [tilespmem:$0x15090];
	_ =	sdelay $0x1  }
0x2be: {  	v27 =	vpop (erf)  }
0x2bf: {  	v53 =	vpop (erf)  }
0x2c0: {  	v1 =	vadd.f32 $1.000000000e+00, v53  }
0x2c1: {  	v0 =	vmul.f32 $1.442695020e+00, v52  }
0x2c2: {  	(erf) = vrcp.f32 v1  }
0x2c3: {  	(erf) = vpow2.f32 v0;
	_ =	sdelay $0x3  }
0x2c4: {  	v54 =	vld [tilespmem:$0x14E10];
	_ =	sdelay $0x3  }
0x2c5: {  	v28 =	vpop (erf)  }
0x2c6: {  	v0 =	vsub.f32 $0.0e+00, v54;
	v55 =	vpop (erf)  }
0x2c7: {  	v1 =	vadd.f32 $1.000000000e+00, v55  }
0x2c8: {  	v0 =	vmul.f32 $1.442695020e+00, v0  }
0x2c9: {  	(erf) = vrcp.f32 v1  }
0x2ca: {  	(erf) = vpow2.f32 v0;
	_ =	sdelay $0x5  }
0x2cb: {  	v56 =	vld [tilespmem:$0x150A0];
	_ =	sdelay $0x1  }
0x2cc: {  	v29 =	vpop (erf)  }
0x2cd: {  	v57 =	vpop (erf)  }
0x2ce: {  	v1 =	vadd.f32 $1.000000000e+00, v57  }
0x2cf: {  	v0 =	vmul.f32 $1.442695020e+00, v56  }
0x2d0: {  	(erf) = vrcp.f32 v1  }
0x2d1: {  	(erf) = vpow2.f32 v0;
	_ =	sdelay $0x3  }
0x2d2: {  	v58 =	vld [tilespmem:$0x14E20];
	_ =	sdelay $0x3  }
0x2d3: {  	v30 =	vpop (erf)  }
0x2d4: {  	v0 =	vsub.f32 $0.0e+00, v58;
	v59 =	vpop (erf)  }
0x2d5: {  	v1 =	vadd.f32 $1.000000000e+00, v59  }
0x2d6: {  	v0 =	vmul.f32 $1.442695020e+00, v0  }
0x2d7: {  	(erf) = vrcp.f32 v1  }
0x2d8: {  	(erf) = vpow2.f32 v0;
	_ =	sdelay $0x5  }
0x2d9: {  	v60 =	vld [tilespmem:$0x150B0];
	_ =	sdelay $0x1  }
0x2da: {  	v31 =	vpop (erf)  }
0x2db: {  	v61 =	vpop (erf)  }
0x2dc: {  	v1 =	vadd.f32 $1.000000000e+00, v61  }
0x2dd: {  	v0 =	vmul.f32 $1.442695020e+00, v60  }
0x2de: {  	(erf) = vrcp.f32 v1  }
0x2df: {  	(erf) = vpow2.f32 v0;
	_ =	sdelay $0x3  }
0x2e0: {  	v62 =	vld [tilespmem:$0x14E30];
	_ =	sdelay $0x3  }
0x2e1: {  	v32 =	vpop (erf)  }
0x2e2: {  	v0 =	vsub.f32 $0.0e+00, v62;
	v63 =	vpop (erf)  }
0x2e3: {  	v1 =	vadd.f32 $1.000000000e+00, v63  }
0x2e4: {  	v0 =	vmul.f32 $1.442695020e+00, v0  }
0x2e5: {  	(erf) = vrcp.f32 v1  }
0x2e6: {  	(erf) = vpow2.f32 v0;
	_ =	sdelay $0x5  }
0x2e7: {  	v4 =	vld [tilespmem:$0x150C0];
	_ =	sdelay $0x1  }
0x2e8: {  	v33 =	vpop (erf)  }
0x2e9: {  	v5 =	vpop (erf)  }
0x2ea: {  	v1 =	vadd.f32 $1.000000000e+00, v5  }
0x2eb: {  	v0 =	vmul.f32 $1.442695020e+00, v4  }
0x2ec: {  	(erf) = vrcp.f32 v1  }
0x2ed: {  	(erf) = vpow2.f32 v0;
	_ =	sdelay $0x3  }
0x2ee: {  	v6 =	vld [tilespmem:$0x14E40];
	_ =	sdelay $0x3  }
0x2ef: {  	v34 =	vpop (erf)  }
0x2f0: {  	v0 =	vsub.f32 $0.0e+00, v6;
	v7 =	vpop (erf)  }
0x2f1: {  	v1 =	vadd.f32 $1.000000000e+00, v7  }
0x2f2: {  	v0 =	vmul.f32 $1.442695020e+00, v0  }
0x2f3: {  	(erf) = vrcp.f32 v1  }
0x2f4: {  	(erf) = vpow2.f32 v0;
	_ =	sdelay $0x5  }
0x2f5: {  	v8 =	vld [tilespmem:$0x150D0];
	_ =	sdelay $0x1  }
0x2f6: {  	v35 =	vpop (erf)  }
0x2f7: {  	v9 =	vpop (erf)  }
0x2f8: {  	v1 =	vadd.f32 $1.000000000e+00, v9  }
0x2f9: {  	v0 =	vmul.f32 $1.442695020e+00, v8  }
0x2fa: {  	(erf) = vrcp.f32 v1  }
0x2fb: {  	(erf) = vpow2.f32 v0;
	_ =	sdelay $0x3  }
0x2fc: {  	v10 =	vld [tilespmem:$0x14E50];
	_ =	sdelay $0x3  }
0x2fd: {  	v36 =	vpop (erf)  }
0x2fe: {  	v0 =	vsub.f32 $0.0e+00, v10;
	v11 =	vpop (erf)  }
0x2ff: {  	v1 =	vadd.f32 $1.000000000e+00, v11  }
0x300: {  	v0 =	vmul.f32 $1.442695020e+00, v0  }
0x301: {  	(erf) = vrcp.f32 v1  }
0x302: {  	(erf) = vpow2.f32 v0;
	_ =	sdelay $0x5  }
0x303: {  	v12 =	vld [tilespmem:$0x150E0];
	_ =	sdelay $0x1  }
0x304: {  	v37 =	vpop (erf)  }
0x305: {  	v39 =	vpop (erf)  }
0x306: {  	v1 =	vadd.f32 $1.000000000e+00, v39  }
0x307: {  	v0 =	vmul.f32 $1.442695020e+00, v12  }
0x308: {  	(erf) = vrcp.f32 v1  }
0x309: {  	(erf) = vpow2.f32 v0;
	_ =	sdelay $0x3  }
0x30a: {  	v40 =	vld [tilespmem:$0x14E60];
	_ =	sdelay $0x3  }
0x30b: {  	v38 =	vpop (erf)  }
0x30c: {  	v0 =	vsub.f32 $0.0e+00, v40;
	v41 =	vpop (erf)  }
0x30d: {  	v1 =	vadd.f32 $1.000000000e+00, v41  }
0x30e: {  	v0 =	vmul.f32 $1.442695020e+00, v0  }
0x30f: {  	(erf) = vrcp.f32 v1  }
0x310: {  	(erf) = vpow2.f32 v0;
	_ =	sdelay $0x5  }
0x311: {  	v42 =	vld [tilespmem:$0x150F0];
	_ =	sdelay $0x1  }
0x312: {  	v39 =	vpop (erf)  }
0x313: {  	v43 =	vpop (erf)  }
0x314: {  	v1 =	vadd.f32 $1.000000000e+00, v43  }
0x315: {  	v0 =	vmul.f32 $1.442695020e+00, v42  }
0x316: {  	(erf) = vrcp.f32 v1  }
0x317: {  	(erf) = vpow2.f32 v0;
	_ =	sdelay $0x3  }
0x318: {  	v44 =	vld [tilespmem:$0x14E70];
	_ =	sdelay $0x3  }
0x319: {  	v40 =	vpop (erf)  }
0x31a: {  	v0 =	vsub.f32 $0.0e+00, v44;
	v45 =	vpop (erf)  }
0x31b: {  	v1 =	vadd.f32 $1.000000000e+00, v45  }
0x31c: {  	v0 =	vmul.f32 $1.442695020e+00, v0  }
0x31d: {  	(erf) = vrcp.f32 v1  }
0x31e: {  	(erf) = vpow2.f32 v0;
	_ =	sdelay $0x5  }
0x31f: {  	v46 =	vld [tilespmem:$0x15100];
	_ =	sdelay $0x1  }
0x320: {  	v41 =	vpop (erf)  }
0x321: {  	v47 =	vpop (erf)  }
0x322: {  	v1 =	vadd.f32 $1.000000000e+00, v47  }
0x323: {  	v0 =	vmul.f32 $1.442695020e+00, v46  }
0x324: {  	(erf) = vrcp.f32 v1  }
0x325: {  	(erf) = vpow2.f32 v0;
	_ =	sdelay $0x3  }
0x326: {  	v48 =	vld [tilespmem:$0x14E80];
	_ =	sdelay $0x3  }
0x327: {  	v42 =	vpop (erf)  }
0x328: {  	v0 =	vsub.f32 $0.0e+00, v48;
	v49 =	vpop (erf)  }
0x329: {  	v1 =	vadd.f32 $1.000000000e+00, v49  }
0x32a: {  	v0 =	vmul.f32 $1.442695020e+00, v0  }
0x32b: {  	(erf) = vrcp.f32 v1  }
0x32c: {  	(erf) = vpow2.f32 v0;
	_ =	sdelay $0x5  }
0x32d: {  	v50 =	vld [tilespmem:$0x15110];
	_ =	sdelay $0x1  }
0x32e: {  	v43 =	vpop (erf)  }
0x32f: {  	v51 =	vpop (erf)  }
0x330: {  	v1 =	vadd.f32 $1.000000000e+00, v51  }
0x331: {  	v0 =	vmul.f32 $1.442695020e+00, v50  }
0x332: {  	(erf) = vrcp.f32 v1  }
0x333: {  	(erf) = vpow2.f32 v0;
	_ =	sdelay $0x3  }
0x334: {  	v52 =	vld [tilespmem:$0x14E90];
	_ =	sdelay $0x3  }
0x335: {  	v44 =	vpop (erf)  }
0x336: {  	v0 =	vsub.f32 $0.0e+00, v52;
	v53 =	vpop (erf)  }
0x337: {  	v1 =	vadd.f32 $1.000000000e+00, v53  }
0x338: {  	v0 =	vmul.f32 $1.442695020e+00, v0  }
0x339: {  	(erf) = vrcp.f32 v1  }
0x33a: {  	(erf) = vpow2.f32 v0;
	_ =	sdelay $0x5  }
0x33b: {  	v54 =	vld [tilespmem:$0x15120];
	_ =	sdelay $0x1  }
0x33c: {  	v45 =	vpop (erf)  }
0x33d: {  	v55 =	vpop (erf)  }
0x33e: {  	v1 =	vadd.f32 $1.000000000e+00, v55  }
0x33f: {  	v0 =	vmul.f32 $1.442695020e+00, v54  }
0x340: {  	(erf) = vrcp.f32 v1  }
0x341: {  	(erf) = vpow2.f32 v0;
	_ =	sdelay $0x3  }
0x342: {  	v56 =	vld [tilespmem:$0x14EA0];
	_ =	sdelay $0x3  }
0x343: {  	v46 =	vpop (erf)  }
0x344: {  	v0 =	vsub.f32 $0.0e+00, v56;
	v57 =	vpop (erf)  }
0x345: {  	v1 =	vadd.f32 $1.000000000e+00, v57  }
0x346: {  	v0 =	vmul.f32 $1.442695020e+00, v0  }
0x347: {  	(erf) = vrcp.f32 v1  }
0x348: {  	(erf) = vpow2.f32 v0;
	_ =	sdelay $0x5  }
0x349: {  	v58 =	vld [tilespmem:$0x15130];
	_ =	sdelay $0x1  }
0x34a: {  	v47 =	vpop (erf)  }
0x34b: {  	v59 =	vpop (erf)  }
0x34c: {  	v1 =	vadd.f32 $1.000000000e+00, v59  }
0x34d: {  	v0 =	vmul.f32 $1.442695020e+00, v58  }
0x34e: {  	(erf) = vrcp.f32 v1  }
0x34f: {  	(erf) = vpow2.f32 v0;
	_ =	sdelay $0x3  }
0x350: {  	v60 =	vld [tilespmem:$0x14EB0];
	_ =	sdelay $0x3  }
0x351: {  	v48 =	vpop (erf)  }
0x352: {  	v0 =	vsub.f32 $0.0e+00, v60;
	v61 =	vpop (erf)  }
0x353: {  	v1 =	vadd.f32 $1.000000000e+00, v61  }
0x354: {  	v0 =	vmul.f32 $1.442695020e+00, v0  }
0x355: {  	(erf) = vrcp.f32 v1  }
0x356: {  	(erf) = vpow2.f32 v0;
	_ =	sdelay $0x5  }
0x357: {  	v62 =	vld [tilespmem:$0x15140];
	_ =	sdelay $0x1  }
0x358: {  	v49 =	vpop (erf)  }
0x359: {  	v63 =	vpop (erf)  }
0x35a: {  	v1 =	vadd.f32 $1.000000000e+00, v63  }
0x35b: {  	v0 =	vmul.f32 $1.442695020e+00, v62  }
0x35c: {  	(erf) = vrcp.f32 v1  }
0x35d: {  	(erf) = vpow2.f32 v0;
	_ =	sdelay $0x3  }
0x35e: {  	v4 =	vld [tilespmem:$0x14EC0];
	_ =	sdelay $0x3  }
0x35f: {  	v50 =	vpop (erf)  }
0x360: {  	v0 =	vsub.f32 $0.0e+00, v4;
	v5 =	vpop (erf)  }
0x361: {  	v1 =	vadd.f32 $1.000000000e+00, v5  }
0x362: {  	v0 =	vmul.f32 $1.442695020e+00, v0  }
0x363: {  	(erf) = vrcp.f32 v1  }
0x364: {  	(erf) = vpow2.f32 v0;
	_ =	sdelay $0x5  }
0x365: {  	v6 =	vld [tilespmem:$0x15150];
	_ =	sdelay $0x1  }
0x366: {  	v51 =	vpop (erf)  }
0x367: {  	v7 =	vpop (erf)  }
0x368: {  	v1 =	vadd.f32 $1.000000000e+00, v7  }
0x369: {  	v0 =	vmul.f32 $1.442695020e+00, v6  }
0x36a: {  	(erf) = vrcp.f32 v1  }
0x36b: {  	(erf) = vpow2.f32 v0;
	_ =	sdelay $0x3  }
0x36c: {  	v8 =	vld [tilespmem:$0x14ED0];
	_ =	sdelay $0x3  }
0x36d: {  	v52 =	vpop (erf)  }
0x36e: {  	v0 =	vsub.f32 $0.0e+00, v8;
	v9 =	vpop (erf)  }
0x36f: {  	v1 =	vadd.f32 $1.000000000e+00, v9  }
0x370: {  	v0 =	vmul.f32 $1.442695020e+00, v0  }
0x371: {  	(erf) = vrcp.f32 v1  }
0x372: {  	(erf) = vpow2.f32 v0;
	_ =	sdelay $0x5  }
0x373: {  	v10 =	vld [tilespmem:$0x15160];
	_ =	sdelay $0x1  }
0x374: {  	v53 =	vpop (erf)  }
0x375: {  	v11 =	vpop (erf)  }
0x376: {  	v1 =	vadd.f32 $1.000000000e+00, v11  }
0x377: {  	v0 =	vmul.f32 $1.442695020e+00, v10  }
0x378: {  	(erf) = vrcp.f32 v1  }
0x379: {  	(erf) = vpow2.f32 v0;
	_ =	sdelay $0x3  }
0x37a: {  	v12 =	vld [tilespmem:$0x14EE0];
	_ =	sdelay $0x3  }
0x37b: {  	v54 =	vpop (erf)  }
0x37c: {  	v0 =	vsub.f32 $0.0e+00, v12;
	v57 =	vpop (erf)  }
0x37d: {  	v1 =	vadd.f32 $1.000000000e+00, v57  }
0x37e: {  	v0 =	vmul.f32 $1.442695020e+00, v0  }
0x37f: {  	(erf) = vrcp.f32 v1  }
0x380: {  	(erf) = vpow2.f32 v0;
	_ =	sdelay $0x5  }
0x381: {  	v58 =	vld [tilespmem:$0x15170];
	_ =	sdelay $0x1  }
0x382: {  	v55 =	vpop (erf)  }
0x383: {  	v59 =	vpop (erf)  }
0x384: {  	v1 =	vadd.f32 $1.000000000e+00, v59  }
0x385: {  	v0 =	vmul.f32 $1.442695020e+00, v58  }
0x386: {  	(erf) = vrcp.f32 v1  }
0x387: {  	(erf) = vpow2.f32 v0;
	_ =	sdelay $0x3  }
0x388: {  	v60 =	vld [tilespmem:$0x14EF0];
	_ =	sdelay $0x3  }
0x389: {  	v56 =	vpop (erf)  }
0x38a: {  	v0 =	vsub.f32 $0.0e+00, v60;
	v61 =	vpop (erf)  }
0x38b: {  	v1 =	vadd.f32 $1.000000000e+00, v61  }
0x38c: {  	v0 =	vmul.f32 $1.442695020e+00, v0  }
0x38d: {  	(erf) = vrcp.f32 v1  }
0x38e: {  	(erf) = vpow2.f32 v0;
	_ =	sdelay $0x5  }
0x38f: {  	v62 =	vld [tilespmem:$0x15180];
	_ =	sdelay $0x1  }
0x390: {  	v57 =	vpop (erf)  }
0x391: {  	v63 =	vpop (erf)  }
0x392: {  	v1 =	vadd.f32 $1.000000000e+00, v63  }
0x393: {  	v0 =	vmul.f32 $1.442695020e+00, v62  }
0x394: {  	(erf) = vrcp.f32 v1  }
0x395: {  	(erf) = vpow2.f32 v0;
	_ =	sdelay $0x3  }
0x396: {  	v4 =	vld [tilespmem:$0x14F00];
	_ =	sdelay $0x3  }
0x397: {  	v58 =	vpop (erf)  }
0x398: {  	v0 =	vsub.f32 $0.0e+00, v4;
	v5 =	vpop (erf)  }
0x399: {  	v1 =	vadd.f32 $1.000000000e+00, v5  }
0x39a: {  	v0 =	vmul.f32 $1.442695020e+00, v0  }
0x39b: {  	(erf) = vrcp.f32 v1  }
0x39c: {  	(erf) = vpow2.f32 v0;
	_ =	sdelay $0x5  }
0x39d: {  	v6 =	vld [tilespmem:$0x15190];
	_ =	sdelay $0x1  }
0x39e: {  	v59 =	vpop (erf)  }
0x39f: {  	v7 =	vpop (erf)  }
0x3a0: {  	v1 =	vadd.f32 $1.000000000e+00, v7  }
0x3a1: {  	v0 =	vmul.f32 $1.442695020e+00, v6  }
0x3a2: {  	(erf) = vrcp.f32 v1  }
0x3a3: {  	(erf) = vpow2.f32 v0;
	_ =	sdelay $0x3  }
0x3a4: {  	v8 =	vld [tilespmem:$0x14F10];
	_ =	sdelay $0x3  }
0x3a5: {  	v60 =	vpop (erf)  }
0x3a6: {  	v0 =	vsub.f32 $0.0e+00, v8;
	v9 =	vpop (erf)  }
0x3a7: {  	v1 =	vadd.f32 $1.000000000e+00, v9  }
0x3a8: {  	v0 =	vmul.f32 $1.442695020e+00, v0  }
0x3a9: {  	(erf) = vrcp.f32 v1  }
0x3aa: {  	(erf) = vpow2.f32 v0;
	_ =	sdelay $0x5  }
0x3ab: {  	v10 =	vld [tilespmem:$0x151A0];
	_ =	sdelay $0x1  }
0x3ac: {  	v61 =	vpop (erf)  }
0x3ad: {  	v11 =	vpop (erf)  }
0x3ae: {  	v1 =	vadd.f32 $1.000000000e+00, v11  }
0x3af: {  	v0 =	vmul.f32 $1.442695020e+00, v10  }
0x3b0: {  	(erf) = vrcp.f32 v1  }
0x3b1: {  	(erf) = vpow2.f32 v0;
	_ =	sdelay $0x3  }
0x3b2: {  	v12 =	vld [tilespmem:$0x14F20];
	_ =	sdelay $0x3  }
0x3b3: {  	v62 =	vpop (erf)  }
0x3b4: {  	v0 =	vsub.f32 $0.0e+00, v12;
	v4 =	vpop (erf)  }
0x3b5: {  	v1 =	vadd.f32 $1.000000000e+00, v4  }
0x3b6: {  	v0 =	vmul.f32 $1.442695020e+00, v0  }
0x3b7: {  	(erf) = vrcp.f32 v1  }
0x3b8: {  	(erf) = vpow2.f32 v0;
	_ =	sdelay $0x5  }
0x3b9: {  	v5 =	vld [tilespmem:$0x151B0];
	_ =	sdelay $0x1  }
0x3ba: {  	v63 =	vpop (erf)  }
0x3bb: {  	v6 =	vpop (erf)  }
0x3bc: {  	v1 =	vadd.f32 $1.000000000e+00, v6  }
0x3bd: {  	v0 =	vmul.f32 $1.442695020e+00, v5  }
0x3be: {  	(erf) = vrcp.f32 v1  }
0x3bf: {  	(erf) = vpow2.f32 v0;
	_ =	sdelay $0x3  }
0x3c0: {  	v7 =	vld [tilespmem:$0x14F30];
	_ =	sdelay $0x3  }
0x3c1: {  	v11 =	vpop (erf)  }
0x3c2: {  	v0 =	vsub.f32 $0.0e+00, v7;
	v10 =	vpop (erf)  }
0x3c3: {  	v1 =	vadd.f32 $1.000000000e+00, v10  }
0x3c4: {  	v0 =	vmul.f32 $1.442695020e+00, v0  }
0x3c5: {  	(erf) = vrcp.f32 v1  }
0x3c6: {  	(erf) = vpow2.f32 v0;
	_ =	sdelay $0x5  }
0x3c7: {  	v12 =	vld [tilespmem:$0x151C0];
	_ =	sdelay $0x1  }
0x3c8: {  	v6 =	vpop (erf)  }
0x3c9: {  	v7 =	vpop (erf)  }
0x3ca: {  	v1 =	vadd.f32 $1.000000000e+00, v7  }
0x3cb: {  	v0 =	vmul.f32 $1.442695020e+00, v12  }
0x3cc: {  	(erf) = vrcp.f32 v1  }
0x3cd: {  	(erf) = vpow2.f32 v0;
	_ =	sdelay $0x3  }
0x3ce: {  	v8 =	vld [tilespmem:$0x14F40];
	_ =	sdelay $0x3  }
0x3cf: {  	v5 =	vpop (erf)  }
0x3d0: {  	v0 =	vsub.f32 $0.0e+00, v8;
	v9 =	vpop (erf)  }
0x3d1: {  	v1 =	vadd.f32 $1.000000000e+00, v9  }
0x3d2: {  	v0 =	vmul.f32 $1.442695020e+00, v0  }
0x3d3: {  	(erf) = vrcp.f32 v1  }
0x3d4: {  	(erf) = vpow2.f32 v0;
	_ =	sdelay $0x5  }
0x3d5: {  	v10 =	vld [tilespmem:$0x151D0];
	_ =	sdelay $0x1  }
0x3d6: {  	v4 =	vpop (erf)  }
0x3d7: {  	v12 =	vpop (erf)  }
0x3d8: {  	v1 =	vadd.f32 $1.000000000e+00, v12  }
0x3d9: {  	v0 =	vmul.f32 $1.442695020e+00, v10  }
0x3da: {  	(erf) = vrcp.f32 v1  }
0x3db: {  	(erf) = vpow2.f32 v0;
	_ =	sdelay $0x3  }
0x3dc: {  	v7 =	vld [tilespmem:$0x14F50];
	_ =	sdelay $0x3  }
0x3dd: {  	v3 =	vpop (erf)  }
0x3de: {  	v0 =	vsub.f32 $0.0e+00, v7;
	v8 =	vpop (erf)  }
0x3df: {  	v1 =	vadd.f32 $1.000000000e+00, v8  }
0x3e0: {  	v0 =	vmul.f32 $1.442695020e+00, v0  }
0x3e1: {  	(erf) = vrcp.f32 v1  }
0x3e2: {  	(erf) = vpow2.f32 v0;
	_ =	sdelay $0x5  }
0x3e3: {  	v9 =	vld [tilespmem:$0x151E0];
	_ =	sdelay $0x1  }
0x3e4: {  	v2 =	vpop (erf)  }
0x3e5: {  	v7 =	vpop (erf)  }
0x3e6: {  	v7 =	vadd.f32 $1.000000000e+00, v7  }
0x3e7: {  	v0 =	vmul.f32 $1.442695020e+00, v9  }
0x3e8: {  	(erf) = vrcp.f32 v7  }
0x3e9: {  	(erf) = vpow2.f32 v0;
	_ =	sdelay $0x3  }
0x3ea: {  	v10 =	vld [tilespmem:$0x14F60];
	_ =	sdelay $0x3  }
0x3eb: {  	v12 =	vld [tilespmem:$0x151F0];
	v1 =	vpop (erf)  }
0x3ec: {  	v7 =	vsub.f32 $0.0e+00, v10;
	v8 =	vpop (erf)  }
0x3ed: {  	v8 =	vadd.f32 $1.000000000e+00, v8  }
0x3ee: {  	v7 =	vmul.f32 $1.442695020e+00, v7  }
0x3ef: {  	(erf) = vrcp.f32 v8  }
0x3f0: {  	(erf) = vpow2.f32 v7;
	v7 =	vmul.f32 $1.442695020e+00, v12;
	v12 =	vld [tilespmem:$0x1FF40];
	_ =	sdelay $0x4  }
0x3f1: {  	[tilespmem:$0x14FB0] =	vst v12;
	v12 =	vld [tilespmem:$0x1FF50];
	_ =	sdelay $0x2  }
0x3f2: {  	v8 =	vpop (erf)  }
0x3f3: {  	v9 =	vpop (erf)  }
0x3f4: {  	v9 =	vadd.f32 $1.000000000e+00, v9;
	[tilespmem:$0x14D30] =	vst v12;
	v12 =	vld [tilespmem:$0x1FF60];
	_ =	sdelay $0x1  }
0x3f5: {  	(erf) = vrcp.f32 v9  }
0x3f6: {  	(erf) = vpow2.f32 v7;
	_ =	sdelay $0x1  }
0x3f7: {  	[tilespmem:$0x14FC0] =	vst v12;
	v12 =	vld [tilespmem:$0x1FF70];
	_ =	sdelay $0x1  }
0x3f8: {  	v0 =	vld [tilespmem:$0x14F70];
	_ =	sdelay $0x2  }
0x3f9: {  	[tilespmem:$0x14D40] =	vst v12;
	v12 =	vld [tilespmem:$0x1FF80]  }
0x3fa: {  	v9 =	vpop (erf)  }
0x3fb: {  	v7 =	vsub.f32 $0.0e+00, v0;
	v10 =	vpop (erf)  }
0x3fc: {  	v10 =	vadd.f32 $1.000000000e+00, v10  }
0x3fd: {  	v7 =	vmul.f32 $1.442695020e+00, v7  }
0x3fe: {  	(erf) = vrcp.f32 v10;
	[tilespmem:$0x14FD0] =	vst v12;
	v12 =	vld [tilespmem:$0x1FF90]  }
0x3ff: {  	(erf) = vpow2.f32 v7;
	_ =	sdelay $0x2  }
0x400: {  	v10 =	vld [tilespmem:$0x1FF30]  }
0x401: {  	[tilespmem:$0x14D50] =	vst v12;
	v12 =	vld [tilespmem:$0x1FFB0];
	_ =	sdelay $0x1  }
0x402: {  	v7 =	vld [tilespmem:$0x15200];
	_ =	sdelay $0x1  }
0x403: {  	[tilespmem:$0x14D20] =	vst v10;
	v10 =	vpop (erf)  }
0x404: {  	v0 =	vpop (erf);
	[tilespmem:$0x14D60] =	vst v12;
	v12 =	vld [tilespmem:$0x1FFD0]  }
0x405: {  	v0 =	vadd.f32 $1.000000000e+00, v0  }
0x406: {  	v7 =	vmul.f32 $1.442695020e+00, v7  }
0x407: {  	(erf) = vrcp.f32 v0  }
0x408: {  	(erf) = vpow2.f32 v7;
	v7 =	vld [tilespmem:$0x1FFA0]  }
0x409: {  	[tilespmem:$0x14D70] =	vst v12;
	v12 =	vld [tilespmem:$0x1FFE0];
	_ =	sdelay $0x2  }
0x40a: {  	v0 =	vld [tilespmem:$0x14F80]  }
0x40b: {  	[tilespmem:$0x14FE0] =	vst v7;
	v7 =	vld [tilespmem:$0x1FFC0]  }
0x40c: {  	[tilespmem:$0x15000] =	vst v12;
	v12 =	vld [tilespmem:$0x1FFF0];
	_ =	sdelay $0x1  }
0x40d: {  	[tilespmem:$0x15010] =	vst v13  }
0x40e: {  	[tilespmem:$0x14D90] =	vst v14  }
0x40f: {  	[tilespmem:$0x14FF0] =	vst v7;
	v7 =	vpop (erf)  }
0x410: {  	v0 =	vsub.f32 $0.0e+00, v0;
	[tilespmem:$0x14D80] =	vst v12;
	v12 =	vpop (erf)  }
0x411: {  	[tilespmem:$0x15020] =	vst v15;
	v12 =	vadd.f32 $1.000000000e+00, v12  }
0x412: {  	[tilespmem:$0x14DA0] =	vst v16;
	v0 =	vmul.f32 $1.442695020e+00, v0  }
0x413: {  	[tilespmem:$0x15030] =	vst v17;
	(erf) = vrcp.f32 v12  }
0x414: {  	[tilespmem:$0x14DB0] =	vst v18;
	(erf) = vpow2.f32 v0  }
0x415: {  	[tilespmem:$0x15040] =	vst v19  }
0x416: {  	[tilespmem:$0x14DC0] =	vst v20  }
0x417: {  	[tilespmem:$0x15050] =	vst v21  }
0x418: {  	[tilespmem:$0x14DD0] =	vst v22  }
0x419: {  	[tilespmem:$0x15060] =	vst v23  }
0x41a: {  	[tilespmem:$0x14DE0] =	vst v24;
	v24 =	vld [tilespmem:$0x15210]  }
0x41b: {  	[tilespmem:$0x15070] =	vst v25  }
0x41c: {  	[tilespmem:$0x14DF0] =	vst v26;
	v12 =	vpop (erf)  }
0x41d: {  	[tilespmem:$0x15080] =	vst v27;
	v27 =	vpop (erf)  }
0x41e: {  	[tilespmem:$0x14E00] =	vst v28;
	v13 =	vadd.f32 $1.000000000e+00, v27  }
0x41f: {  	[tilespmem:$0x15090] =	vst v29;
	v0 =	vmul.f32 $1.442695020e+00, v24  }
0x420: {  	[tilespmem:$0x14E10] =	vst v30;
	(erf) = vrcp.f32 v13  }
0x421: {  	[tilespmem:$0x150A0] =	vst v31;
	(erf) = vpow2.f32 v0  }
0x422: {  	[tilespmem:$0x14E20] =	vst v32  }
0x423: {  	[tilespmem:$0x150B0] =	vst v33  }
0x424: {  	[tilespmem:$0x14E30] =	vst v34  }
0x425: {  	[tilespmem:$0x150C0] =	vst v35;
	v35 =	vld [tilespmem:$0x14F90]  }
0x426: {  	[tilespmem:$0x14E40] =	vst v36  }
0x427: {  	[tilespmem:$0x150D0] =	vst v37  }
0x428: {  	[tilespmem:$0x14E50] =	vst v38  }
0x429: {  	[tilespmem:$0x150E0] =	vst v39;
	v13 =	vpop (erf)  }
0x42a: {  	[tilespmem:$0x14E60] =	vst v40;
	v0 =	vsub.f32 $0.0e+00, v35;
	v40 =	vpop (erf)  }
0x42b: {  	[tilespmem:$0x150F0] =	vst v41;
	v14 =	vadd.f32 $1.000000000e+00, v40  }
0x42c: {  	[tilespmem:$0x14E70] =	vst v42;
	v0 =	vmul.f32 $1.442695020e+00, v0  }
0x42d: {  	[tilespmem:$0x15100] =	vst v43;
	(erf) = vrcp.f32 v14  }
0x42e: {  	[tilespmem:$0x14E80] =	vst v44;
	(erf) = vpow2.f32 v0  }
0x42f: {  	[tilespmem:$0x15110] =	vst v45  }
0x430: {  	[tilespmem:$0x14E90] =	vst v46  }
0x431: {  	[tilespmem:$0x15120] =	vst v47  }
0x432: {  	[tilespmem:$0x14EA0] =	vst v48  }
0x433: {  	[tilespmem:$0x15130] =	vst v49  }
0x434: {  	[tilespmem:$0x14EB0] =	vst v50;
	v50 =	vld [tilespmem:$0x15220]  }
0x435: {  	[tilespmem:$0x15140] =	vst v51  }
0x436: {  	[tilespmem:$0x14EC0] =	vst v52;
	v14 =	vpop (erf)  }
0x437: {  	[tilespmem:$0x15150] =	vst v53;
	v53 =	vpop (erf)  }
0x438: {  	[tilespmem:$0x14ED0] =	vst v54;
	v15 =	vadd.f32 $1.000000000e+00, v53  }
0x439: {  	[tilespmem:$0x15160] =	vst v55;
	v0 =	vmul.f32 $1.442695020e+00, v50  }
0x43a: {  	[tilespmem:$0x14EE0] =	vst v56;
	(erf) = vrcp.f32 v15  }
0x43b: {  	[tilespmem:$0x15170] =	vst v57;
	(erf) = vpow2.f32 v0  }
0x43c: {  	[tilespmem:$0x14EF0] =	vst v58  }
0x43d: {  	[tilespmem:$0x15180] =	vst v59  }
0x43e: {  	[tilespmem:$0x14F00] =	vst v60  }
0x43f: {  	[tilespmem:$0x15190] =	vst v61  }
0x440: {  	[tilespmem:$0x14F10] =	vst v62  }
0x441: {  	[tilespmem:$0x151A0] =	vst v63  }
0x442: {  	[tilespmem:$0x14F20] =	vst v11  }
0x443: {  	[tilespmem:$0x151B0] =	vst v6;
	v60 =	vpop (erf)  }
0x444: {  	[tilespmem:$0x14F30] =	vst v5;
	v61 =	vpop (erf)  }
0x445: {  	[tilespmem:$0x151C0] =	vst v4;
	v62 =	vadd.f32 $1.000000000e+00, v61  }
0x446: {  	[tilespmem:$0x14F40] =	vst v3  }
0x447: {  	[tilespmem:$0x151D0] =	vst v2;
	(erf) = vrcp.f32 v62  }
0x448: {  	[tilespmem:$0x14F50] =	vst v1  }
0x449: {  	[tilespmem:$0x151E0] =	vst v8  }
0x44a: {  	[tilespmem:$0x14F60] =	vst v9  }
0x44b: {  	[tilespmem:$0x151F0] =	vst v10  }
0x44c: {  	[tilespmem:$0x14F70] =	vst v7  }
0x44d: {  	[tilespmem:$0x15200] =	vst v12  }
0x44e: {  	[tilespmem:$0x14F80] =	vst v13  }
0x44f: {  	[tilespmem:$0x15210] =	vst v14  }
0x450: {  	s15 =	rddreg [dreg:$0x4];
	[tilespmem:$0x14F90] =	vst v60;
	v63 =	vpop (erf)  }
0x451: {  	s15 =	sadd.s32 s15, s5;
	[tilespmem:$0x15220] =	vst v63  }
0x452: {  	[hbm4b:s15+s6] =	stream.linear.scatter [tilespmem:s2], [sflag:$0x2], $0x280, $0x38;
	[tilespmem:$0x15240] =	vst v63  }
0x453: {  	_ =	swait.ge [sflag:s11], $0x280  }
0x454: {  	[sflag:s11] =	ssyncset.done $0x0  }
0x455: {  	s4 =	sadd.s32 $0x1, s4;
	[sflag:s11] =	ssyncadd.s32 $0xFFFFFD80  }
0x456: {  	p0 =	sne.s32 s4, $0x10;
	s19 =	rddreg [dreg:$0x5]  }
.Ltmp1:
0x457: {  	s20 =	sadd.s32 s19, s5;
	(pc) =	sbr.rel @p0 .LBB2_2-.Ltmp1, $4  }
0x458: {  	[hbm4b:s20+s6] =	stream.linear.scatter [tilespmem:s3], [sflag:$0x2], $0x280, $0x38;
	[tilespmem:$0x15240] =	vst v63  }
0x459: {  	_ =	swait.ge [sflag:s11], $0x280  }
0x45a: {  	[sflag:s11] =	ssyncset.done $0x0  }
0x45b: {  	[sflag:s11] =	ssyncadd.s32 $0xFFFFFD80  }
0x45c: {  	s5 =	rddreg [dreg:$0x8]  }
0x45d: {  	s4 =	rddreg [dreg:$0x7];
	s5 =	sadd.s32 $0x1, s5  }
0x45e: {  	p0 =	sne.s32 s5, s4  }
.Ltmp2:
0x45f: {  	_ = 	snop;
	(pc) =	sbr.rel @p0 .LBB2_1-.Ltmp2, $1  }
0x460: {  	_ =	sdelay $0x3  }
0x461: {  	_ =	sfence.sel $0x180000  }
0x462: {  	[bflag:$0x0] =	sbarrier.arrive $0xFFFF  }
0x463: {  	_ =	strace $0x90000047  }
0x464: {  	s0 =	stileid.u32;
	[bflag:$0x2] =	sbarrier.arrive $0xFFFF  }
0x465: {  	p0 =	sne.s32 s0, $0x0;
	s0 =	rddreg [dreg:$0x6]  }
0x466: {  	s0 =	sadd.s32 @!p0 $0x100000, s0  }
0x467: {  	[sflag:s0] =	ssyncadd.tile.s32 @!p0 $0x1;
	_ =	shalt  }
.Lfunc_end2:
_tile_overlayer_lowered:
.L_overlay_start_2:
0x468: {  	(tag) =	ssettag $0x2  }
0x469: {  	s0 =	rddreg [dreg:$0x0];
	s2 =	stileid.u32  }
0x46a: {  	s1 =	rddreg [dreg:$0x1];
	p0 =	sne.s32 s2, $0x0  }
0x46b: {  	s3 =	rddreg [dreg:$0x2];
	[bflag:$0x3] =	sbarrier.arrive $0xFFFF;
	s2 =	simm.s32 @!p0 $0x1C02  }
0x46c: {  	[timem:s3], [sflag:s2] =	dma.local @!p0 [hbm:s0], s1  }
0x46d: {  	s0 =	simm.s32 @!p0 $0x2  }
0x46e: {  	_ =	swait.ge @!p0 [sflag:s0], s1  }
0x46f: {  	s1 =	ssub.s32 @!p0 $0x0, s1;
	[sflag:s0] =	ssyncset.done @!p0 $0x0  }
0x470: {  	[sflag:s0] =	ssyncadd.s32 @!p0 s1  }
0x471: {  	[bflag:$0x3] =	sbarrier.arrive $0xFFFF  }
0x472: {  	_ =	shalt  }

</sc_bundles>
